<compile_context>
chip_gen: v7x
topology: tpu7x:2x2x1
jax: 0.10.2.dev20260603
libtpu: 0.0.44.dev20260713+nightly
codegen_flags: <defaults>
</compile_context>

<pallas_src>
import jax
import jax.numpy as jnp
from jax import lax
from jax.experimental import pallas as pl
from jax.experimental.pallas import tpu as pltpu
from jax.experimental.pallas import tpu_sc as plsc

_D = 128
_SEQ = 200
_B = 1024
_NW = 32
_BPW = _B // _NW
_CH = _SEQ // 2
_NCHUNK = _BPW * 2
_NVEC = _D // 16


def _accum(rows_ref, init_vecs):
  def body(r, vecs):
    return tuple(vecs[c] + rows_ref[r, pl.ds(c * 16, 16)]
                 for c in range(_NVEC))
  return lax.fori_loop(0, _CH, body, init_vecs, unroll=4)


_NBUF = 4


def _pool_body(xt_hbm, table_hbm, out_hbm, idx_v, r0, r1, r2, r3, acc_v,
               s0, s1, s2, s3):
  rows = (r0, r1, r2, r3)
  sems = (s0, s1, s2, s3)
  wid = lax.axis_index("s") * 2 + lax.axis_index("c")
  pltpu.sync_copy(xt_hbm.at[pl.ds(wid * _BPW, _BPW)], idx_v)

  def idx_of(j, k):
    return idx_v.at[j // 2, k % 2]

  for k in range(_NBUF - 1):
    pltpu.async_copy(table_hbm.at[idx_of(k, k)], rows[k], sems[k])

  zeros = tuple(jnp.zeros((16,), jnp.float32) for _ in range(_NVEC))

  def ring_step(g, n_issue):
    vecs = zeros
    for k in range(_NBUF):
      j = _NBUF * g + k
      if k < n_issue:
        nb = (k + _NBUF - 1) % _NBUF
        pltpu.async_copy(table_hbm.at[idx_of(j + _NBUF - 1, k + _NBUF - 1)],
                         rows[nb], sems[nb])
      pltpu.make_async_copy(table_hbm.at[idx_of(j, k)], rows[k],
                            sems[k]).wait()
      vecs = _accum(rows[k], vecs)
      if k % 2 == 1:
        for c in range(_NVEC):
          acc_v[(_NBUF // 2) * g + k // 2, pl.ds(c * 16, 16)] = vecs[c]
        vecs = zeros

  def body(g, carry):
    ring_step(g, n_issue=_NBUF)
    return carry

  n_full = (_NCHUNK - (_NBUF - 1)) // _NBUF
  lax.fori_loop(0, n_full, body, 0)
  ring_step(n_full, n_issue=_NCHUNK - (_NBUF - 1) - _NBUF * n_full)
  pltpu.sync_copy(acc_v, out_hbm.at[pl.ds(wid * _BPW, _BPW)])


def _fc_body(p_ref, w_ref, b_ref, o_ref):
  o_ref[...] = (
      lax.dot_general(p_ref[...], w_ref[...], (((1,), (1,)), ((), ())),
                      preferred_element_type=jnp.float32) * (1.0 / _SEQ)
      + b_ref[...])


@jax.jit
def kernel(x, table, W, b):
  xt = jnp.transpose(x.reshape(2, _CH, _B), (2, 0, 1))
  pooled = pl.kernel(
      _pool_body,
      out_type=jax.ShapeDtypeStruct((_B, _D), jnp.float32),
      mesh=plsc.VectorSubcoreMesh(core_axis_name="c", subcore_axis_name="s"),
      scratch_types=(
          [pltpu.VMEM((_BPW, 2, _CH), jnp.int32)]
          + [pltpu.VMEM((_CH, _D), jnp.float32) for _ in range(_NBUF)]
          + [pltpu.VMEM((_BPW, _D), jnp.float32)]
          + [pltpu.SemaphoreType.DMA for _ in range(_NBUF)]
      ),
  )(xt, table)
  return pl.pallas_call(
      _fc_body,
      out_shape=jax.ShapeDtypeStruct((_B, _D), jnp.float32),
  )(pooled, W, b.reshape(1, _D))

# --- scband reference (transcript-rebuilt; emitter-appended) ---
"""Pipeline reference for scband-fast-text-80917183857330 (READ-ONLY COPY).

The authoritative reference and input builder live on the scoring server;
editing this copy changes nothing except your own understanding.
"""

import jax, jax.numpy as jnp
import numpy as np

VOCAB = 100000
EMBED_DIM = 128
OUTPUT_DIM = 128
SEQ_LEN = 200
BATCH = 1024


def setup_inputs(seed: int = 0) -> dict:
    key = jax.random.key(seed)
    k1, k2, k3 = jax.random.split(key, 3)
    x = jax.random.randint(k1, (SEQ_LEN, BATCH), 0, VOCAB, dtype=jnp.int32)
    table = jax.random.normal(k2, (VOCAB, EMBED_DIM), dtype=jnp.float32) * 0.02
    W = jax.random.normal(k3, (OUTPUT_DIM, EMBED_DIM), dtype=jnp.float32) * (1.0 / np.sqrt(EMBED_DIM))
    b = jnp.zeros((OUTPUT_DIM,), dtype=jnp.float32)
    return {"x": x, "table": table, "W": W, "b": b}


def reference(x, table, W, b):
    # embedding lookup: [seq_len, batch] -> [seq_len, batch, embed_dim]
    embedded = jnp.take(table, x, axis=0)
    # permute(1, 0, 2): [batch, seq_len, embed_dim]
    embedded = jnp.transpose(embedded, (1, 0, 2))
    # avg_pool2d with kernel (seq_len, 1) then squeeze(1): mean over seq axis
    pooled = jnp.mean(embedded, axis=1)
    # fc layer
    return pooled @ W.T + b

if __name__ == "__main__":
    import jax
    _d = setup_inputs()
    print(jax.jit(kernel)(*tuple(_d.values())))

</pallas_src>

<mosaic_0001>
#map = affine_map<(d0, d1) -> (0, 0, 0)>
#map1 = affine_map<(d0, d1) -> (0, 0)>
module attributes {stable_mosaic.version = 14 : i64} {
  func.func @_pool_body(%arg0: i32, %arg1: i32, %arg2: memref<1024x2x100xi32, #tpu.memory_space<hbm>>, %arg3: memref<100000x128xf32, #tpu.memory_space<hbm>>, %arg4: memref<1024x128xf32, #tpu.memory_space<hbm>>, %arg5: memref<32x2x100xi32, #tpu.memory_space<vmem>>, %arg6: memref<100x128xf32, #tpu.memory_space<vmem>>, %arg7: memref<100x128xf32, #tpu.memory_space<vmem>>, %arg8: memref<100x128xf32, #tpu.memory_space<vmem>>, %arg9: memref<100x128xf32, #tpu.memory_space<vmem>>, %arg10: memref<32x128xf32, #tpu.memory_space<vmem>>, %arg11: memref<!tpu.dma_semaphore, #tpu.memory_space<semaphore_mem>>, %arg12: memref<!tpu.dma_semaphore, #tpu.memory_space<semaphore_mem>>, %arg13: memref<!tpu.dma_semaphore, #tpu.memory_space<semaphore_mem>>, %arg14: memref<!tpu.dma_semaphore, #tpu.memory_space<semaphore_mem>>) attributes {dimension_semantics = [#tpu.dimension_semantics<core_parallel>, #tpu.dimension_semantics<subcore_parallel>], iteration_bounds = array<i64: 2, 16>, scalar_prefetch = 0 : i64, scratch_operands = 10 : i64, tpu.core_type = #tpu.core_type<sc_vector_subcore>, window_params = [{transform_indices = #map}, {transform_indices = #map1}, {transform_indices = #map1}]} {
    %mul3A = arith.constant 2 : i32
    %mul3A_0 = arith.muli %arg1, %mul3A : i32
    %add3A = arith.addi %mul3A_0, %arg0 : i32
    %mul3A_1 = arith.constant 32 : i32
    %mul3A_2 = arith.muli %add3A, %mul3A_1 : i32
    "tpu.region"() ({
      %run_scoped3A = tpu.sem_alloc : memref<!tpu.dma_semaphore, #tpu.memory_space<semaphore_mem>>
      %dma_start3A_206 = arith.constant 0 : i32
      %dma_start3A_207 = arith.constant 0 : i32
      %dma_start3A_208 = tpu.memref_slice %arg2[%mul3A_2, %dma_start3A_206, %dma_start3A_207] : memref<1024x2x100xi32, #tpu.memory_space<hbm>> -> memref<32x2x100xi32, #tpu.memory_space<hbm>>
      %dma_start3A_209 = arith.constant 0 : i32
      %dma_start3A_210 = arith.constant 0 : i32
      %dma_start3A_211 = tpu.memref_slice %arg2[%mul3A_2, %dma_start3A_209, %dma_start3A_210] : memref<1024x2x100xi32, #tpu.memory_space<hbm>> -> memref<32x2x100xi32, #tpu.memory_space<hbm>>
      tpu.enqueue_dma source(%dma_start3A_211 : memref<32x2x100xi32, #tpu.memory_space<hbm>>) target(%arg5 : memref<32x2x100xi32, #tpu.memory_space<vmem>>) target_semaphore(%run_scoped3A : memref<!tpu.dma_semaphore, #tpu.memory_space<semaphore_mem>>)
      %dma_wait3A_212 = arith.constant 0 : i32
      %dma_wait3A_213 = arith.constant 0 : i32
      %dma_wait3A_214 = tpu.memref_slice %arg2[%mul3A_2, %dma_wait3A_212, %dma_wait3A_213] : memref<1024x2x100xi32, #tpu.memory_space<hbm>> -> memref<32x2x100xi32, #tpu.memory_space<hbm>>
      %dma_wait3A_215 = arith.constant 0 : i32
      %dma_wait3A_216 = arith.constant 0 : i32
      %dma_wait3A_217 = tpu.memref_slice %arg2[%mul3A_2, %dma_wait3A_215, %dma_wait3A_216] : memref<1024x2x100xi32, #tpu.memory_space<hbm>> -> memref<32x2x100xi32, #tpu.memory_space<hbm>>
      tpu.wait_dma2 semaphore(%run_scoped3A : memref<!tpu.dma_semaphore, #tpu.memory_space<semaphore_mem>>) src(%dma_wait3A_217 : memref<32x2x100xi32, #tpu.memory_space<hbm>>) dst(%arg5 : memref<32x2x100xi32, #tpu.memory_space<vmem>>)
      tpu.yield
    }) : () -> ()
    %dma_start3A = arith.constant 0 : i32
    %dma_start3A_3 = arith.constant 0 : i32
    %dma_start3A_4 = arith.constant 0 : i32
    %dma_start3A_5 = tpu.memref_slice %arg5[%dma_start3A, %dma_start3A_3, %dma_start3A_4] : memref<32x2x100xi32, #tpu.memory_space<vmem>> -> memref<1x1x100xi32, #tpu.memory_space<vmem>>
    %dma_start3A_6 = tpu.memref_squeeze %dma_start3A_5 : memref<1x1x100xi32, #tpu.memory_space<vmem>> -> memref<100xi32, #tpu.memory_space<vmem>>
    %dma_start3A_7 = arith.constant 0 : i32
    %dma_start3A_8 = arith.constant 0 : i32
    %dma_start3A_9 = tpu.memref_slice %arg3[%dma_start3A_7, %dma_start3A_8] : memref<100000x128xf32, #tpu.memory_space<hbm>> -> memref<100000x128xf32, #tpu.memory_space<hbm>>
    tpu.enqueue_indirect_dma source(%dma_start3A_9 : memref<100000x128xf32, #tpu.memory_space<hbm>>) target(%arg6 : memref<100x128xf32, #tpu.memory_space<vmem>>) offsets(%dma_start3A_6 : memref<100xi32, #tpu.memory_space<vmem>>) semaphore(%arg11 : memref<!tpu.dma_semaphore, #tpu.memory_space<semaphore_mem>>)
    %dma_start3A_10 = arith.constant 0 : i32
    %dma_start3A_11 = arith.constant 1 : i32
    %dma_start3A_12 = arith.constant 0 : i32
    %dma_start3A_13 = tpu.memref_slice %arg5[%dma_start3A_10, %dma_start3A_11, %dma_start3A_12] : memref<32x2x100xi32, #tpu.memory_space<vmem>> -> memref<1x1x100xi32, #tpu.memory_space<vmem>>
    %dma_start3A_14 = tpu.memref_squeeze %dma_start3A_13 : memref<1x1x100xi32, #tpu.memory_space<vmem>> -> memref<100xi32, #tpu.memory_space<vmem>>
    %dma_start3A_15 = arith.constant 0 : i32
    %dma_start3A_16 = arith.constant 0 : i32
    %dma_start3A_17 = tpu.memref_slice %arg3[%dma_start3A_15, %dma_start3A_16] : memref<100000x128xf32, #tpu.memory_space<hbm>> -> memref<100000x128xf32, #tpu.memory_space<hbm>>
    tpu.enqueue_indirect_dma source(%dma_start3A_17 : memref<100000x128xf32, #tpu.memory_space<hbm>>) target(%arg7 : memref<100x128xf32, #tpu.memory_space<vmem>>) offsets(%dma_start3A_14 : memref<100xi32, #tpu.memory_space<vmem>>) semaphore(%arg12 : memref<!tpu.dma_semaphore, #tpu.memory_space<semaphore_mem>>)
    %dma_start3A_18 = arith.constant 1 : i32
    %dma_start3A_19 = arith.constant 0 : i32
    %dma_start3A_20 = arith.constant 0 : i32
    %dma_start3A_21 = tpu.memref_slice %arg5[%dma_start3A_18, %dma_start3A_19, %dma_start3A_20] : memref<32x2x100xi32, #tpu.memory_space<vmem>> -> memref<1x1x100xi32, #tpu.memory_space<vmem>>
    %dma_start3A_22 = tpu.memref_squeeze %dma_start3A_21 : memref<1x1x100xi32, #tpu.memory_space<vmem>> -> memref<100xi32, #tpu.memory_space<vmem>>
    %dma_start3A_23 = arith.constant 0 : i32
    %dma_start3A_24 = arith.constant 0 : i32
    %dma_start3A_25 = tpu.memref_slice %arg3[%dma_start3A_23, %dma_start3A_24] : memref<100000x128xf32, #tpu.memory_space<hbm>> -> memref<100000x128xf32, #tpu.memory_space<hbm>>
    tpu.enqueue_indirect_dma source(%dma_start3A_25 : memref<100000x128xf32, #tpu.memory_space<hbm>>) target(%arg8 : memref<100x128xf32, #tpu.memory_space<vmem>>) offsets(%dma_start3A_22 : memref<100xi32, #tpu.memory_space<vmem>>) semaphore(%arg13 : memref<!tpu.dma_semaphore, #tpu.memory_space<semaphore_mem>>)
    %broadcast_in_dim3A = arith.constant 0.000000e+00 : f32
    %broadcast_in_dim3A_26 = vector.broadcast %broadcast_in_dim3A : f32 to vector<16xf32>
    %broadcast_in_dim3A_27 = arith.constant 0.000000e+00 : f32
    %broadcast_in_dim3A_28 = vector.broadcast %broadcast_in_dim3A_27 : f32 to vector<16xf32>
    %broadcast_in_dim3A_29 = arith.constant 0.000000e+00 : f32
    %broadcast_in_dim3A_30 = vector.broadcast %broadcast_in_dim3A_29 : f32 to vector<16xf32>
    %broadcast_in_dim3A_31 = arith.constant 0.000000e+00 : f32
    %broadcast_in_dim3A_32 = vector.broadcast %broadcast_in_dim3A_31 : f32 to vector<16xf32>
    %broadcast_in_dim3A_33 = arith.constant 0.000000e+00 : f32
    %broadcast_in_dim3A_34 = vector.broadcast %broadcast_in_dim3A_33 : f32 to vector<16xf32>
    %broadcast_in_dim3A_35 = arith.constant 0.000000e+00 : f32
    %broadcast_in_dim3A_36 = vector.broadcast %broadcast_in_dim3A_35 : f32 to vector<16xf32>
    %broadcast_in_dim3A_37 = arith.constant 0.000000e+00 : f32
    %broadcast_in_dim3A_38 = vector.broadcast %broadcast_in_dim3A_37 : f32 to vector<16xf32>
    %broadcast_in_dim3A_39 = arith.constant 0.000000e+00 : f32
    %broadcast_in_dim3A_40 = vector.broadcast %broadcast_in_dim3A_39 : f32 to vector<16xf32>
    %scan3A = arith.constant 0 : i32
    %scan3A_41 = arith.constant 0 : i32
    %scan3A_42 = arith.constant 15 : i32
    %scan3A_43 = arith.addi %scan3A_41, %scan3A_42 : i32
    %scan3A_44 = arith.constant 1 : i32
    scf.for %scan3A_206 = %scan3A_41 to %scan3A_43 step %scan3A_44  : i32 {
      %mul3A_207 = arith.constant 4 : i32
      %mul3A_208 = arith.muli %mul3A_207, %scan3A_206 : i32
      %add3A_209 = arith.constant 0 : i32
      %add3A_210 = arith.addi %mul3A_208, %add3A_209 : i32
      %add3A_211 = arith.constant 4 : i32
      %add3A_212 = arith.addi %add3A_210, %add3A_211 : i32
      %sub3A = arith.constant 1 : i32
      %sub3A_213 = arith.subi %add3A_212, %sub3A : i32
      %jit3A = arith.constant 2 : i32
      %div3A = arith.divsi %sub3A_213, %jit3A : i32
      %sign3A = arith.constant 0 : i32
      %sign3A_214 = arith.cmpi sgt, %sub3A_213, %sign3A : i32
      %sign3A_215 = arith.extui %sign3A_214 : i1 to i32
      %sign3A_216 = arith.constant 0 : i32
      %sign3A_217 = arith.cmpi slt, %sub3A_213, %sign3A_216 : i32
      %sign3A_218 = arith.extui %sign3A_217 : i1 to i32
      %sign3A_219 = arith.subi %sign3A_215, %sign3A_218 : i32
      %sign3A_220 = arith.constant 0 : i32
      %sign3A_221 = arith.cmpi sgt, %jit3A, %sign3A_220 : i32
      %sign3A_222 = arith.extui %sign3A_221 : i1 to i32
      %sign3A_223 = arith.constant 0 : i32
      %sign3A_224 = arith.cmpi slt, %jit3A, %sign3A_223 : i32
      %sign3A_225 = arith.extui %sign3A_224 : i1 to i32
      %sign3A_226 = arith.subi %sign3A_222, %sign3A_225 : i32
      %ne3A = arith.cmpi ne, %sign3A_219, %sign3A_226 : i32
      %rem3A = arith.remsi %sub3A_213, %jit3A : i32
      %ne3A_227 = arith.constant 0 : i32
      %ne3A_228 = arith.cmpi ne, %rem3A, %ne3A_227 : i32
      %and3A = arith.andi %ne3A, %ne3A_228 : i1
      %sub3A_229 = arith.constant 1 : i32
      %sub3A_230 = arith.subi %div3A, %sub3A_229 : i32
      %select_n3A = arith.select %and3A, %sub3A_230, %div3A : i32
      %dma_start3A_231 = arith.constant 1 : i32
      %dma_start3A_232 = arith.constant 0 : i32
      %dma_start3A_233 = tpu.memref_slice %arg5[%select_n3A, %dma_start3A_231, %dma_start3A_232] : memref<32x2x100xi32, #tpu.memory_space<vmem>> -> memref<1x1x100xi32, #tpu.memory_space<vmem>>
      %dma_start3A_234 = tpu.memref_squeeze %dma_start3A_233 : memref<1x1x100xi32, #tpu.memory_space<vmem>> -> memref<100xi32, #tpu.memory_space<vmem>>
      %dma_start3A_235 = arith.constant 0 : i32
      %dma_start3A_236 = arith.constant 0 : i32
      %dma_start3A_237 = tpu.memref_slice %arg3[%dma_start3A_235, %dma_start3A_236] : memref<100000x128xf32, #tpu.memory_space<hbm>> -> memref<100000x128xf32, #tpu.memory_space<hbm>>
      tpu.enqueue_indirect_dma source(%dma_start3A_237 : memref<100000x128xf32, #tpu.memory_space<hbm>>) target(%arg9 : memref<100x128xf32, #tpu.memory_space<vmem>>) offsets(%dma_start3A_234 : memref<100xi32, #tpu.memory_space<vmem>>) semaphore(%arg14 : memref<!tpu.dma_semaphore, #tpu.memory_space<semaphore_mem>>)
      %jit3A_238 = arith.constant 2 : i32
      %div3A_239 = arith.divsi %add3A_210, %jit3A_238 : i32
      %sign3A_240 = arith.constant 0 : i32
      %sign3A_241 = arith.cmpi sgt, %add3A_210, %sign3A_240 : i32
      %sign3A_242 = arith.extui %sign3A_241 : i1 to i32
      %sign3A_243 = arith.constant 0 : i32
      %sign3A_244 = arith.cmpi slt, %add3A_210, %sign3A_243 : i32
      %sign3A_245 = arith.extui %sign3A_244 : i1 to i32
      %sign3A_246 = arith.subi %sign3A_242, %sign3A_245 : i32
      %sign3A_247 = arith.constant 0 : i32
      %sign3A_248 = arith.cmpi sgt, %jit3A_238, %sign3A_247 : i32
      %sign3A_249 = arith.extui %sign3A_248 : i1 to i32
      %sign3A_250 = arith.constant 0 : i32
      %sign3A_251 = arith.cmpi slt, %jit3A_238, %sign3A_250 : i32
      %sign3A_252 = arith.extui %sign3A_251 : i1 to i32
      %sign3A_253 = arith.subi %sign3A_249, %sign3A_252 : i32
      %ne3A_254 = arith.cmpi ne, %sign3A_246, %sign3A_253 : i32
      %rem3A_255 = arith.remsi %add3A_210, %jit3A_238 : i32
      %ne3A_256 = arith.constant 0 : i32
      %ne3A_257 = arith.cmpi ne, %rem3A_255, %ne3A_256 : i32
      %and3A_258 = arith.andi %ne3A_254, %ne3A_257 : i1
      %sub3A_259 = arith.constant 1 : i32
      %sub3A_260 = arith.subi %div3A_239, %sub3A_259 : i32
      %select_n3A_261 = arith.select %and3A_258, %sub3A_260, %div3A_239 : i32
      %dma_wait3A_262 = arith.constant 0 : i32
      %dma_wait3A_263 = arith.constant 0 : i32
      %dma_wait3A_264 = tpu.memref_slice %arg5[%select_n3A_261, %dma_wait3A_262, %dma_wait3A_263] : memref<32x2x100xi32, #tpu.memory_space<vmem>> -> memref<1x1x100xi32, #tpu.memory_space<vmem>>
      %dma_wait3A_265 = tpu.memref_squeeze %dma_wait3A_264 : memref<1x1x100xi32, #tpu.memory_space<vmem>> -> memref<100xi32, #tpu.memory_space<vmem>>
      %dma_wait3A_266 = arith.constant 0 : i32
      %dma_wait3A_267 = arith.constant 0 : i32
      %dma_wait3A_268 = tpu.memref_slice %arg3[%dma_wait3A_266, %dma_wait3A_267] : memref<100000x128xf32, #tpu.memory_space<hbm>> -> memref<100000x128xf32, #tpu.memory_space<hbm>>
      tpu.wait_indirect_dma semaphore(%arg11 : memref<!tpu.dma_semaphore, #tpu.memory_space<semaphore_mem>>) src(%dma_wait3A_268 : memref<100000x128xf32, #tpu.memory_space<hbm>>) dst(%arg6 : memref<100x128xf32, #tpu.memory_space<vmem>>)
      %scan3A_269 = arith.constant 0 : i32
      %scan3A_270 = arith.constant 100 : i32
      %scan3A_271 = arith.addi %scan3A_269, %scan3A_270 : i32
      %scan3A_272 = arith.constant 4 : i32
      %scan3A_273:8 = scf.for %scan3A_647 = %scan3A_269 to %scan3A_271 step %scan3A_272 iter_args(%scan3A_648 = %broadcast_in_dim3A_26, %scan3A_649 = %broadcast_in_dim3A_28, %scan3A_650 = %broadcast_in_dim3A_30, %scan3A_651 = %broadcast_in_dim3A_32, %scan3A_652 = %broadcast_in_dim3A_34, %scan3A_653 = %broadcast_in_dim3A_36, %scan3A_654 = %broadcast_in_dim3A_38, %scan3A_655 = %broadcast_in_dim3A_40) -> (vector<16xf32>, vector<16xf32>, vector<16xf32>, vector<16xf32>, vector<16xf32>, vector<16xf32>, vector<16xf32>, vector<16xf32>)  : i32 {
        %get3A = arith.index_cast %scan3A_647 : i32 to index
        %get3A_656 = arith.constant 0 : index
        %get3A_657 = tpu.vector_load %arg6[%get3A, %get3A_656] {strides = array<i32>} : memref<100x128xf32, #tpu.memory_space<vmem>>, vector<1x16xf32>,
        %get3A_658 = vector.shape_cast %get3A_657 : vector<1x16xf32> to vector<16xf32>
        %add3A_659 = arith.addf %scan3A_648, %get3A_658 : vector<16xf32>
        %get3A_660 = arith.index_cast %scan3A_647 : i32 to index
        %get3A_661 = arith.constant 16 : index
        %get3A_662 = tpu.vector_load %arg6[%get3A_660, %get3A_661] {strides = array<i32>} : memref<100x128xf32, #tpu.memory_space<vmem>>, vector<1x16xf32>,
        %get3A_663 = vector.shape_cast %get3A_662 : vector<1x16xf32> to vector<16xf32>
        %add3A_664 = arith.addf %scan3A_649, %get3A_663 : vector<16xf32>
        %get3A_665 = arith.index_cast %scan3A_647 : i32 to index
        %get3A_666 = arith.constant 32 : index
        %get3A_667 = tpu.vector_load %arg6[%get3A_665, %get3A_666] {strides = array<i32>} : memref<100x128xf32, #tpu.memory_space<vmem>>, vector<1x16xf32>,
        %get3A_668 = vector.shape_cast %get3A_667 : vector<1x16xf32> to vector<16xf32>
        %add3A_669 = arith.addf %scan3A_650, %get3A_668 : vector<16xf32>
        %get3A_670 = arith.index_cast %scan3A_647 : i32 to index
        %get3A_671 = arith.constant 48 : index
        %get3A_672 = tpu.vector_load %arg6[%get3A_670, %get3A_671] {strides = array<i32>} : memref<100x128xf32, #tpu.memory_space<vmem>>, vector<1x16xf32>,
        %get3A_673 = vector.shape_cast %get3A_672 : vector<1x16xf32> to vector<16xf32>
        %add3A_674 = arith.addf %scan3A_651, %get3A_673 : vector<16xf32>
        %get3A_675 = arith.index_cast %scan3A_647 : i32 to index
        %get3A_676 = arith.constant 64 : index
        %get3A_677 = tpu.vector_load %arg6[%get3A_675, %get3A_676] {strides = array<i32>} : memref<100x128xf32, #tpu.memory_space<vmem>>, vector<1x16xf32>,
        %get3A_678 = vector.shape_cast %get3A_677 : vector<1x16xf32> to vector<16xf32>
        %add3A_679 = arith.addf %scan3A_652, %get3A_678 : vector<16xf32>
        %get3A_680 = arith.index_cast %scan3A_647 : i32 to index
        %get3A_681 = arith.constant 80 : index
        %get3A_682 = tpu.vector_load %arg6[%get3A_680, %get3A_681] {strides = array<i32>} : memref<100x128xf32, #tpu.memory_space<vmem>>, vector<1x16xf32>,
        %get3A_683 = vector.shape_cast %get3A_682 : vector<1x16xf32> to vector<16xf32>
        %add3A_684 = arith.addf %scan3A_653, %get3A_683 : vector<16xf32>
        %get3A_685 = arith.index_cast %scan3A_647 : i32 to index
        %get3A_686 = arith.constant 96 : index
        %get3A_687 = tpu.vector_load %arg6[%get3A_685, %get3A_686] {strides = array<i32>} : memref<100x128xf32, #tpu.memory_space<vmem>>, vector<1x16xf32>,
        %get3A_688 = vector.shape_cast %get3A_687 : vector<1x16xf32> to vector<16xf32>
        %add3A_689 = arith.addf %scan3A_654, %get3A_688 : vector<16xf32>
        %get3A_690 = arith.index_cast %scan3A_647 : i32 to index
        %get3A_691 = arith.constant 112 : index
        %get3A_692 = tpu.vector_load %arg6[%get3A_690, %get3A_691] {strides = array<i32>} : memref<100x128xf32, #tpu.memory_space<vmem>>, vector<1x16xf32>,
        %get3A_693 = vector.shape_cast %get3A_692 : vector<1x16xf32> to vector<16xf32>
        %add3A_694 = arith.addf %scan3A_655, %get3A_693 : vector<16xf32>
        %scan3A_695 = arith.constant 1 : i32
        %scan3A_696 = arith.addi %scan3A_647, %scan3A_695 : i32
        %get3A_697 = arith.index_cast %scan3A_696 : i32 to index
        %get3A_698 = arith.constant 0 : index
        %get3A_699 = tpu.vector_load %arg6[%get3A_697, %get3A_698] {strides = array<i32>} : memref<100x128xf32, #tpu.memory_space<vmem>>, vector<1x16xf32>,
        %get3A_700 = vector.shape_cast %get3A_699 : vector<1x16xf32> to vector<16xf32>
        %add3A_701 = arith.addf %add3A_659, %get3A_700 : vector<16xf32>
        %get3A_702 = arith.index_cast %scan3A_696 : i32 to index
        %get3A_703 = arith.constant 16 : index
        %get3A_704 = tpu.vector_load %arg6[%get3A_702, %get3A_703] {strides = array<i32>} : memref<100x128xf32, #tpu.memory_space<vmem>>, vector<1x16xf32>,
        %get3A_705 = vector.shape_cast %get3A_704 : vector<1x16xf32> to vector<16xf32>
        %add3A_706 = arith.addf %add3A_664, %get3A_705 : vector<16xf32>
        %get3A_707 = arith.index_cast %scan3A_696 : i32 to index
        %get3A_708 = arith.constant 32 : index
        %get3A_709 = tpu.vector_load %arg6[%get3A_707, %get3A_708] {strides = array<i32>} : memref<100x128xf32, #tpu.memory_space<vmem>>, vector<1x16xf32>,
        %get3A_710 = vector.shape_cast %get3A_709 : vector<1x16xf32> to vector<16xf32>
        %add3A_711 = arith.addf %add3A_669, %get3A_710 : vector<16xf32>
        %get3A_712 = arith.index_cast %scan3A_696 : i32 to index
        %get3A_713 = arith.constant 48 : index
        %get3A_714 = tpu.vector_load %arg6[%get3A_712, %get3A_713] {strides = array<i32>} : memref<100x128xf32, #tpu.memory_space<vmem>>, vector<1x16xf32>,
        %get3A_715 = vector.shape_cast %get3A_714 : vector<1x16xf32> to vector<16xf32>
        %add3A_716 = arith.addf %add3A_674, %get3A_715 : vector<16xf32>
        %get3A_717 = arith.index_cast %scan3A_696 : i32 to index
        %get3A_718 = arith.constant 64 : index
        %get3A_719 = tpu.vector_load %arg6[%get3A_717, %get3A_718] {strides = array<i32>} : memref<100x128xf32, #tpu.memory_space<vmem>>, vector<1x16xf32>,
        %get3A_720 = vector.shape_cast %get3A_719 : vector<1x16xf32> to vector<16xf32>
        %add3A_721 = arith.addf %add3A_679, %get3A_720 : vector<16xf32>
        %get3A_722 = arith.index_cast %scan3A_696 : i32 to index
        %get3A_723 = arith.constant 80 : index
        %get3A_724 = tpu.vector_load %arg6[%get3A_722, %get3A_723] {strides = array<i32>} : memref<100x128xf32, #tpu.memory_space<vmem>>, vector<1x16xf32>,
        %get3A_725 = vector.shape_cast %get3A_724 : vector<1x16xf32> to vector<16xf32>
        %add3A_726 = arith.addf %add3A_684, %get3A_725 : vector<16xf32>
        %get3A_727 = arith.index_cast %scan3A_696 : i32 to index
        %get3A_728 = arith.constant 96 : index
        %get3A_729 = tpu.vector_load %arg6[%get3A_727, %get3A_728] {strides = array<i32>} : memref<100x128xf32, #tpu.memory_space<vmem>>, vector<1x16xf32>,
        %get3A_730 = vector.shape_cast %get3A_729 : vector<1x16xf32> to vector<16xf32>
        %add3A_731 = arith.addf %add3A_689, %get3A_730 : vector<16xf32>
        %get3A_732 = arith.index_cast %scan3A_696 : i32 to index
        %get3A_733 = arith.constant 112 : index
        %get3A_734 = tpu.vector_load %arg6[%get3A_732, %get3A_733] {strides = array<i32>} : memref<100x128xf32, #tpu.memory_space<vmem>>, vector<1x16xf32>,
        %get3A_735 = vector.shape_cast %get3A_734 : vector<1x16xf32> to vector<16xf32>
        %add3A_736 = arith.addf %add3A_694, %get3A_735 : vector<16xf32>
        %scan3A_737 = arith.constant 2 : i32
        %scan3A_738 = arith.addi %scan3A_647, %scan3A_737 : i32
        %get3A_739 = arith.index_cast %scan3A_738 : i32 to index
        %get3A_740 = arith.constant 0 : index
        %get3A_741 = tpu.vector_load %arg6[%get3A_739, %get3A_740] {strides = array<i32>} : memref<100x128xf32, #tpu.memory_space<vmem>>, vector<1x16xf32>,
        %get3A_742 = vector.shape_cast %get3A_741 : vector<1x16xf32> to vector<16xf32>
        %add3A_743 = arith.addf %add3A_701, %get3A_742 : vector<16xf32>
        %get3A_744 = arith.index_cast %scan3A_738 : i32 to index
        %get3A_745 = arith.constant 16 : index
        %get3A_746 = tpu.vector_load %arg6[%get3A_744, %get3A_745] {strides = array<i32>} : memref<100x128xf32, #tpu.memory_space<vmem>>, vector<1x16xf32>,
        %get3A_747 = vector.shape_cast %get3A_746 : vector<1x16xf32> to vector<16xf32>
        %add3A_748 = arith.addf %add3A_706, %get3A_747 : vector<16xf32>
        %get3A_749 = arith.index_cast %scan3A_738 : i32 to index
        %get3A_750 = arith.constant 32 : index
        %get3A_751 = tpu.vector_load %arg6[%get3A_749, %get3A_750] {strides = array<i32>} : memref<100x128xf32, #tpu.memory_space<vmem>>, vector<1x16xf32>,
        %get3A_752 = vector.shape_cast %get3A_751 : vector<1x16xf32> to vector<16xf32>
        %add3A_753 = arith.addf %add3A_711, %get3A_752 : vector<16xf32>
        %get3A_754 = arith.index_cast %scan3A_738 : i32 to index
        %get3A_755 = arith.constant 48 : index
        %get3A_756 = tpu.vector_load %arg6[%get3A_754, %get3A_755] {strides = array<i32>} : memref<100x128xf32, #tpu.memory_space<vmem>>, vector<1x16xf32>,
        %get3A_757 = vector.shape_cast %get3A_756 : vector<1x16xf32> to vector<16xf32>
        %add3A_758 = arith.addf %add3A_716, %get3A_757 : vector<16xf32>
        %get3A_759 = arith.index_cast %scan3A_738 : i32 to index
        %get3A_760 = arith.constant 64 : index
        %get3A_761 = tpu.vector_load %arg6[%get3A_759, %get3A_760] {strides = array<i32>} : memref<100x128xf32, #tpu.memory_space<vmem>>, vector<1x16xf32>,
        %get3A_762 = vector.shape_cast %get3A_761 : vector<1x16xf32> to vector<16xf32>
        %add3A_763 = arith.addf %add3A_721, %get3A_762 : vector<16xf32>
        %get3A_764 = arith.index_cast %scan3A_738 : i32 to index
        %get3A_765 = arith.constant 80 : index
        %get3A_766 = tpu.vector_load %arg6[%get3A_764, %get3A_765] {strides = array<i32>} : memref<100x128xf32, #tpu.memory_space<vmem>>, vector<1x16xf32>,
        %get3A_767 = vector.shape_cast %get3A_766 : vector<1x16xf32> to vector<16xf32>
        %add3A_768 = arith.addf %add3A_726, %get3A_767 : vector<16xf32>
        %get3A_769 = arith.index_cast %scan3A_738 : i32 to index
        %get3A_770 = arith.constant 96 : index
        %get3A_771 = tpu.vector_load %arg6[%get3A_769, %get3A_770] {strides = array<i32>} : memref<100x128xf32, #tpu.memory_space<vmem>>, vector<1x16xf32>,
        %get3A_772 = vector.shape_cast %get3A_771 : vector<1x16xf32> to vector<16xf32>
        %add3A_773 = arith.addf %add3A_731, %get3A_772 : vector<16xf32>
        %get3A_774 = arith.index_cast %scan3A_738 : i32 to index
        %get3A_775 = arith.constant 112 : index
        %get3A_776 = tpu.vector_load %arg6[%get3A_774, %get3A_775] {strides = array<i32>} : memref<100x128xf32, #tpu.memory_space<vmem>>, vector<1x16xf32>,
        %get3A_777 = vector.shape_cast %get3A_776 : vector<1x16xf32> to vector<16xf32>
        %add3A_778 = arith.addf %add3A_736, %get3A_777 : vector<16xf32>
        %scan3A_779 = arith.constant 3 : i32
        %scan3A_780 = arith.addi %scan3A_647, %scan3A_779 : i32
        %get3A_781 = arith.index_cast %scan3A_780 : i32 to index
        %get3A_782 = arith.constant 0 : index
        %get3A_783 = tpu.vector_load %arg6[%get3A_781, %get3A_782] {strides = array<i32>} : memref<100x128xf32, #tpu.memory_space<vmem>>, vector<1x16xf32>,
        %get3A_784 = vector.shape_cast %get3A_783 : vector<1x16xf32> to vector<16xf32>
        %add3A_785 = arith.addf %add3A_743, %get3A_784 : vector<16xf32>
        %get3A_786 = arith.index_cast %scan3A_780 : i32 to index
        %get3A_787 = arith.constant 16 : index
        %get3A_788 = tpu.vector_load %arg6[%get3A_786, %get3A_787] {strides = array<i32>} : memref<100x128xf32, #tpu.memory_space<vmem>>, vector<1x16xf32>,
        %get3A_789 = vector.shape_cast %get3A_788 : vector<1x16xf32> to vector<16xf32>
        %add3A_790 = arith.addf %add3A_748, %get3A_789 : vector<16xf32>
        %get3A_791 = arith.index_cast %scan3A_780 : i32 to index
        %get3A_792 = arith.constant 32 : index
        %get3A_793 = tpu.vector_load %arg6[%get3A_791, %get3A_792] {strides = array<i32>} : memref<100x128xf32, #tpu.memory_space<vmem>>, vector<1x16xf32>,
        %get3A_794 = vector.shape_cast %get3A_793 : vector<1x16xf32> to vector<16xf32>
        %add3A_795 = arith.addf %add3A_753, %get3A_794 : vector<16xf32>
        %get3A_796 = arith.index_cast %scan3A_780 : i32 to index
        %get3A_797 = arith.constant 48 : index
        %get3A_798 = tpu.vector_load %arg6[%get3A_796, %get3A_797] {strides = array<i32>} : memref<100x128xf32, #tpu.memory_space<vmem>>, vector<1x16xf32>,
        %get3A_799 = vector.shape_cast %get3A_798 : vector<1x16xf32> to vector<16xf32>
        %add3A_800 = arith.addf %add3A_758, %get3A_799 : vector<16xf32>
        %get3A_801 = arith.index_cast %scan3A_780 : i32 to index
        %get3A_802 = arith.constant 64 : index
        %get3A_803 = tpu.vector_load %arg6[%get3A_801, %get3A_802] {strides = array<i32>} : memref<100x128xf32, #tpu.memory_space<vmem>>, vector<1x16xf32>,
        %get3A_804 = vector.shape_cast %get3A_803 : vector<1x16xf32> to vector<16xf32>
        %add3A_805 = arith.addf %add3A_763, %get3A_804 : vector<16xf32>
        %get3A_806 = arith.index_cast %scan3A_780 : i32 to index
        %get3A_807 = arith.constant 80 : index
        %get3A_808 = tpu.vector_load %arg6[%get3A_806, %get3A_807] {strides = array<i32>} : memref<100x128xf32, #tpu.memory_space<vmem>>, vector<1x16xf32>,
        %get3A_809 = vector.shape_cast %get3A_808 : vector<1x16xf32> to vector<16xf32>
        %add3A_810 = arith.addf %add3A_768, %get3A_809 : vector<16xf32>
        %get3A_811 = arith.index_cast %scan3A_780 : i32 to index
        %get3A_812 = arith.constant 96 : index
        %get3A_813 = tpu.vector_load %arg6[%get3A_811, %get3A_812] {strides = array<i32>} : memref<100x128xf32, #tpu.memory_space<vmem>>, vector<1x16xf32>,
        %get3A_814 = vector.shape_cast %get3A_813 : vector<1x16xf32> to vector<16xf32>
        %add3A_815 = arith.addf %add3A_773, %get3A_814 : vector<16xf32>
        %get3A_816 = arith.index_cast %scan3A_780 : i32 to index
        %get3A_817 = arith.constant 112 : index
        %get3A_818 = tpu.vector_load %arg6[%get3A_816, %get3A_817] {strides = array<i32>} : memref<100x128xf32, #tpu.memory_space<vmem>>, vector<1x16xf32>,
        %get3A_819 = vector.shape_cast %get3A_818 : vector<1x16xf32> to vector<16xf32>
        %add3A_820 = arith.addf %add3A_778, %get3A_819 : vector<16xf32>
        scf.yield %add3A_785, %add3A_790, %add3A_795, %add3A_800, %add3A_805, %add3A_810, %add3A_815, %add3A_820 : vector<16xf32>, vector<16xf32>, vector<16xf32>, vector<16xf32>, vector<16xf32>, vector<16xf32>, vector<16xf32>, vector<16xf32>
      }
      %scan3A_274 = arith.constant 100 : i32
      %mul3A_275 = arith.constant 4 : i32
      %mul3A_276 = arith.muli %mul3A_275, %scan3A_206 : i32
      %add3A_277 = arith.constant 1 : i32
      %add3A_278 = arith.addi %mul3A_276, %add3A_277 : i32
      %add3A_279 = arith.constant 4 : i32
      %add3A_280 = arith.addi %add3A_278, %add3A_279 : i32
      %sub3A_281 = arith.constant 1 : i32
      %sub3A_282 = arith.subi %add3A_280, %sub3A_281 : i32
      %jit3A_283 = arith.constant 2 : i32
      %div3A_284 = arith.divsi %sub3A_282, %jit3A_283 : i32
      %sign3A_285 = arith.constant 0 : i32
      %sign3A_286 = arith.cmpi sgt, %sub3A_282, %sign3A_285 : i32
      %sign3A_287 = arith.extui %sign3A_286 : i1 to i32
      %sign3A_288 = arith.constant 0 : i32
      %sign3A_289 = arith.cmpi slt, %sub3A_282, %sign3A_288 : i32
      %sign3A_290 = arith.extui %sign3A_289 : i1 to i32
      %sign3A_291 = arith.subi %sign3A_287, %sign3A_290 : i32
      %sign3A_292 = arith.constant 0 : i32
      %sign3A_293 = arith.cmpi sgt, %jit3A_283, %sign3A_292 : i32
      %sign3A_294 = arith.extui %sign3A_293 : i1 to i32
      %sign3A_295 = arith.constant 0 : i32
      %sign3A_296 = arith.cmpi slt, %jit3A_283, %sign3A_295 : i32
      %sign3A_297 = arith.extui %sign3A_296 : i1 to i32
      %sign3A_298 = arith.subi %sign3A_294, %sign3A_297 : i32
      %ne3A_299 = arith.cmpi ne, %sign3A_291, %sign3A_298 : i32
      %rem3A_300 = arith.remsi %sub3A_282, %jit3A_283 : i32
      %ne3A_301 = arith.constant 0 : i32
      %ne3A_302 = arith.cmpi ne, %rem3A_300, %ne3A_301 : i32
      %and3A_303 = arith.andi %ne3A_299, %ne3A_302 : i1
      %sub3A_304 = arith.constant 1 : i32
      %sub3A_305 = arith.subi %div3A_284, %sub3A_304 : i32
      %select_n3A_306 = arith.select %and3A_303, %sub3A_305, %div3A_284 : i32
      %dma_start3A_307 = arith.constant 0 : i32
      %dma_start3A_308 = arith.constant 0 : i32
      %dma_start3A_309 = tpu.memref_slice %arg5[%select_n3A_306, %dma_start3A_307, %dma_start3A_308] : memref<32x2x100xi32, #tpu.memory_space<vmem>> -> memref<1x1x100xi32, #tpu.memory_space<vmem>>
      %dma_start3A_310 = tpu.memref_squeeze %dma_start3A_309 : memref<1x1x100xi32, #tpu.memory_space<vmem>> -> memref<100xi32, #tpu.memory_space<vmem>>
      %dma_start3A_311 = arith.constant 0 : i32
      %dma_start3A_312 = arith.constant 0 : i32
      %dma_start3A_313 = tpu.memref_slice %arg3[%dma_start3A_311, %dma_start3A_312] : memref<100000x128xf32, #tpu.memory_space<hbm>> -> memref<100000x128xf32, #tpu.memory_space<hbm>>
      tpu.enqueue_indirect_dma source(%dma_start3A_313 : memref<100000x128xf32, #tpu.memory_space<hbm>>) target(%arg6 : memref<100x128xf32, #tpu.memory_space<vmem>>) offsets(%dma_start3A_310 : memref<100xi32, #tpu.memory_space<vmem>>) semaphore(%arg11 : memref<!tpu.dma_semaphore, #tpu.memory_space<semaphore_mem>>)
      %jit3A_314 = arith.constant 2 : i32
      %div3A_315 = arith.divsi %add3A_278, %jit3A_314 : i32
      %sign3A_316 = arith.constant 0 : i32
      %sign3A_317 = arith.cmpi sgt, %add3A_278, %sign3A_316 : i32
      %sign3A_318 = arith.extui %sign3A_317 : i1 to i32
      %sign3A_319 = arith.constant 0 : i32
      %sign3A_320 = arith.cmpi slt, %add3A_278, %sign3A_319 : i32
      %sign3A_321 = arith.extui %sign3A_320 : i1 to i32
      %sign3A_322 = arith.subi %sign3A_318, %sign3A_321 : i32
      %sign3A_323 = arith.constant 0 : i32
      %sign3A_324 = arith.cmpi sgt, %jit3A_314, %sign3A_323 : i32
      %sign3A_325 = arith.extui %sign3A_324 : i1 to i32
      %sign3A_326 = arith.constant 0 : i32
      %sign3A_327 = arith.cmpi slt, %jit3A_314, %sign3A_326 : i32
      %sign3A_328 = arith.extui %sign3A_327 : i1 to i32
      %sign3A_329 = arith.subi %sign3A_325, %sign3A_328 : i32
      %ne3A_330 = arith.cmpi ne, %sign3A_322, %sign3A_329 : i32
      %rem3A_331 = arith.remsi %add3A_278, %jit3A_314 : i32
      %ne3A_332 = arith.constant 0 : i32
      %ne3A_333 = arith.cmpi ne, %rem3A_331, %ne3A_332 : i32
      %and3A_334 = arith.andi %ne3A_330, %ne3A_333 : i1
      %sub3A_335 = arith.constant 1 : i32
      %sub3A_336 = arith.subi %div3A_315, %sub3A_335 : i32
      %select_n3A_337 = arith.select %and3A_334, %sub3A_336, %div3A_315 : i32
      %dma_wait3A_338 = arith.constant 1 : i32
      %dma_wait3A_339 = arith.constant 0 : i32
      %dma_wait3A_340 = tpu.memref_slice %arg5[%select_n3A_337, %dma_wait3A_338, %dma_wait3A_339] : memref<32x2x100xi32, #tpu.memory_space<vmem>> -> memref<1x1x100xi32, #tpu.memory_space<vmem>>
      %dma_wait3A_341 = tpu.memref_squeeze %dma_wait3A_340 : memref<1x1x100xi32, #tpu.memory_space<vmem>> -> memref<100xi32, #tpu.memory_space<vmem>>
      %dma_wait3A_342 = arith.constant 0 : i32
      %dma_wait3A_343 = arith.constant 0 : i32
      %dma_wait3A_344 = tpu.memref_slice %arg3[%dma_wait3A_342, %dma_wait3A_343] : memref<100000x128xf32, #tpu.memory_space<hbm>> -> memref<100000x128xf32, #tpu.memory_space<hbm>>
      tpu.wait_indirect_dma semaphore(%arg12 : memref<!tpu.dma_semaphore, #tpu.memory_space<semaphore_mem>>) src(%dma_wait3A_344 : memref<100000x128xf32, #tpu.memory_space<hbm>>) dst(%arg7 : memref<100x128xf32, #tpu.memory_space<vmem>>)
      %scan3A_345 = arith.constant 0 : i32
      %scan3A_346 = arith.constant 100 : i32
      %scan3A_347 = arith.addi %scan3A_345, %scan3A_346 : i32
      %scan3A_348 = arith.constant 4 : i32
      %scan3A_349:8 = scf.for %scan3A_647 = %scan3A_345 to %scan3A_347 step %scan3A_348 iter_args(%scan3A_648 = %scan3A_273#0, %scan3A_649 = %scan3A_273#1, %scan3A_650 = %scan3A_273#2, %scan3A_651 = %scan3A_273#3, %scan3A_652 = %scan3A_273#4, %scan3A_653 = %scan3A_273#5, %scan3A_654 = %scan3A_273#6, %scan3A_655 = %scan3A_273#7) -> (vector<16xf32>, vector<16xf32>, vector<16xf32>, vector<16xf32>, vector<16xf32>, vector<16xf32>, vector<16xf32>, vector<16xf32>)  : i32 {
        %get3A = arith.index_cast %scan3A_647 : i32 to index
        %get3A_656 = arith.constant 0 : index
        %get3A_657 = tpu.vector_load %arg7[%get3A, %get3A_656] {strides = array<i32>} : memref<100x128xf32, #tpu.memory_space<vmem>>, vector<1x16xf32>,
        %get3A_658 = vector.shape_cast %get3A_657 : vector<1x16xf32> to vector<16xf32>
        %add3A_659 = arith.addf %scan3A_648, %get3A_658 : vector<16xf32>
        %get3A_660 = arith.index_cast %scan3A_647 : i32 to index
        %get3A_661 = arith.constant 16 : index
        %get3A_662 = tpu.vector_load %arg7[%get3A_660, %get3A_661] {strides = array<i32>} : memref<100x128xf32, #tpu.memory_space<vmem>>, vector<1x16xf32>,
        %get3A_663 = vector.shape_cast %get3A_662 : vector<1x16xf32> to vector<16xf32>
        %add3A_664 = arith.addf %scan3A_649, %get3A_663 : vector<16xf32>
        %get3A_665 = arith.index_cast %scan3A_647 : i32 to index
        %get3A_666 = arith.constant 32 : index
        %get3A_667 = tpu.vector_load %arg7[%get3A_665, %get3A_666] {strides = array<i32>} : memref<100x128xf32, #tpu.memory_space<vmem>>, vector<1x16xf32>,
        %get3A_668 = vector.shape_cast %get3A_667 : vector<1x16xf32> to vector<16xf32>
        %add3A_669 = arith.addf %scan3A_650, %get3A_668 : vector<16xf32>
        %get3A_670 = arith.index_cast %scan3A_647 : i32 to index
        %get3A_671 = arith.constant 48 : index
        %get3A_672 = tpu.vector_load %arg7[%get3A_670, %get3A_671] {strides = array<i32>} : memref<100x128xf32, #tpu.memory_space<vmem>>, vector<1x16xf32>,
        %get3A_673 = vector.shape_cast %get3A_672 : vector<1x16xf32> to vector<16xf32>
        %add3A_674 = arith.addf %scan3A_651, %get3A_673 : vector<16xf32>
        %get3A_675 = arith.index_cast %scan3A_647 : i32 to index
        %get3A_676 = arith.constant 64 : index
        %get3A_677 = tpu.vector_load %arg7[%get3A_675, %get3A_676] {strides = array<i32>} : memref<100x128xf32, #tpu.memory_space<vmem>>, vector<1x16xf32>,
        %get3A_678 = vector.shape_cast %get3A_677 : vector<1x16xf32> to vector<16xf32>
        %add3A_679 = arith.addf %scan3A_652, %get3A_678 : vector<16xf32>
        %get3A_680 = arith.index_cast %scan3A_647 : i32 to index
        %get3A_681 = arith.constant 80 : index
        %get3A_682 = tpu.vector_load %arg7[%get3A_680, %get3A_681] {strides = array<i32>} : memref<100x128xf32, #tpu.memory_space<vmem>>, vector<1x16xf32>,
        %get3A_683 = vector.shape_cast %get3A_682 : vector<1x16xf32> to vector<16xf32>
        %add3A_684 = arith.addf %scan3A_653, %get3A_683 : vector<16xf32>
        %get3A_685 = arith.index_cast %scan3A_647 : i32 to index
        %get3A_686 = arith.constant 96 : index
        %get3A_687 = tpu.vector_load %arg7[%get3A_685, %get3A_686] {strides = array<i32>} : memref<100x128xf32, #tpu.memory_space<vmem>>, vector<1x16xf32>,
        %get3A_688 = vector.shape_cast %get3A_687 : vector<1x16xf32> to vector<16xf32>
        %add3A_689 = arith.addf %scan3A_654, %get3A_688 : vector<16xf32>
        %get3A_690 = arith.index_cast %scan3A_647 : i32 to index
        %get3A_691 = arith.constant 112 : index
        %get3A_692 = tpu.vector_load %arg7[%get3A_690, %get3A_691] {strides = array<i32>} : memref<100x128xf32, #tpu.memory_space<vmem>>, vector<1x16xf32>,
        %get3A_693 = vector.shape_cast %get3A_692 : vector<1x16xf32> to vector<16xf32>
        %add3A_694 = arith.addf %scan3A_655, %get3A_693 : vector<16xf32>
        %scan3A_695 = arith.constant 1 : i32
        %scan3A_696 = arith.addi %scan3A_647, %scan3A_695 : i32
        %get3A_697 = arith.index_cast %scan3A_696 : i32 to index
        %get3A_698 = arith.constant 0 : index
        %get3A_699 = tpu.vector_load %arg7[%get3A_697, %get3A_698] {strides = array<i32>} : memref<100x128xf32, #tpu.memory_space<vmem>>, vector<1x16xf32>,
        %get3A_700 = vector.shape_cast %get3A_699 : vector<1x16xf32> to vector<16xf32>
        %add3A_701 = arith.addf %add3A_659, %get3A_700 : vector<16xf32>
        %get3A_702 = arith.index_cast %scan3A_696 : i32 to index
        %get3A_703 = arith.constant 16 : index
        %get3A_704 = tpu.vector_load %arg7[%get3A_702, %get3A_703] {strides = array<i32>} : memref<100x128xf32, #tpu.memory_space<vmem>>, vector<1x16xf32>,
        %get3A_705 = vector.shape_cast %get3A_704 : vector<1x16xf32> to vector<16xf32>
        %add3A_706 = arith.addf %add3A_664, %get3A_705 : vector<16xf32>
        %get3A_707 = arith.index_cast %scan3A_696 : i32 to index
        %get3A_708 = arith.constant 32 : index
        %get3A_709 = tpu.vector_load %arg7[%get3A_707, %get3A_708] {strides = array<i32>} : memref<100x128xf32, #tpu.memory_space<vmem>>, vector<1x16xf32>,
        %get3A_710 = vector.shape_cast %get3A_709 : vector<1x16xf32> to vector<16xf32>
        %add3A_711 = arith.addf %add3A_669, %get3A_710 : vector<16xf32>
        %get3A_712 = arith.index_cast %scan3A_696 : i32 to index
        %get3A_713 = arith.constant 48 : index
        %get3A_714 = tpu.vector_load %arg7[%get3A_712, %get3A_713] {strides = array<i32>} : memref<100x128xf32, #tpu.memory_space<vmem>>, vector<1x16xf32>,
        %get3A_715 = vector.shape_cast %get3A_714 : vector<1x16xf32> to vector<16xf32>
        %add3A_716 = arith.addf %add3A_674, %get3A_715 : vector<16xf32>
        %get3A_717 = arith.index_cast %scan3A_696 : i32 to index
        %get3A_718 = arith.constant 64 : index
        %get3A_719 = tpu.vector_load %arg7[%get3A_717, %get3A_718] {strides = array<i32>} : memref<100x128xf32, #tpu.memory_space<vmem>>, vector<1x16xf32>,
        %get3A_720 = vector.shape_cast %get3A_719 : vector<1x16xf32> to vector<16xf32>
        %add3A_721 = arith.addf %add3A_679, %get3A_720 : vector<16xf32>
        %get3A_722 = arith.index_cast %scan3A_696 : i32 to index
        %get3A_723 = arith.constant 80 : index
        %get3A_724 = tpu.vector_load %arg7[%get3A_722, %get3A_723] {strides = array<i32>} : memref<100x128xf32, #tpu.memory_space<vmem>>, vector<1x16xf32>,
        %get3A_725 = vector.shape_cast %get3A_724 : vector<1x16xf32> to vector<16xf32>
        %add3A_726 = arith.addf %add3A_684, %get3A_725 : vector<16xf32>
        %get3A_727 = arith.index_cast %scan3A_696 : i32 to index
        %get3A_728 = arith.constant 96 : index
        %get3A_729 = tpu.vector_load %arg7[%get3A_727, %get3A_728] {strides = array<i32>} : memref<100x128xf32, #tpu.memory_space<vmem>>, vector<1x16xf32>,
        %get3A_730 = vector.shape_cast %get3A_729 : vector<1x16xf32> to vector<16xf32>
        %add3A_731 = arith.addf %add3A_689, %get3A_730 : vector<16xf32>
        %get3A_732 = arith.index_cast %scan3A_696 : i32 to index
        %get3A_733 = arith.constant 112 : index
        %get3A_734 = tpu.vector_load %arg7[%get3A_732, %get3A_733] {strides = array<i32>} : memref<100x128xf32, #tpu.memory_space<vmem>>, vector<1x16xf32>,
        %get3A_735 = vector.shape_cast %get3A_734 : vector<1x16xf32> to vector<16xf32>
        %add3A_736 = arith.addf %add3A_694, %get3A_735 : vector<16xf32>
        %scan3A_737 = arith.constant 2 : i32
        %scan3A_738 = arith.addi %scan3A_647, %scan3A_737 : i32
        %get3A_739 = arith.index_cast %scan3A_738 : i32 to index
        %get3A_740 = arith.constant 0 : index
        %get3A_741 = tpu.vector_load %arg7[%get3A_739, %get3A_740] {strides = array<i32>} : memref<100x128xf32, #tpu.memory_space<vmem>>, vector<1x16xf32>,
        %get3A_742 = vector.shape_cast %get3A_741 : vector<1x16xf32> to vector<16xf32>
        %add3A_743 = arith.addf %add3A_701, %get3A_742 : vector<16xf32>
        %get3A_744 = arith.index_cast %scan3A_738 : i32 to index
        %get3A_745 = arith.constant 16 : index
        %get3A_746 = tpu.vector_load %arg7[%get3A_744, %get3A_745] {strides = array<i32>} : memref<100x128xf32, #tpu.memory_space<vmem>>, vector<1x16xf32>,
        %get3A_747 = vector.shape_cast %get3A_746 : vector<1x16xf32> to vector<16xf32>
        %add3A_748 = arith.addf %add3A_706, %get3A_747 : vector<16xf32>
        %get3A_749 = arith.index_cast %scan3A_738 : i32 to index
        %get3A_750 = arith.constant 32 : index
        %get3A_751 = tpu.vector_load %arg7[%get3A_749, %get3A_750] {strides = array<i32>} : memref<100x128xf32, #tpu.memory_space<vmem>>, vector<1x16xf32>,
        %get3A_752 = vector.shape_cast %get3A_751 : vector<1x16xf32> to vector<16xf32>
        %add3A_753 = arith.addf %add3A_711, %get3A_752 : vector<16xf32>
        %get3A_754 = arith.index_cast %scan3A_738 : i32 to index
        %get3A_755 = arith.constant 48 : index
        %get3A_756 = tpu.vector_load %arg7[%get3A_754, %get3A_755] {strides = array<i32>} : memref<100x128xf32, #tpu.memory_space<vmem>>, vector<1x16xf32>,
        %get3A_757 = vector.shape_cast %get3A_756 : vector<1x16xf32> to vector<16xf32>
        %add3A_758 = arith.addf %add3A_716, %get3A_757 : vector<16xf32>
        %get3A_759 = arith.index_cast %scan3A_738 : i32 to index
        %get3A_760 = arith.constant 64 : index
        %get3A_761 = tpu.vector_load %arg7[%get3A_759, %get3A_760] {strides = array<i32>} : memref<100x128xf32, #tpu.memory_space<vmem>>, vector<1x16xf32>,
        %get3A_762 = vector.shape_cast %get3A_761 : vector<1x16xf32> to vector<16xf32>
        %add3A_763 = arith.addf %add3A_721, %get3A_762 : vector<16xf32>
        %get3A_764 = arith.index_cast %scan3A_738 : i32 to index
        %get3A_765 = arith.constant 80 : index
        %get3A_766 = tpu.vector_load %arg7[%get3A_764, %get3A_765] {strides = array<i32>} : memref<100x128xf32, #tpu.memory_space<vmem>>, vector<1x16xf32>,
        %get3A_767 = vector.shape_cast %get3A_766 : vector<1x16xf32> to vector<16xf32>
        %add3A_768 = arith.addf %add3A_726, %get3A_767 : vector<16xf32>
        %get3A_769 = arith.index_cast %scan3A_738 : i32 to index
        %get3A_770 = arith.constant 96 : index
        %get3A_771 = tpu.vector_load %arg7[%get3A_769, %get3A_770] {strides = array<i32>} : memref<100x128xf32, #tpu.memory_space<vmem>>, vector<1x16xf32>,
        %get3A_772 = vector.shape_cast %get3A_771 : vector<1x16xf32> to vector<16xf32>
        %add3A_773 = arith.addf %add3A_731, %get3A_772 : vector<16xf32>
        %get3A_774 = arith.index_cast %scan3A_738 : i32 to index
        %get3A_775 = arith.constant 112 : index
        %get3A_776 = tpu.vector_load %arg7[%get3A_774, %get3A_775] {strides = array<i32>} : memref<100x128xf32, #tpu.memory_space<vmem>>, vector<1x16xf32>,
        %get3A_777 = vector.shape_cast %get3A_776 : vector<1x16xf32> to vector<16xf32>
        %add3A_778 = arith.addf %add3A_736, %get3A_777 : vector<16xf32>
        %scan3A_779 = arith.constant 3 : i32
        %scan3A_780 = arith.addi %scan3A_647, %scan3A_779 : i32
        %get3A_781 = arith.index_cast %scan3A_780 : i32 to index
        %get3A_782 = arith.constant 0 : index
        %get3A_783 = tpu.vector_load %arg7[%get3A_781, %get3A_782] {strides = array<i32>} : memref<100x128xf32, #tpu.memory_space<vmem>>, vector<1x16xf32>,
        %get3A_784 = vector.shape_cast %get3A_783 : vector<1x16xf32> to vector<16xf32>
        %add3A_785 = arith.addf %add3A_743, %get3A_784 : vector<16xf32>
        %get3A_786 = arith.index_cast %scan3A_780 : i32 to index
        %get3A_787 = arith.constant 16 : index
        %get3A_788 = tpu.vector_load %arg7[%get3A_786, %get3A_787] {strides = array<i32>} : memref<100x128xf32, #tpu.memory_space<vmem>>, vector<1x16xf32>,
        %get3A_789 = vector.shape_cast %get3A_788 : vector<1x16xf32> to vector<16xf32>
        %add3A_790 = arith.addf %add3A_748, %get3A_789 : vector<16xf32>
        %get3A_791 = arith.index_cast %scan3A_780 : i32 to index
        %get3A_792 = arith.constant 32 : index
        %get3A_793 = tpu.vector_load %arg7[%get3A_791, %get3A_792] {strides = array<i32>} : memref<100x128xf32, #tpu.memory_space<vmem>>, vector<1x16xf32>,
        %get3A_794 = vector.shape_cast %get3A_793 : vector<1x16xf32> to vector<16xf32>
        %add3A_795 = arith.addf %add3A_753, %get3A_794 : vector<16xf32>
        %get3A_796 = arith.index_cast %scan3A_780 : i32 to index
        %get3A_797 = arith.constant 48 : index
        %get3A_798 = tpu.vector_load %arg7[%get3A_796, %get3A_797] {strides = array<i32>} : memref<100x128xf32, #tpu.memory_space<vmem>>, vector<1x16xf32>,
        %get3A_799 = vector.shape_cast %get3A_798 : vector<1x16xf32> to vector<16xf32>
        %add3A_800 = arith.addf %add3A_758, %get3A_799 : vector<16xf32>
        %get3A_801 = arith.index_cast %scan3A_780 : i32 to index
        %get3A_802 = arith.constant 64 : index
        %get3A_803 = tpu.vector_load %arg7[%get3A_801, %get3A_802] {strides = array<i32>} : memref<100x128xf32, #tpu.memory_space<vmem>>, vector<1x16xf32>,
        %get3A_804 = vector.shape_cast %get3A_803 : vector<1x16xf32> to vector<16xf32>
        %add3A_805 = arith.addf %add3A_763, %get3A_804 : vector<16xf32>
        %get3A_806 = arith.index_cast %scan3A_780 : i32 to index
        %get3A_807 = arith.constant 80 : index
        %get3A_808 = tpu.vector_load %arg7[%get3A_806, %get3A_807] {strides = array<i32>} : memref<100x128xf32, #tpu.memory_space<vmem>>, vector<1x16xf32>,
        %get3A_809 = vector.shape_cast %get3A_808 : vector<1x16xf32> to vector<16xf32>
        %add3A_810 = arith.addf %add3A_768, %get3A_809 : vector<16xf32>
        %get3A_811 = arith.index_cast %scan3A_780 : i32 to index
        %get3A_812 = arith.constant 96 : index
        %get3A_813 = tpu.vector_load %arg7[%get3A_811, %get3A_812] {strides = array<i32>} : memref<100x128xf32, #tpu.memory_space<vmem>>, vector<1x16xf32>,
        %get3A_814 = vector.shape_cast %get3A_813 : vector<1x16xf32> to vector<16xf32>
        %add3A_815 = arith.addf %add3A_773, %get3A_814 : vector<16xf32>
        %get3A_816 = arith.index_cast %scan3A_780 : i32 to index
        %get3A_817 = arith.constant 112 : index
        %get3A_818 = tpu.vector_load %arg7[%get3A_816, %get3A_817] {strides = array<i32>} : memref<100x128xf32, #tpu.memory_space<vmem>>, vector<1x16xf32>,
        %get3A_819 = vector.shape_cast %get3A_818 : vector<1x16xf32> to vector<16xf32>
        %add3A_820 = arith.addf %add3A_778, %get3A_819 : vector<16xf32>
        scf.yield %add3A_785, %add3A_790, %add3A_795, %add3A_800, %add3A_805, %add3A_810, %add3A_815, %add3A_820 : vector<16xf32>, vector<16xf32>, vector<16xf32>, vector<16xf32>, vector<16xf32>, vector<16xf32>, vector<16xf32>, vector<16xf32>
      }
      %scan3A_350 = arith.constant 100 : i32
      %mul3A_351 = arith.constant 2 : i32
      %mul3A_352 = arith.muli %mul3A_351, %scan3A_206 : i32
      %add3A_353 = arith.constant 0 : i32
      %add3A_354 = arith.addi %mul3A_352, %add3A_353 : i32
      %swap3A_355 = arith.index_cast %add3A_354 : i32 to index
      %swap3A_356 = arith.constant 0 : index
      %swap3A_357 = tpu.vector_load %arg10[%swap3A_355, %swap3A_356] {strides = array<i32>} : memref<32x128xf32, #tpu.memory_space<vmem>>, vector<1x16xf32>,
      %swap3A_358 = vector.shape_cast %swap3A_357 : vector<1x16xf32> to vector<16xf32>
      %swap3A_359 = vector.shape_cast %scan3A_349#0 : vector<16xf32> to vector<1x16xf32>
      tpu.vector_store %arg10[%swap3A_355, %swap3A_356], %swap3A_359 {strides = array<i32>} : memref<32x128xf32, #tpu.memory_space<vmem>>, vector<1x16xf32>,
      %mul3A_360 = arith.constant 2 : i32
      %mul3A_361 = arith.muli %mul3A_360, %scan3A_206 : i32
      %add3A_362 = arith.constant 0 : i32
      %add3A_363 = arith.addi %mul3A_361, %add3A_362 : i32
      %swap3A_364 = arith.index_cast %add3A_363 : i32 to index
      %swap3A_365 = arith.constant 16 : index
      %swap3A_366 = tpu.vector_load %arg10[%swap3A_364, %swap3A_365] {strides = array<i32>} : memref<32x128xf32, #tpu.memory_space<vmem>>, vector<1x16xf32>,
      %swap3A_367 = vector.shape_cast %swap3A_366 : vector<1x16xf32> to vector<16xf32>
      %swap3A_368 = vector.shape_cast %scan3A_349#1 : vector<16xf32> to vector<1x16xf32>
      tpu.vector_store %arg10[%swap3A_364, %swap3A_365], %swap3A_368 {strides = array<i32>} : memref<32x128xf32, #tpu.memory_space<vmem>>, vector<1x16xf32>,
      %mul3A_369 = arith.constant 2 : i32
      %mul3A_370 = arith.muli %mul3A_369, %scan3A_206 : i32
      %add3A_371 = arith.constant 0 : i32
      %add3A_372 = arith.addi %mul3A_370, %add3A_371 : i32
      %swap3A_373 = arith.index_cast %add3A_372 : i32 to index
      %swap3A_374 = arith.constant 32 : index
      %swap3A_375 = tpu.vector_load %arg10[%swap3A_373, %swap3A_374] {strides = array<i32>} : memref<32x128xf32, #tpu.memory_space<vmem>>, vector<1x16xf32>,
      %swap3A_376 = vector.shape_cast %swap3A_375 : vector<1x16xf32> to vector<16xf32>
      %swap3A_377 = vector.shape_cast %scan3A_349#2 : vector<16xf32> to vector<1x16xf32>
      tpu.vector_store %arg10[%swap3A_373, %swap3A_374], %swap3A_377 {strides = array<i32>} : memref<32x128xf32, #tpu.memory_space<vmem>>, vector<1x16xf32>,
      %mul3A_378 = arith.constant 2 : i32
      %mul3A_379 = arith.muli %mul3A_378, %scan3A_206 : i32
      %add3A_380 = arith.constant 0 : i32
      %add3A_381 = arith.addi %mul3A_379, %add3A_380 : i32
      %swap3A_382 = arith.index_cast %add3A_381 : i32 to index
      %swap3A_383 = arith.constant 48 : index
      %swap3A_384 = tpu.vector_load %arg10[%swap3A_382, %swap3A_383] {strides = array<i32>} : memref<32x128xf32, #tpu.memory_space<vmem>>, vector<1x16xf32>,
      %swap3A_385 = vector.shape_cast %swap3A_384 : vector<1x16xf32> to vector<16xf32>
      %swap3A_386 = vector.shape_cast %scan3A_349#3 : vector<16xf32> to vector<1x16xf32>
      tpu.vector_store %arg10[%swap3A_382, %swap3A_383], %swap3A_386 {strides = array<i32>} : memref<32x128xf32, #tpu.memory_space<vmem>>, vector<1x16xf32>,
      %mul3A_387 = arith.constant 2 : i32
      %mul3A_388 = arith.muli %mul3A_387, %scan3A_206 : i32
      %add3A_389 = arith.constant 0 : i32
      %add3A_390 = arith.addi %mul3A_388, %add3A_389 : i32
      %swap3A_391 = arith.index_cast %add3A_390 : i32 to index
      %swap3A_392 = arith.constant 64 : index
      %swap3A_393 = tpu.vector_load %arg10[%swap3A_391, %swap3A_392] {strides = array<i32>} : memref<32x128xf32, #tpu.memory_space<vmem>>, vector<1x16xf32>,
      %swap3A_394 = vector.shape_cast %swap3A_393 : vector<1x16xf32> to vector<16xf32>
      %swap3A_395 = vector.shape_cast %scan3A_349#4 : vector<16xf32> to vector<1x16xf32>
      tpu.vector_store %arg10[%swap3A_391, %swap3A_392], %swap3A_395 {strides = array<i32>} : memref<32x128xf32, #tpu.memory_space<vmem>>, vector<1x16xf32>,
      %mul3A_396 = arith.constant 2 : i32
      %mul3A_397 = arith.muli %mul3A_396, %scan3A_206 : i32
      %add3A_398 = arith.constant 0 : i32
      %add3A_399 = arith.addi %mul3A_397, %add3A_398 : i32
      %swap3A_400 = arith.index_cast %add3A_399 : i32 to index
      %swap3A_401 = arith.constant 80 : index
      %swap3A_402 = tpu.vector_load %arg10[%swap3A_400, %swap3A_401] {strides = array<i32>} : memref<32x128xf32, #tpu.memory_space<vmem>>, vector<1x16xf32>,
      %swap3A_403 = vector.shape_cast %swap3A_402 : vector<1x16xf32> to vector<16xf32>
      %swap3A_404 = vector.shape_cast %scan3A_349#5 : vector<16xf32> to vector<1x16xf32>
      tpu.vector_store %arg10[%swap3A_400, %swap3A_401], %swap3A_404 {strides = array<i32>} : memref<32x128xf32, #tpu.memory_space<vmem>>, vector<1x16xf32>,
      %mul3A_405 = arith.constant 2 : i32
      %mul3A_406 = arith.muli %mul3A_405, %scan3A_206 : i32
      %add3A_407 = arith.constant 0 : i32
      %add3A_408 = arith.addi %mul3A_406, %add3A_407 : i32
      %swap3A_409 = arith.index_cast %add3A_408 : i32 to index
      %swap3A_410 = arith.constant 96 : index
      %swap3A_411 = tpu.vector_load %arg10[%swap3A_409, %swap3A_410] {strides = array<i32>} : memref<32x128xf32, #tpu.memory_space<vmem>>, vector<1x16xf32>,
      %swap3A_412 = vector.shape_cast %swap3A_411 : vector<1x16xf32> to vector<16xf32>
      %swap3A_413 = vector.shape_cast %scan3A_349#6 : vector<16xf32> to vector<1x16xf32>
      tpu.vector_store %arg10[%swap3A_409, %swap3A_410], %swap3A_413 {strides = array<i32>} : memref<32x128xf32, #tpu.memory_space<vmem>>, vector<1x16xf32>,
      %mul3A_414 = arith.constant 2 : i32
      %mul3A_415 = arith.muli %mul3A_414, %scan3A_206 : i32
      %add3A_416 = arith.constant 0 : i32
      %add3A_417 = arith.addi %mul3A_415, %add3A_416 : i32
      %swap3A_418 = arith.index_cast %add3A_417 : i32 to index
      %swap3A_419 = arith.constant 112 : index
      %swap3A_420 = tpu.vector_load %arg10[%swap3A_418, %swap3A_419] {strides = array<i32>} : memref<32x128xf32, #tpu.memory_space<vmem>>, vector<1x16xf32>,
      %swap3A_421 = vector.shape_cast %swap3A_420 : vector<1x16xf32> to vector<16xf32>
      %swap3A_422 = vector.shape_cast %scan3A_349#7 : vector<16xf32> to vector<1x16xf32>
      tpu.vector_store %arg10[%swap3A_418, %swap3A_419], %swap3A_422 {strides = array<i32>} : memref<32x128xf32, #tpu.memory_space<vmem>>, vector<1x16xf32>,
      %mul3A_423 = arith.constant 4 : i32
      %mul3A_424 = arith.muli %mul3A_423, %scan3A_206 : i32
      %add3A_425 = arith.constant 2 : i32
      %add3A_426 = arith.addi %mul3A_424, %add3A_425 : i32
      %add3A_427 = arith.constant 4 : i32
      %add3A_428 = arith.addi %add3A_426, %add3A_427 : i32
      %sub3A_429 = arith.constant 1 : i32
      %sub3A_430 = arith.subi %add3A_428, %sub3A_429 : i32
      %jit3A_431 = arith.constant 2 : i32
      %div3A_432 = arith.divsi %sub3A_430, %jit3A_431 : i32
      %sign3A_433 = arith.constant 0 : i32
      %sign3A_434 = arith.cmpi sgt, %sub3A_430, %sign3A_433 : i32
      %sign3A_435 = arith.extui %sign3A_434 : i1 to i32
      %sign3A_436 = arith.constant 0 : i32
      %sign3A_437 = arith.cmpi slt, %sub3A_430, %sign3A_436 : i32
      %sign3A_438 = arith.extui %sign3A_437 : i1 to i32
      %sign3A_439 = arith.subi %sign3A_435, %sign3A_438 : i32
      %sign3A_440 = arith.constant 0 : i32
      %sign3A_441 = arith.cmpi sgt, %jit3A_431, %sign3A_440 : i32
      %sign3A_442 = arith.extui %sign3A_441 : i1 to i32
      %sign3A_443 = arith.constant 0 : i32
      %sign3A_444 = arith.cmpi slt, %jit3A_431, %sign3A_443 : i32
      %sign3A_445 = arith.extui %sign3A_444 : i1 to i32
      %sign3A_446 = arith.subi %sign3A_442, %sign3A_445 : i32
      %ne3A_447 = arith.cmpi ne, %sign3A_439, %sign3A_446 : i32
      %rem3A_448 = arith.remsi %sub3A_430, %jit3A_431 : i32
      %ne3A_449 = arith.constant 0 : i32
      %ne3A_450 = arith.cmpi ne, %rem3A_448, %ne3A_449 : i32
      %and3A_451 = arith.andi %ne3A_447, %ne3A_450 : i1
      %sub3A_452 = arith.constant 1 : i32
      %sub3A_453 = arith.subi %div3A_432, %sub3A_452 : i32
      %select_n3A_454 = arith.select %and3A_451, %sub3A_453, %div3A_432 : i32
      %dma_start3A_455 = arith.constant 1 : i32
      %dma_start3A_456 = arith.constant 0 : i32
      %dma_start3A_457 = tpu.memref_slice %arg5[%select_n3A_454, %dma_start3A_455, %dma_start3A_456] : memref<32x2x100xi32, #tpu.memory_space<vmem>> -> memref<1x1x100xi32, #tpu.memory_space<vmem>>
      %dma_start3A_458 = tpu.memref_squeeze %dma_start3A_457 : memref<1x1x100xi32, #tpu.memory_space<vmem>> -> memref<100xi32, #tpu.memory_space<vmem>>
      %dma_start3A_459 = arith.constant 0 : i32
      %dma_start3A_460 = arith.constant 0 : i32
      %dma_start3A_461 = tpu.memref_slice %arg3[%dma_start3A_459, %dma_start3A_460] : memref<100000x128xf32, #tpu.memory_space<hbm>> -> memref<100000x128xf32, #tpu.memory_space<hbm>>
      tpu.enqueue_indirect_dma source(%dma_start3A_461 : memref<100000x128xf32, #tpu.memory_space<hbm>>) target(%arg7 : memref<100x128xf32, #tpu.memory_space<vmem>>) offsets(%dma_start3A_458 : memref<100xi32, #tpu.memory_space<vmem>>) semaphore(%arg12 : memref<!tpu.dma_semaphore, #tpu.memory_space<semaphore_mem>>)
      %jit3A_462 = arith.constant 2 : i32
      %div3A_463 = arith.divsi %add3A_426, %jit3A_462 : i32
      %sign3A_464 = arith.constant 0 : i32
      %sign3A_465 = arith.cmpi sgt, %add3A_426, %sign3A_464 : i32
      %sign3A_466 = arith.extui %sign3A_465 : i1 to i32
      %sign3A_467 = arith.constant 0 : i32
      %sign3A_468 = arith.cmpi slt, %add3A_426, %sign3A_467 : i32
      %sign3A_469 = arith.extui %sign3A_468 : i1 to i32
      %sign3A_470 = arith.subi %sign3A_466, %sign3A_469 : i32
      %sign3A_471 = arith.constant 0 : i32
      %sign3A_472 = arith.cmpi sgt, %jit3A_462, %sign3A_471 : i32
      %sign3A_473 = arith.extui %sign3A_472 : i1 to i32
      %sign3A_474 = arith.constant 0 : i32
      %sign3A_475 = arith.cmpi slt, %jit3A_462, %sign3A_474 : i32
      %sign3A_476 = arith.extui %sign3A_475 : i1 to i32
      %sign3A_477 = arith.subi %sign3A_473, %sign3A_476 : i32
      %ne3A_478 = arith.cmpi ne, %sign3A_470, %sign3A_477 : i32
      %rem3A_479 = arith.remsi %add3A_426, %jit3A_462 : i32
      %ne3A_480 = arith.constant 0 : i32
      %ne3A_481 = arith.cmpi ne, %rem3A_479, %ne3A_480 : i32
      %and3A_482 = arith.andi %ne3A_478, %ne3A_481 : i1
      %sub3A_483 = arith.constant 1 : i32
      %sub3A_484 = arith.subi %div3A_463, %sub3A_483 : i32
      %select_n3A_485 = arith.select %and3A_482, %sub3A_484, %div3A_463 : i32
      %dma_wait3A_486 = arith.constant 0 : i32
      %dma_wait3A_487 = arith.constant 0 : i32
      %dma_wait3A_488 = tpu.memref_slice %arg5[%select_n3A_485, %dma_wait3A_486, %dma_wait3A_487] : memref<32x2x100xi32, #tpu.memory_space<vmem>> -> memref<1x1x100xi32, #tpu.memory_space<vmem>>
      %dma_wait3A_489 = tpu.memref_squeeze %dma_wait3A_488 : memref<1x1x100xi32, #tpu.memory_space<vmem>> -> memref<100xi32, #tpu.memory_space<vmem>>
      %dma_wait3A_490 = arith.constant 0 : i32
      %dma_wait3A_491 = arith.constant 0 : i32
      %dma_wait3A_492 = tpu.memref_slice %arg3[%dma_wait3A_490, %dma_wait3A_491] : memref<100000x128xf32, #tpu.memory_space<hbm>> -> memref<100000x128xf32, #tpu.memory_space<hbm>>
      tpu.wait_indirect_dma semaphore(%arg13 : memref<!tpu.dma_semaphore, #tpu.memory_space<semaphore_mem>>) src(%dma_wait3A_492 : memref<100000x128xf32, #tpu.memory_space<hbm>>) dst(%arg8 : memref<100x128xf32, #tpu.memory_space<vmem>>)
      %scan3A_493 = arith.constant 0 : i32
      %scan3A_494 = arith.constant 100 : i32
      %scan3A_495 = arith.addi %scan3A_493, %scan3A_494 : i32
      %scan3A_496 = arith.constant 4 : i32
      %scan3A_497:8 = scf.for %scan3A_647 = %scan3A_493 to %scan3A_495 step %scan3A_496 iter_args(%scan3A_648 = %broadcast_in_dim3A_26, %scan3A_649 = %broadcast_in_dim3A_28, %scan3A_650 = %broadcast_in_dim3A_30, %scan3A_651 = %broadcast_in_dim3A_32, %scan3A_652 = %broadcast_in_dim3A_34, %scan3A_653 = %broadcast_in_dim3A_36, %scan3A_654 = %broadcast_in_dim3A_38, %scan3A_655 = %broadcast_in_dim3A_40) -> (vector<16xf32>, vector<16xf32>, vector<16xf32>, vector<16xf32>, vector<16xf32>, vector<16xf32>, vector<16xf32>, vector<16xf32>)  : i32 {
        %get3A = arith.index_cast %scan3A_647 : i32 to index
        %get3A_656 = arith.constant 0 : index
        %get3A_657 = tpu.vector_load %arg8[%get3A, %get3A_656] {strides = array<i32>} : memref<100x128xf32, #tpu.memory_space<vmem>>, vector<1x16xf32>,
        %get3A_658 = vector.shape_cast %get3A_657 : vector<1x16xf32> to vector<16xf32>
        %add3A_659 = arith.addf %scan3A_648, %get3A_658 : vector<16xf32>
        %get3A_660 = arith.index_cast %scan3A_647 : i32 to index
        %get3A_661 = arith.constant 16 : index
        %get3A_662 = tpu.vector_load %arg8[%get3A_660, %get3A_661] {strides = array<i32>} : memref<100x128xf32, #tpu.memory_space<vmem>>, vector<1x16xf32>,
        %get3A_663 = vector.shape_cast %get3A_662 : vector<1x16xf32> to vector<16xf32>
        %add3A_664 = arith.addf %scan3A_649, %get3A_663 : vector<16xf32>
        %get3A_665 = arith.index_cast %scan3A_647 : i32 to index
        %get3A_666 = arith.constant 32 : index
        %get3A_667 = tpu.vector_load %arg8[%get3A_665, %get3A_666] {strides = array<i32>} : memref<100x128xf32, #tpu.memory_space<vmem>>, vector<1x16xf32>,
        %get3A_668 = vector.shape_cast %get3A_667 : vector<1x16xf32> to vector<16xf32>
        %add3A_669 = arith.addf %scan3A_650, %get3A_668 : vector<16xf32>
        %get3A_670 = arith.index_cast %scan3A_647 : i32 to index
        %get3A_671 = arith.constant 48 : index
        %get3A_672 = tpu.vector_load %arg8[%get3A_670, %get3A_671] {strides = array<i32>} : memref<100x128xf32, #tpu.memory_space<vmem>>, vector<1x16xf32>,
        %get3A_673 = vector.shape_cast %get3A_672 : vector<1x16xf32> to vector<16xf32>
        %add3A_674 = arith.addf %scan3A_651, %get3A_673 : vector<16xf32>
        %get3A_675 = arith.index_cast %scan3A_647 : i32 to index
        %get3A_676 = arith.constant 64 : index
        %get3A_677 = tpu.vector_load %arg8[%get3A_675, %get3A_676] {strides = array<i32>} : memref<100x128xf32, #tpu.memory_space<vmem>>, vector<1x16xf32>,
        %get3A_678 = vector.shape_cast %get3A_677 : vector<1x16xf32> to vector<16xf32>
        %add3A_679 = arith.addf %scan3A_652, %get3A_678 : vector<16xf32>
        %get3A_680 = arith.index_cast %scan3A_647 : i32 to index
        %get3A_681 = arith.constant 80 : index
        %get3A_682 = tpu.vector_load %arg8[%get3A_680, %get3A_681] {strides = array<i32>} : memref<100x128xf32, #tpu.memory_space<vmem>>, vector<1x16xf32>,
        %get3A_683 = vector.shape_cast %get3A_682 : vector<1x16xf32> to vector<16xf32>
        %add3A_684 = arith.addf %scan3A_653, %get3A_683 : vector<16xf32>
        %get3A_685 = arith.index_cast %scan3A_647 : i32 to index
        %get3A_686 = arith.constant 96 : index
        %get3A_687 = tpu.vector_load %arg8[%get3A_685, %get3A_686] {strides = array<i32>} : memref<100x128xf32, #tpu.memory_space<vmem>>, vector<1x16xf32>,
        %get3A_688 = vector.shape_cast %get3A_687 : vector<1x16xf32> to vector<16xf32>
        %add3A_689 = arith.addf %scan3A_654, %get3A_688 : vector<16xf32>
        %get3A_690 = arith.index_cast %scan3A_647 : i32 to index
        %get3A_691 = arith.constant 112 : index
        %get3A_692 = tpu.vector_load %arg8[%get3A_690, %get3A_691] {strides = array<i32>} : memref<100x128xf32, #tpu.memory_space<vmem>>, vector<1x16xf32>,
        %get3A_693 = vector.shape_cast %get3A_692 : vector<1x16xf32> to vector<16xf32>
        %add3A_694 = arith.addf %scan3A_655, %get3A_693 : vector<16xf32>
        %scan3A_695 = arith.constant 1 : i32
        %scan3A_696 = arith.addi %scan3A_647, %scan3A_695 : i32
        %get3A_697 = arith.index_cast %scan3A_696 : i32 to index
        %get3A_698 = arith.constant 0 : index
        %get3A_699 = tpu.vector_load %arg8[%get3A_697, %get3A_698] {strides = array<i32>} : memref<100x128xf32, #tpu.memory_space<vmem>>, vector<1x16xf32>,
        %get3A_700 = vector.shape_cast %get3A_699 : vector<1x16xf32> to vector<16xf32>
        %add3A_701 = arith.addf %add3A_659, %get3A_700 : vector<16xf32>
        %get3A_702 = arith.index_cast %scan3A_696 : i32 to index
        %get3A_703 = arith.constant 16 : index
        %get3A_704 = tpu.vector_load %arg8[%get3A_702, %get3A_703] {strides = array<i32>} : memref<100x128xf32, #tpu.memory_space<vmem>>, vector<1x16xf32>,
        %get3A_705 = vector.shape_cast %get3A_704 : vector<1x16xf32> to vector<16xf32>
        %add3A_706 = arith.addf %add3A_664, %get3A_705 : vector<16xf32>
        %get3A_707 = arith.index_cast %scan3A_696 : i32 to index
        %get3A_708 = arith.constant 32 : index
        %get3A_709 = tpu.vector_load %arg8[%get3A_707, %get3A_708] {strides = array<i32>} : memref<100x128xf32, #tpu.memory_space<vmem>>, vector<1x16xf32>,
        %get3A_710 = vector.shape_cast %get3A_709 : vector<1x16xf32> to vector<16xf32>
        %add3A_711 = arith.addf %add3A_669, %get3A_710 : vector<16xf32>
        %get3A_712 = arith.index_cast %scan3A_696 : i32 to index
        %get3A_713 = arith.constant 48 : index
        %get3A_714 = tpu.vector_load %arg8[%get3A_712, %get3A_713] {strides = array<i32>} : memref<100x128xf32, #tpu.memory_space<vmem>>, vector<1x16xf32>,
        %get3A_715 = vector.shape_cast %get3A_714 : vector<1x16xf32> to vector<16xf32>
        %add3A_716 = arith.addf %add3A_674, %get3A_715 : vector<16xf32>
        %get3A_717 = arith.index_cast %scan3A_696 : i32 to index
        %get3A_718 = arith.constant 64 : index
        %get3A_719 = tpu.vector_load %arg8[%get3A_717, %get3A_718] {strides = array<i32>} : memref<100x128xf32, #tpu.memory_space<vmem>>, vector<1x16xf32>,
        %get3A_720 = vector.shape_cast %get3A_719 : vector<1x16xf32> to vector<16xf32>
        %add3A_721 = arith.addf %add3A_679, %get3A_720 : vector<16xf32>
        %get3A_722 = arith.index_cast %scan3A_696 : i32 to index
        %get3A_723 = arith.constant 80 : index
        %get3A_724 = tpu.vector_load %arg8[%get3A_722, %get3A_723] {strides = array<i32>} : memref<100x128xf32, #tpu.memory_space<vmem>>, vector<1x16xf32>,
        %get3A_725 = vector.shape_cast %get3A_724 : vector<1x16xf32> to vector<16xf32>
        %add3A_726 = arith.addf %add3A_684, %get3A_725 : vector<16xf32>
        %get3A_727 = arith.index_cast %scan3A_696 : i32 to index
        %get3A_728 = arith.constant 96 : index
        %get3A_729 = tpu.vector_load %arg8[%get3A_727, %get3A_728] {strides = array<i32>} : memref<100x128xf32, #tpu.memory_space<vmem>>, vector<1x16xf32>,
        %get3A_730 = vector.shape_cast %get3A_729 : vector<1x16xf32> to vector<16xf32>
        %add3A_731 = arith.addf %add3A_689, %get3A_730 : vector<16xf32>
        %get3A_732 = arith.index_cast %scan3A_696 : i32 to index
        %get3A_733 = arith.constant 112 : index
        %get3A_734 = tpu.vector_load %arg8[%get3A_732, %get3A_733] {strides = array<i32>} : memref<100x128xf32, #tpu.memory_space<vmem>>, vector<1x16xf32>,
        %get3A_735 = vector.shape_cast %get3A_734 : vector<1x16xf32> to vector<16xf32>
        %add3A_736 = arith.addf %add3A_694, %get3A_735 : vector<16xf32>
        %scan3A_737 = arith.constant 2 : i32
        %scan3A_738 = arith.addi %scan3A_647, %scan3A_737 : i32
        %get3A_739 = arith.index_cast %scan3A_738 : i32 to index
        %get3A_740 = arith.constant 0 : index
        %get3A_741 = tpu.vector_load %arg8[%get3A_739, %get3A_740] {strides = array<i32>} : memref<100x128xf32, #tpu.memory_space<vmem>>, vector<1x16xf32>,
        %get3A_742 = vector.shape_cast %get3A_741 : vector<1x16xf32> to vector<16xf32>
        %add3A_743 = arith.addf %add3A_701, %get3A_742 : vector<16xf32>
        %get3A_744 = arith.index_cast %scan3A_738 : i32 to index
        %get3A_745 = arith.constant 16 : index
        %get3A_746 = tpu.vector_load %arg8[%get3A_744, %get3A_745] {strides = array<i32>} : memref<100x128xf32, #tpu.memory_space<vmem>>, vector<1x16xf32>,
        %get3A_747 = vector.shape_cast %get3A_746 : vector<1x16xf32> to vector<16xf32>
        %add3A_748 = arith.addf %add3A_706, %get3A_747 : vector<16xf32>
        %get3A_749 = arith.index_cast %scan3A_738 : i32 to index
        %get3A_750 = arith.constant 32 : index
        %get3A_751 = tpu.vector_load %arg8[%get3A_749, %get3A_750] {strides = array<i32>} : memref<100x128xf32, #tpu.memory_space<vmem>>, vector<1x16xf32>,
        %get3A_752 = vector.shape_cast %get3A_751 : vector<1x16xf32> to vector<16xf32>
        %add3A_753 = arith.addf %add3A_711, %get3A_752 : vector<16xf32>
        %get3A_754 = arith.index_cast %scan3A_738 : i32 to index
        %get3A_755 = arith.constant 48 : index
        %get3A_756 = tpu.vector_load %arg8[%get3A_754, %get3A_755] {strides = array<i32>} : memref<100x128xf32, #tpu.memory_space<vmem>>, vector<1x16xf32>,
        %get3A_757 = vector.shape_cast %get3A_756 : vector<1x16xf32> to vector<16xf32>
        %add3A_758 = arith.addf %add3A_716, %get3A_757 : vector<16xf32>
        %get3A_759 = arith.index_cast %scan3A_738 : i32 to index
        %get3A_760 = arith.constant 64 : index
        %get3A_761 = tpu.vector_load %arg8[%get3A_759, %get3A_760] {strides = array<i32>} : memref<100x128xf32, #tpu.memory_space<vmem>>, vector<1x16xf32>,
        %get3A_762 = vector.shape_cast %get3A_761 : vector<1x16xf32> to vector<16xf32>
        %add3A_763 = arith.addf %add3A_721, %get3A_762 : vector<16xf32>
        %get3A_764 = arith.index_cast %scan3A_738 : i32 to index
        %get3A_765 = arith.constant 80 : index
        %get3A_766 = tpu.vector_load %arg8[%get3A_764, %get3A_765] {strides = array<i32>} : memref<100x128xf32, #tpu.memory_space<vmem>>, vector<1x16xf32>,
        %get3A_767 = vector.shape_cast %get3A_766 : vector<1x16xf32> to vector<16xf32>
        %add3A_768 = arith.addf %add3A_726, %get3A_767 : vector<16xf32>
        %get3A_769 = arith.index_cast %scan3A_738 : i32 to index
        %get3A_770 = arith.constant 96 : index
        %get3A_771 = tpu.vector_load %arg8[%get3A_769, %get3A_770] {strides = array<i32>} : memref<100x128xf32, #tpu.memory_space<vmem>>, vector<1x16xf32>,
        %get3A_772 = vector.shape_cast %get3A_771 : vector<1x16xf32> to vector<16xf32>
        %add3A_773 = arith.addf %add3A_731, %get3A_772 : vector<16xf32>
        %get3A_774 = arith.index_cast %scan3A_738 : i32 to index
        %get3A_775 = arith.constant 112 : index
        %get3A_776 = tpu.vector_load %arg8[%get3A_774, %get3A_775] {strides = array<i32>} : memref<100x128xf32, #tpu.memory_space<vmem>>, vector<1x16xf32>,
        %get3A_777 = vector.shape_cast %get3A_776 : vector<1x16xf32> to vector<16xf32>
        %add3A_778 = arith.addf %add3A_736, %get3A_777 : vector<16xf32>
        %scan3A_779 = arith.constant 3 : i32
        %scan3A_780 = arith.addi %scan3A_647, %scan3A_779 : i32
        %get3A_781 = arith.index_cast %scan3A_780 : i32 to index
        %get3A_782 = arith.constant 0 : index
        %get3A_783 = tpu.vector_load %arg8[%get3A_781, %get3A_782] {strides = array<i32>} : memref<100x128xf32, #tpu.memory_space<vmem>>, vector<1x16xf32>,
        %get3A_784 = vector.shape_cast %get3A_783 : vector<1x16xf32> to vector<16xf32>
        %add3A_785 = arith.addf %add3A_743, %get3A_784 : vector<16xf32>
        %get3A_786 = arith.index_cast %scan3A_780 : i32 to index
        %get3A_787 = arith.constant 16 : index
        %get3A_788 = tpu.vector_load %arg8[%get3A_786, %get3A_787] {strides = array<i32>} : memref<100x128xf32, #tpu.memory_space<vmem>>, vector<1x16xf32>,
        %get3A_789 = vector.shape_cast %get3A_788 : vector<1x16xf32> to vector<16xf32>
        %add3A_790 = arith.addf %add3A_748, %get3A_789 : vector<16xf32>
        %get3A_791 = arith.index_cast %scan3A_780 : i32 to index
        %get3A_792 = arith.constant 32 : index
        %get3A_793 = tpu.vector_load %arg8[%get3A_791, %get3A_792] {strides = array<i32>} : memref<100x128xf32, #tpu.memory_space<vmem>>, vector<1x16xf32>,
        %get3A_794 = vector.shape_cast %get3A_793 : vector<1x16xf32> to vector<16xf32>
        %add3A_795 = arith.addf %add3A_753, %get3A_794 : vector<16xf32>
        %get3A_796 = arith.index_cast %scan3A_780 : i32 to index
        %get3A_797 = arith.constant 48 : index
        %get3A_798 = tpu.vector_load %arg8[%get3A_796, %get3A_797] {strides = array<i32>} : memref<100x128xf32, #tpu.memory_space<vmem>>, vector<1x16xf32>,
        %get3A_799 = vector.shape_cast %get3A_798 : vector<1x16xf32> to vector<16xf32>
        %add3A_800 = arith.addf %add3A_758, %get3A_799 : vector<16xf32>
        %get3A_801 = arith.index_cast %scan3A_780 : i32 to index
        %get3A_802 = arith.constant 64 : index
        %get3A_803 = tpu.vector_load %arg8[%get3A_801, %get3A_802] {strides = array<i32>} : memref<100x128xf32, #tpu.memory_space<vmem>>, vector<1x16xf32>,
        %get3A_804 = vector.shape_cast %get3A_803 : vector<1x16xf32> to vector<16xf32>
        %add3A_805 = arith.addf %add3A_763, %get3A_804 : vector<16xf32>
        %get3A_806 = arith.index_cast %scan3A_780 : i32 to index
        %get3A_807 = arith.constant 80 : index
        %get3A_808 = tpu.vector_load %arg8[%get3A_806, %get3A_807] {strides = array<i32>} : memref<100x128xf32, #tpu.memory_space<vmem>>, vector<1x16xf32>,
        %get3A_809 = vector.shape_cast %get3A_808 : vector<1x16xf32> to vector<16xf32>
        %add3A_810 = arith.addf %add3A_768, %get3A_809 : vector<16xf32>
        %get3A_811 = arith.index_cast %scan3A_780 : i32 to index
        %get3A_812 = arith.constant 96 : index
        %get3A_813 = tpu.vector_load %arg8[%get3A_811, %get3A_812] {strides = array<i32>} : memref<100x128xf32, #tpu.memory_space<vmem>>, vector<1x16xf32>,
        %get3A_814 = vector.shape_cast %get3A_813 : vector<1x16xf32> to vector<16xf32>
        %add3A_815 = arith.addf %add3A_773, %get3A_814 : vector<16xf32>
        %get3A_816 = arith.index_cast %scan3A_780 : i32 to index
        %get3A_817 = arith.constant 112 : index
        %get3A_818 = tpu.vector_load %arg8[%get3A_816, %get3A_817] {strides = array<i32>} : memref<100x128xf32, #tpu.memory_space<vmem>>, vector<1x16xf32>,
        %get3A_819 = vector.shape_cast %get3A_818 : vector<1x16xf32> to vector<16xf32>
        %add3A_820 = arith.addf %add3A_778, %get3A_819 : vector<16xf32>
        scf.yield %add3A_785, %add3A_790, %add3A_795, %add3A_800, %add3A_805, %add3A_810, %add3A_815, %add3A_820 : vector<16xf32>, vector<16xf32>, vector<16xf32>, vector<16xf32>, vector<16xf32>, vector<16xf32>, vector<16xf32>, vector<16xf32>
      }
      %scan3A_498 = arith.constant 100 : i32
      %mul3A_499 = arith.constant 4 : i32
      %mul3A_500 = arith.muli %mul3A_499, %scan3A_206 : i32
      %add3A_501 = arith.constant 3 : i32
      %add3A_502 = arith.addi %mul3A_500, %add3A_501 : i32
      %add3A_503 = arith.constant 4 : i32
      %add3A_504 = arith.addi %add3A_502, %add3A_503 : i32
      %sub3A_505 = arith.constant 1 : i32
      %sub3A_506 = arith.subi %add3A_504, %sub3A_505 : i32
      %jit3A_507 = arith.constant 2 : i32
      %div3A_508 = arith.divsi %sub3A_506, %jit3A_507 : i32
      %sign3A_509 = arith.constant 0 : i32
      %sign3A_510 = arith.cmpi sgt, %sub3A_506, %sign3A_509 : i32
      %sign3A_511 = arith.extui %sign3A_510 : i1 to i32
      %sign3A_512 = arith.constant 0 : i32
      %sign3A_513 = arith.cmpi slt, %sub3A_506, %sign3A_512 : i32
      %sign3A_514 = arith.extui %sign3A_513 : i1 to i32
      %sign3A_515 = arith.subi %sign3A_511, %sign3A_514 : i32
      %sign3A_516 = arith.constant 0 : i32
      %sign3A_517 = arith.cmpi sgt, %jit3A_507, %sign3A_516 : i32
      %sign3A_518 = arith.extui %sign3A_517 : i1 to i32
      %sign3A_519 = arith.constant 0 : i32
      %sign3A_520 = arith.cmpi slt, %jit3A_507, %sign3A_519 : i32
      %sign3A_521 = arith.extui %sign3A_520 : i1 to i32
      %sign3A_522 = arith.subi %sign3A_518, %sign3A_521 : i32
      %ne3A_523 = arith.cmpi ne, %sign3A_515, %sign3A_522 : i32
      %rem3A_524 = arith.remsi %sub3A_506, %jit3A_507 : i32
      %ne3A_525 = arith.constant 0 : i32
      %ne3A_526 = arith.cmpi ne, %rem3A_524, %ne3A_525 : i32
      %and3A_527 = arith.andi %ne3A_523, %ne3A_526 : i1
      %sub3A_528 = arith.constant 1 : i32
      %sub3A_529 = arith.subi %div3A_508, %sub3A_528 : i32
      %select_n3A_530 = arith.select %and3A_527, %sub3A_529, %div3A_508 : i32
      %dma_start3A_531 = arith.constant 0 : i32
      %dma_start3A_532 = arith.constant 0 : i32
      %dma_start3A_533 = tpu.memref_slice %arg5[%select_n3A_530, %dma_start3A_531, %dma_start3A_532] : memref<32x2x100xi32, #tpu.memory_space<vmem>> -> memref<1x1x100xi32, #tpu.memory_space<vmem>>
      %dma_start3A_534 = tpu.memref_squeeze %dma_start3A_533 : memref<1x1x100xi32, #tpu.memory_space<vmem>> -> memref<100xi32, #tpu.memory_space<vmem>>
      %dma_start3A_535 = arith.constant 0 : i32
      %dma_start3A_536 = arith.constant 0 : i32
      %dma_start3A_537 = tpu.memref_slice %arg3[%dma_start3A_535, %dma_start3A_536] : memref<100000x128xf32, #tpu.memory_space<hbm>> -> memref<100000x128xf32, #tpu.memory_space<hbm>>
      tpu.enqueue_indirect_dma source(%dma_start3A_537 : memref<100000x128xf32, #tpu.memory_space<hbm>>) target(%arg8 : memref<100x128xf32, #tpu.memory_space<vmem>>) offsets(%dma_start3A_534 : memref<100xi32, #tpu.memory_space<vmem>>) semaphore(%arg13 : memref<!tpu.dma_semaphore, #tpu.memory_space<semaphore_mem>>)
      %jit3A_538 = arith.constant 2 : i32
      %div3A_539 = arith.divsi %add3A_502, %jit3A_538 : i32
      %sign3A_540 = arith.constant 0 : i32
      %sign3A_541 = arith.cmpi sgt, %add3A_502, %sign3A_540 : i32
      %sign3A_542 = arith.extui %sign3A_541 : i1 to i32
      %sign3A_543 = arith.constant 0 : i32
      %sign3A_544 = arith.cmpi slt, %add3A_502, %sign3A_543 : i32
      %sign3A_545 = arith.extui %sign3A_544 : i1 to i32
      %sign3A_546 = arith.subi %sign3A_542, %sign3A_545 : i32
      %sign3A_547 = arith.constant 0 : i32
      %sign3A_548 = arith.cmpi sgt, %jit3A_538, %sign3A_547 : i32
      %sign3A_549 = arith.extui %sign3A_548 : i1 to i32
      %sign3A_550 = arith.constant 0 : i32
      %sign3A_551 = arith.cmpi slt, %jit3A_538, %sign3A_550 : i32
      %sign3A_552 = arith.extui %sign3A_551 : i1 to i32
      %sign3A_553 = arith.subi %sign3A_549, %sign3A_552 : i32
      %ne3A_554 = arith.cmpi ne, %sign3A_546, %sign3A_553 : i32
      %rem3A_555 = arith.remsi %add3A_502, %jit3A_538 : i32
      %ne3A_556 = arith.constant 0 : i32
      %ne3A_557 = arith.cmpi ne, %rem3A_555, %ne3A_556 : i32
      %and3A_558 = arith.andi %ne3A_554, %ne3A_557 : i1
      %sub3A_559 = arith.constant 1 : i32
      %sub3A_560 = arith.subi %div3A_539, %sub3A_559 : i32
      %select_n3A_561 = arith.select %and3A_558, %sub3A_560, %div3A_539 : i32
      %dma_wait3A_562 = arith.constant 1 : i32
      %dma_wait3A_563 = arith.constant 0 : i32
      %dma_wait3A_564 = tpu.memref_slice %arg5[%select_n3A_561, %dma_wait3A_562, %dma_wait3A_563] : memref<32x2x100xi32, #tpu.memory_space<vmem>> -> memref<1x1x100xi32, #tpu.memory_space<vmem>>
      %dma_wait3A_565 = tpu.memref_squeeze %dma_wait3A_564 : memref<1x1x100xi32, #tpu.memory_space<vmem>> -> memref<100xi32, #tpu.memory_space<vmem>>
      %dma_wait3A_566 = arith.constant 0 : i32
      %dma_wait3A_567 = arith.constant 0 : i32
      %dma_wait3A_568 = tpu.memref_slice %arg3[%dma_wait3A_566, %dma_wait3A_567] : memref<100000x128xf32, #tpu.memory_space<hbm>> -> memref<100000x128xf32, #tpu.memory_space<hbm>>
      tpu.wait_indirect_dma semaphore(%arg14 : memref<!tpu.dma_semaphore, #tpu.memory_space<semaphore_mem>>) src(%dma_wait3A_568 : memref<100000x128xf32, #tpu.memory_space<hbm>>) dst(%arg9 : memref<100x128xf32, #tpu.memory_space<vmem>>)
      %scan3A_569 = arith.constant 0 : i32
      %scan3A_570 = arith.constant 100 : i32
      %scan3A_571 = arith.addi %scan3A_569, %scan3A_570 : i32
      %scan3A_572 = arith.constant 4 : i32
      %scan3A_573:8 = scf.for %scan3A_647 = %scan3A_569 to %scan3A_571 step %scan3A_572 iter_args(%scan3A_648 = %scan3A_497#0, %scan3A_649 = %scan3A_497#1, %scan3A_650 = %scan3A_497#2, %scan3A_651 = %scan3A_497#3, %scan3A_652 = %scan3A_497#4, %scan3A_653 = %scan3A_497#5, %scan3A_654 = %scan3A_497#6, %scan3A_655 = %scan3A_497#7) -> (vector<16xf32>, vector<16xf32>, vector<16xf32>, vector<16xf32>, vector<16xf32>, vector<16xf32>, vector<16xf32>, vector<16xf32>)  : i32 {
        %get3A = arith.index_cast %scan3A_647 : i32 to index
        %get3A_656 = arith.constant 0 : index
        %get3A_657 = tpu.vector_load %arg9[%get3A, %get3A_656] {strides = array<i32>} : memref<100x128xf32, #tpu.memory_space<vmem>>, vector<1x16xf32>,
        %get3A_658 = vector.shape_cast %get3A_657 : vector<1x16xf32> to vector<16xf32>
        %add3A_659 = arith.addf %scan3A_648, %get3A_658 : vector<16xf32>
        %get3A_660 = arith.index_cast %scan3A_647 : i32 to index
        %get3A_661 = arith.constant 16 : index
        %get3A_662 = tpu.vector_load %arg9[%get3A_660, %get3A_661] {strides = array<i32>} : memref<100x128xf32, #tpu.memory_space<vmem>>, vector<1x16xf32>,
        %get3A_663 = vector.shape_cast %get3A_662 : vector<1x16xf32> to vector<16xf32>
        %add3A_664 = arith.addf %scan3A_649, %get3A_663 : vector<16xf32>
        %get3A_665 = arith.index_cast %scan3A_647 : i32 to index
        %get3A_666 = arith.constant 32 : index
        %get3A_667 = tpu.vector_load %arg9[%get3A_665, %get3A_666] {strides = array<i32>} : memref<100x128xf32, #tpu.memory_space<vmem>>, vector<1x16xf32>,
        %get3A_668 = vector.shape_cast %get3A_667 : vector<1x16xf32> to vector<16xf32>
        %add3A_669 = arith.addf %scan3A_650, %get3A_668 : vector<16xf32>
        %get3A_670 = arith.index_cast %scan3A_647 : i32 to index
        %get3A_671 = arith.constant 48 : index
        %get3A_672 = tpu.vector_load %arg9[%get3A_670, %get3A_671] {strides = array<i32>} : memref<100x128xf32, #tpu.memory_space<vmem>>, vector<1x16xf32>,
        %get3A_673 = vector.shape_cast %get3A_672 : vector<1x16xf32> to vector<16xf32>
        %add3A_674 = arith.addf %scan3A_651, %get3A_673 : vector<16xf32>
        %get3A_675 = arith.index_cast %scan3A_647 : i32 to index
        %get3A_676 = arith.constant 64 : index
        %get3A_677 = tpu.vector_load %arg9[%get3A_675, %get3A_676] {strides = array<i32>} : memref<100x128xf32, #tpu.memory_space<vmem>>, vector<1x16xf32>,
        %get3A_678 = vector.shape_cast %get3A_677 : vector<1x16xf32> to vector<16xf32>
        %add3A_679 = arith.addf %scan3A_652, %get3A_678 : vector<16xf32>
        %get3A_680 = arith.index_cast %scan3A_647 : i32 to index
        %get3A_681 = arith.constant 80 : index
        %get3A_682 = tpu.vector_load %arg9[%get3A_680, %get3A_681] {strides = array<i32>} : memref<100x128xf32, #tpu.memory_space<vmem>>, vector<1x16xf32>,
        %get3A_683 = vector.shape_cast %get3A_682 : vector<1x16xf32> to vector<16xf32>
        %add3A_684 = arith.addf %scan3A_653, %get3A_683 : vector<16xf32>
        %get3A_685 = arith.index_cast %scan3A_647 : i32 to index
        %get3A_686 = arith.constant 96 : index
        %get3A_687 = tpu.vector_load %arg9[%get3A_685, %get3A_686] {strides = array<i32>} : memref<100x128xf32, #tpu.memory_space<vmem>>, vector<1x16xf32>,
        %get3A_688 = vector.shape_cast %get3A_687 : vector<1x16xf32> to vector<16xf32>
        %add3A_689 = arith.addf %scan3A_654, %get3A_688 : vector<16xf32>
        %get3A_690 = arith.index_cast %scan3A_647 : i32 to index
        %get3A_691 = arith.constant 112 : index
        %get3A_692 = tpu.vector_load %arg9[%get3A_690, %get3A_691] {strides = array<i32>} : memref<100x128xf32, #tpu.memory_space<vmem>>, vector<1x16xf32>,
        %get3A_693 = vector.shape_cast %get3A_692 : vector<1x16xf32> to vector<16xf32>
        %add3A_694 = arith.addf %scan3A_655, %get3A_693 : vector<16xf32>
        %scan3A_695 = arith.constant 1 : i32
        %scan3A_696 = arith.addi %scan3A_647, %scan3A_695 : i32
        %get3A_697 = arith.index_cast %scan3A_696 : i32 to index
        %get3A_698 = arith.constant 0 : index
        %get3A_699 = tpu.vector_load %arg9[%get3A_697, %get3A_698] {strides = array<i32>} : memref<100x128xf32, #tpu.memory_space<vmem>>, vector<1x16xf32>,
        %get3A_700 = vector.shape_cast %get3A_699 : vector<1x16xf32> to vector<16xf32>
        %add3A_701 = arith.addf %add3A_659, %get3A_700 : vector<16xf32>
        %get3A_702 = arith.index_cast %scan3A_696 : i32 to index
        %get3A_703 = arith.constant 16 : index
        %get3A_704 = tpu.vector_load %arg9[%get3A_702, %get3A_703] {strides = array<i32>} : memref<100x128xf32, #tpu.memory_space<vmem>>, vector<1x16xf32>,
        %get3A_705 = vector.shape_cast %get3A_704 : vector<1x16xf32> to vector<16xf32>
        %add3A_706 = arith.addf %add3A_664, %get3A_705 : vector<16xf32>
        %get3A_707 = arith.index_cast %scan3A_696 : i32 to index
        %get3A_708 = arith.constant 32 : index
        %get3A_709 = tpu.vector_load %arg9[%get3A_707, %get3A_708] {strides = array<i32>} : memref<100x128xf32, #tpu.memory_space<vmem>>, vector<1x16xf32>,
        %get3A_710 = vector.shape_cast %get3A_709 : vector<1x16xf32> to vector<16xf32>
        %add3A_711 = arith.addf %add3A_669, %get3A_710 : vector<16xf32>
        %get3A_712 = arith.index_cast %scan3A_696 : i32 to index
        %get3A_713 = arith.constant 48 : index
        %get3A_714 = tpu.vector_load %arg9[%get3A_712, %get3A_713] {strides = array<i32>} : memref<100x128xf32, #tpu.memory_space<vmem>>, vector<1x16xf32>,
        %get3A_715 = vector.shape_cast %get3A_714 : vector<1x16xf32> to vector<16xf32>
        %add3A_716 = arith.addf %add3A_674, %get3A_715 : vector<16xf32>
        %get3A_717 = arith.index_cast %scan3A_696 : i32 to index
        %get3A_718 = arith.constant 64 : index
        %get3A_719 = tpu.vector_load %arg9[%get3A_717, %get3A_718] {strides = array<i32>} : memref<100x128xf32, #tpu.memory_space<vmem>>, vector<1x16xf32>,
        %get3A_720 = vector.shape_cast %get3A_719 : vector<1x16xf32> to vector<16xf32>
        %add3A_721 = arith.addf %add3A_679, %get3A_720 : vector<16xf32>
        %get3A_722 = arith.index_cast %scan3A_696 : i32 to index
        %get3A_723 = arith.constant 80 : index
        %get3A_724 = tpu.vector_load %arg9[%get3A_722, %get3A_723] {strides = array<i32>} : memref<100x128xf32, #tpu.memory_space<vmem>>, vector<1x16xf32>,
        %get3A_725 = vector.shape_cast %get3A_724 : vector<1x16xf32> to vector<16xf32>
        %add3A_726 = arith.addf %add3A_684, %get3A_725 : vector<16xf32>
        %get3A_727 = arith.index_cast %scan3A_696 : i32 to index
        %get3A_728 = arith.constant 96 : index
        %get3A_729 = tpu.vector_load %arg9[%get3A_727, %get3A_728] {strides = array<i32>} : memref<100x128xf32, #tpu.memory_space<vmem>>, vector<1x16xf32>,
        %get3A_730 = vector.shape_cast %get3A_729 : vector<1x16xf32> to vector<16xf32>
        %add3A_731 = arith.addf %add3A_689, %get3A_730 : vector<16xf32>
        %get3A_732 = arith.index_cast %scan3A_696 : i32 to index
        %get3A_733 = arith.constant 112 : index
        %get3A_734 = tpu.vector_load %arg9[%get3A_732, %get3A_733] {strides = array<i32>} : memref<100x128xf32, #tpu.memory_space<vmem>>, vector<1x16xf32>,
        %get3A_735 = vector.shape_cast %get3A_734 : vector<1x16xf32> to vector<16xf32>
        %add3A_736 = arith.addf %add3A_694, %get3A_735 : vector<16xf32>
        %scan3A_737 = arith.constant 2 : i32
        %scan3A_738 = arith.addi %scan3A_647, %scan3A_737 : i32
        %get3A_739 = arith.index_cast %scan3A_738 : i32 to index
        %get3A_740 = arith.constant 0 : index
        %get3A_741 = tpu.vector_load %arg9[%get3A_739, %get3A_740] {strides = array<i32>} : memref<100x128xf32, #tpu.memory_space<vmem>>, vector<1x16xf32>,
        %get3A_742 = vector.shape_cast %get3A_741 : vector<1x16xf32> to vector<16xf32>
        %add3A_743 = arith.addf %add3A_701, %get3A_742 : vector<16xf32>
        %get3A_744 = arith.index_cast %scan3A_738 : i32 to index
        %get3A_745 = arith.constant 16 : index
        %get3A_746 = tpu.vector_load %arg9[%get3A_744, %get3A_745] {strides = array<i32>} : memref<100x128xf32, #tpu.memory_space<vmem>>, vector<1x16xf32>,
        %get3A_747 = vector.shape_cast %get3A_746 : vector<1x16xf32> to vector<16xf32>
        %add3A_748 = arith.addf %add3A_706, %get3A_747 : vector<16xf32>
        %get3A_749 = arith.index_cast %scan3A_738 : i32 to index
        %get3A_750 = arith.constant 32 : index
        %get3A_751 = tpu.vector_load %arg9[%get3A_749, %get3A_750] {strides = array<i32>} : memref<100x128xf32, #tpu.memory_space<vmem>>, vector<1x16xf32>,
        %get3A_752 = vector.shape_cast %get3A_751 : vector<1x16xf32> to vector<16xf32>
        %add3A_753 = arith.addf %add3A_711, %get3A_752 : vector<16xf32>
        %get3A_754 = arith.index_cast %scan3A_738 : i32 to index
        %get3A_755 = arith.constant 48 : index
        %get3A_756 = tpu.vector_load %arg9[%get3A_754, %get3A_755] {strides = array<i32>} : memref<100x128xf32, #tpu.memory_space<vmem>>, vector<1x16xf32>,
        %get3A_757 = vector.shape_cast %get3A_756 : vector<1x16xf32> to vector<16xf32>
        %add3A_758 = arith.addf %add3A_716, %get3A_757 : vector<16xf32>
        %get3A_759 = arith.index_cast %scan3A_738 : i32 to index
        %get3A_760 = arith.constant 64 : index
        %get3A_761 = tpu.vector_load %arg9[%get3A_759, %get3A_760] {strides = array<i32>} : memref<100x128xf32, #tpu.memory_space<vmem>>, vector<1x16xf32>,
        %get3A_762 = vector.shape_cast %get3A_761 : vector<1x16xf32> to vector<16xf32>
        %add3A_763 = arith.addf %add3A_721, %get3A_762 : vector<16xf32>
        %get3A_764 = arith.index_cast %scan3A_738 : i32 to index
        %get3A_765 = arith.constant 80 : index
        %get3A_766 = tpu.vector_load %arg9[%get3A_764, %get3A_765] {strides = array<i32>} : memref<100x128xf32, #tpu.memory_space<vmem>>, vector<1x16xf32>,
        %get3A_767 = vector.shape_cast %get3A_766 : vector<1x16xf32> to vector<16xf32>
        %add3A_768 = arith.addf %add3A_726, %get3A_767 : vector<16xf32>
        %get3A_769 = arith.index_cast %scan3A_738 : i32 to index
        %get3A_770 = arith.constant 96 : index
        %get3A_771 = tpu.vector_load %arg9[%get3A_769, %get3A_770] {strides = array<i32>} : memref<100x128xf32, #tpu.memory_space<vmem>>, vector<1x16xf32>,
        %get3A_772 = vector.shape_cast %get3A_771 : vector<1x16xf32> to vector<16xf32>
        %add3A_773 = arith.addf %add3A_731, %get3A_772 : vector<16xf32>
        %get3A_774 = arith.index_cast %scan3A_738 : i32 to index
        %get3A_775 = arith.constant 112 : index
        %get3A_776 = tpu.vector_load %arg9[%get3A_774, %get3A_775] {strides = array<i32>} : memref<100x128xf32, #tpu.memory_space<vmem>>, vector<1x16xf32>,
        %get3A_777 = vector.shape_cast %get3A_776 : vector<1x16xf32> to vector<16xf32>
        %add3A_778 = arith.addf %add3A_736, %get3A_777 : vector<16xf32>
        %scan3A_779 = arith.constant 3 : i32
        %scan3A_780 = arith.addi %scan3A_647, %scan3A_779 : i32
        %get3A_781 = arith.index_cast %scan3A_780 : i32 to index
        %get3A_782 = arith.constant 0 : index
        %get3A_783 = tpu.vector_load %arg9[%get3A_781, %get3A_782] {strides = array<i32>} : memref<100x128xf32, #tpu.memory_space<vmem>>, vector<1x16xf32>,
        %get3A_784 = vector.shape_cast %get3A_783 : vector<1x16xf32> to vector<16xf32>
        %add3A_785 = arith.addf %add3A_743, %get3A_784 : vector<16xf32>
        %get3A_786 = arith.index_cast %scan3A_780 : i32 to index
        %get3A_787 = arith.constant 16 : index
        %get3A_788 = tpu.vector_load %arg9[%get3A_786, %get3A_787] {strides = array<i32>} : memref<100x128xf32, #tpu.memory_space<vmem>>, vector<1x16xf32>,
        %get3A_789 = vector.shape_cast %get3A_788 : vector<1x16xf32> to vector<16xf32>
        %add3A_790 = arith.addf %add3A_748, %get3A_789 : vector<16xf32>
        %get3A_791 = arith.index_cast %scan3A_780 : i32 to index
        %get3A_792 = arith.constant 32 : index
        %get3A_793 = tpu.vector_load %arg9[%get3A_791, %get3A_792] {strides = array<i32>} : memref<100x128xf32, #tpu.memory_space<vmem>>, vector<1x16xf32>,
        %get3A_794 = vector.shape_cast %get3A_793 : vector<1x16xf32> to vector<16xf32>
        %add3A_795 = arith.addf %add3A_753, %get3A_794 : vector<16xf32>
        %get3A_796 = arith.index_cast %scan3A_780 : i32 to index
        %get3A_797 = arith.constant 48 : index
        %get3A_798 = tpu.vector_load %arg9[%get3A_796, %get3A_797] {strides = array<i32>} : memref<100x128xf32, #tpu.memory_space<vmem>>, vector<1x16xf32>,
        %get3A_799 = vector.shape_cast %get3A_798 : vector<1x16xf32> to vector<16xf32>
        %add3A_800 = arith.addf %add3A_758, %get3A_799 : vector<16xf32>
        %get3A_801 = arith.index_cast %scan3A_780 : i32 to index
        %get3A_802 = arith.constant 64 : index
        %get3A_803 = tpu.vector_load %arg9[%get3A_801, %get3A_802] {strides = array<i32>} : memref<100x128xf32, #tpu.memory_space<vmem>>, vector<1x16xf32>,
        %get3A_804 = vector.shape_cast %get3A_803 : vector<1x16xf32> to vector<16xf32>
        %add3A_805 = arith.addf %add3A_763, %get3A_804 : vector<16xf32>
        %get3A_806 = arith.index_cast %scan3A_780 : i32 to index
        %get3A_807 = arith.constant 80 : index
        %get3A_808 = tpu.vector_load %arg9[%get3A_806, %get3A_807] {strides = array<i32>} : memref<100x128xf32, #tpu.memory_space<vmem>>, vector<1x16xf32>,
        %get3A_809 = vector.shape_cast %get3A_808 : vector<1x16xf32> to vector<16xf32>
        %add3A_810 = arith.addf %add3A_768, %get3A_809 : vector<16xf32>
        %get3A_811 = arith.index_cast %scan3A_780 : i32 to index
        %get3A_812 = arith.constant 96 : index
        %get3A_813 = tpu.vector_load %arg9[%get3A_811, %get3A_812] {strides = array<i32>} : memref<100x128xf32, #tpu.memory_space<vmem>>, vector<1x16xf32>,
        %get3A_814 = vector.shape_cast %get3A_813 : vector<1x16xf32> to vector<16xf32>
        %add3A_815 = arith.addf %add3A_773, %get3A_814 : vector<16xf32>
        %get3A_816 = arith.index_cast %scan3A_780 : i32 to index
        %get3A_817 = arith.constant 112 : index
        %get3A_818 = tpu.vector_load %arg9[%get3A_816, %get3A_817] {strides = array<i32>} : memref<100x128xf32, #tpu.memory_space<vmem>>, vector<1x16xf32>,
        %get3A_819 = vector.shape_cast %get3A_818 : vector<1x16xf32> to vector<16xf32>
        %add3A_820 = arith.addf %add3A_778, %get3A_819 : vector<16xf32>
        scf.yield %add3A_785, %add3A_790, %add3A_795, %add3A_800, %add3A_805, %add3A_810, %add3A_815, %add3A_820 : vector<16xf32>, vector<16xf32>, vector<16xf32>, vector<16xf32>, vector<16xf32>, vector<16xf32>, vector<16xf32>, vector<16xf32>
      }
      %scan3A_574 = arith.constant 100 : i32
      %mul3A_575 = arith.constant 2 : i32
      %mul3A_576 = arith.muli %mul3A_575, %scan3A_206 : i32
      %add3A_577 = arith.constant 1 : i32
      %add3A_578 = arith.addi %mul3A_576, %add3A_577 : i32
      %swap3A_579 = arith.index_cast %add3A_578 : i32 to index
      %swap3A_580 = arith.constant 0 : index
      %swap3A_581 = tpu.vector_load %arg10[%swap3A_579, %swap3A_580] {strides = array<i32>} : memref<32x128xf32, #tpu.memory_space<vmem>>, vector<1x16xf32>,
      %swap3A_582 = vector.shape_cast %swap3A_581 : vector<1x16xf32> to vector<16xf32>
      %swap3A_583 = vector.shape_cast %scan3A_573#0 : vector<16xf32> to vector<1x16xf32>
      tpu.vector_store %arg10[%swap3A_579, %swap3A_580], %swap3A_583 {strides = array<i32>} : memref<32x128xf32, #tpu.memory_space<vmem>>, vector<1x16xf32>,
      %mul3A_584 = arith.constant 2 : i32
      %mul3A_585 = arith.muli %mul3A_584, %scan3A_206 : i32
      %add3A_586 = arith.constant 1 : i32
      %add3A_587 = arith.addi %mul3A_585, %add3A_586 : i32
      %swap3A_588 = arith.index_cast %add3A_587 : i32 to index
      %swap3A_589 = arith.constant 16 : index
      %swap3A_590 = tpu.vector_load %arg10[%swap3A_588, %swap3A_589] {strides = array<i32>} : memref<32x128xf32, #tpu.memory_space<vmem>>, vector<1x16xf32>,
      %swap3A_591 = vector.shape_cast %swap3A_590 : vector<1x16xf32> to vector<16xf32>
      %swap3A_592 = vector.shape_cast %scan3A_573#1 : vector<16xf32> to vector<1x16xf32>
      tpu.vector_store %arg10[%swap3A_588, %swap3A_589], %swap3A_592 {strides = array<i32>} : memref<32x128xf32, #tpu.memory_space<vmem>>, vector<1x16xf32>,
      %mul3A_593 = arith.constant 2 : i32
      %mul3A_594 = arith.muli %mul3A_593, %scan3A_206 : i32
      %add3A_595 = arith.constant 1 : i32
      %add3A_596 = arith.addi %mul3A_594, %add3A_595 : i32
      %swap3A_597 = arith.index_cast %add3A_596 : i32 to index
      %swap3A_598 = arith.constant 32 : index
      %swap3A_599 = tpu.vector_load %arg10[%swap3A_597, %swap3A_598] {strides = array<i32>} : memref<32x128xf32, #tpu.memory_space<vmem>>, vector<1x16xf32>,
      %swap3A_600 = vector.shape_cast %swap3A_599 : vector<1x16xf32> to vector<16xf32>
      %swap3A_601 = vector.shape_cast %scan3A_573#2 : vector<16xf32> to vector<1x16xf32>
      tpu.vector_store %arg10[%swap3A_597, %swap3A_598], %swap3A_601 {strides = array<i32>} : memref<32x128xf32, #tpu.memory_space<vmem>>, vector<1x16xf32>,
      %mul3A_602 = arith.constant 2 : i32
      %mul3A_603 = arith.muli %mul3A_602, %scan3A_206 : i32
      %add3A_604 = arith.constant 1 : i32
      %add3A_605 = arith.addi %mul3A_603, %add3A_604 : i32
      %swap3A_606 = arith.index_cast %add3A_605 : i32 to index
      %swap3A_607 = arith.constant 48 : index
      %swap3A_608 = tpu.vector_load %arg10[%swap3A_606, %swap3A_607] {strides = array<i32>} : memref<32x128xf32, #tpu.memory_space<vmem>>, vector<1x16xf32>,
      %swap3A_609 = vector.shape_cast %swap3A_608 : vector<1x16xf32> to vector<16xf32>
      %swap3A_610 = vector.shape_cast %scan3A_573#3 : vector<16xf32> to vector<1x16xf32>
      tpu.vector_store %arg10[%swap3A_606, %swap3A_607], %swap3A_610 {strides = array<i32>} : memref<32x128xf32, #tpu.memory_space<vmem>>, vector<1x16xf32>,
      %mul3A_611 = arith.constant 2 : i32
      %mul3A_612 = arith.muli %mul3A_611, %scan3A_206 : i32
      %add3A_613 = arith.constant 1 : i32
      %add3A_614 = arith.addi %mul3A_612, %add3A_613 : i32
      %swap3A_615 = arith.index_cast %add3A_614 : i32 to index
      %swap3A_616 = arith.constant 64 : index
      %swap3A_617 = tpu.vector_load %arg10[%swap3A_615, %swap3A_616] {strides = array<i32>} : memref<32x128xf32, #tpu.memory_space<vmem>>, vector<1x16xf32>,
      %swap3A_618 = vector.shape_cast %swap3A_617 : vector<1x16xf32> to vector<16xf32>
      %swap3A_619 = vector.shape_cast %scan3A_573#4 : vector<16xf32> to vector<1x16xf32>
      tpu.vector_store %arg10[%swap3A_615, %swap3A_616], %swap3A_619 {strides = array<i32>} : memref<32x128xf32, #tpu.memory_space<vmem>>, vector<1x16xf32>,
      %mul3A_620 = arith.constant 2 : i32
      %mul3A_621 = arith.muli %mul3A_620, %scan3A_206 : i32
      %add3A_622 = arith.constant 1 : i32
      %add3A_623 = arith.addi %mul3A_621, %add3A_622 : i32
      %swap3A_624 = arith.index_cast %add3A_623 : i32 to index
      %swap3A_625 = arith.constant 80 : index
      %swap3A_626 = tpu.vector_load %arg10[%swap3A_624, %swap3A_625] {strides = array<i32>} : memref<32x128xf32, #tpu.memory_space<vmem>>, vector<1x16xf32>,
      %swap3A_627 = vector.shape_cast %swap3A_626 : vector<1x16xf32> to vector<16xf32>
      %swap3A_628 = vector.shape_cast %scan3A_573#5 : vector<16xf32> to vector<1x16xf32>
      tpu.vector_store %arg10[%swap3A_624, %swap3A_625], %swap3A_628 {strides = array<i32>} : memref<32x128xf32, #tpu.memory_space<vmem>>, vector<1x16xf32>,
      %mul3A_629 = arith.constant 2 : i32
      %mul3A_630 = arith.muli %mul3A_629, %scan3A_206 : i32
      %add3A_631 = arith.constant 1 : i32
      %add3A_632 = arith.addi %mul3A_630, %add3A_631 : i32
      %swap3A_633 = arith.index_cast %add3A_632 : i32 to index
      %swap3A_634 = arith.constant 96 : index
      %swap3A_635 = tpu.vector_load %arg10[%swap3A_633, %swap3A_634] {strides = array<i32>} : memref<32x128xf32, #tpu.memory_space<vmem>>, vector<1x16xf32>,
      %swap3A_636 = vector.shape_cast %swap3A_635 : vector<1x16xf32> to vector<16xf32>
      %swap3A_637 = vector.shape_cast %scan3A_573#6 : vector<16xf32> to vector<1x16xf32>
      tpu.vector_store %arg10[%swap3A_633, %swap3A_634], %swap3A_637 {strides = array<i32>} : memref<32x128xf32, #tpu.memory_space<vmem>>, vector<1x16xf32>,
      %mul3A_638 = arith.constant 2 : i32
      %mul3A_639 = arith.muli %mul3A_638, %scan3A_206 : i32
      %add3A_640 = arith.constant 1 : i32
      %add3A_641 = arith.addi %mul3A_639, %add3A_640 : i32
      %swap3A_642 = arith.index_cast %add3A_641 : i32 to index
      %swap3A_643 = arith.constant 112 : index
      %swap3A_644 = tpu.vector_load %arg10[%swap3A_642, %swap3A_643] {strides = array<i32>} : memref<32x128xf32, #tpu.memory_space<vmem>>, vector<1x16xf32>,
      %swap3A_645 = vector.shape_cast %swap3A_644 : vector<1x16xf32> to vector<16xf32>
      %swap3A_646 = vector.shape_cast %scan3A_573#7 : vector<16xf32> to vector<1x16xf32>
      tpu.vector_store %arg10[%swap3A_642, %swap3A_643], %swap3A_646 {strides = array<i32>} : memref<32x128xf32, #tpu.memory_space<vmem>>, vector<1x16xf32>,
    }
    %scan3A_45 = arith.constant 15 : i32
    %dma_start3A_46 = arith.constant 31 : i32
    %dma_start3A_47 = arith.constant 1 : i32
    %dma_start3A_48 = arith.constant 0 : i32
    %dma_start3A_49 = tpu.memref_slice %arg5[%dma_start3A_46, %dma_start3A_47, %dma_start3A_48] : memref<32x2x100xi32, #tpu.memory_space<vmem>> -> memref<1x1x100xi32, #tpu.memory_space<vmem>>
    %dma_start3A_50 = tpu.memref_squeeze %dma_start3A_49 : memref<1x1x100xi32, #tpu.memory_space<vmem>> -> memref<100xi32, #tpu.memory_space<vmem>>
    %dma_start3A_51 = arith.constant 0 : i32
    %dma_start3A_52 = arith.constant 0 : i32
    %dma_start3A_53 = tpu.memref_slice %arg3[%dma_start3A_51, %dma_start3A_52] : memref<100000x128xf32, #tpu.memory_space<hbm>> -> memref<100000x128xf32, #tpu.memory_space<hbm>>
    tpu.enqueue_indirect_dma source(%dma_start3A_53 : memref<100000x128xf32, #tpu.memory_space<hbm>>) target(%arg9 : memref<100x128xf32, #tpu.memory_space<vmem>>) offsets(%dma_start3A_50 : memref<100xi32, #tpu.memory_space<vmem>>) semaphore(%arg14 : memref<!tpu.dma_semaphore, #tpu.memory_space<semaphore_mem>>)
    %dma_wait3A = arith.constant 30 : i32
    %dma_wait3A_54 = arith.constant 0 : i32
    %dma_wait3A_55 = arith.constant 0 : i32
    %dma_wait3A_56 = tpu.memref_slice %arg5[%dma_wait3A, %dma_wait3A_54, %dma_wait3A_55] : memref<32x2x100xi32, #tpu.memory_space<vmem>> -> memref<1x1x100xi32, #tpu.memory_space<vmem>>
    %dma_wait3A_57 = tpu.memref_squeeze %dma_wait3A_56 : memref<1x1x100xi32, #tpu.memory_space<vmem>> -> memref<100xi32, #tpu.memory_space<vmem>>
    %dma_wait3A_58 = arith.constant 0 : i32
    %dma_wait3A_59 = arith.constant 0 : i32
    %dma_wait3A_60 = tpu.memref_slice %arg3[%dma_wait3A_58, %dma_wait3A_59] : memref<100000x128xf32, #tpu.memory_space<hbm>> -> memref<100000x128xf32, #tpu.memory_space<hbm>>
    tpu.wait_indirect_dma semaphore(%arg11 : memref<!tpu.dma_semaphore, #tpu.memory_space<semaphore_mem>>) src(%dma_wait3A_60 : memref<100000x128xf32, #tpu.memory_space<hbm>>) dst(%arg6 : memref<100x128xf32, #tpu.memory_space<vmem>>)
    %scan3A_61 = arith.constant 0 : i32
    %scan3A_62 = arith.constant 100 : i32
    %scan3A_63 = arith.addi %scan3A_61, %scan3A_62 : i32
    %scan3A_64 = arith.constant 4 : i32
    %scan3A_65:8 = scf.for %scan3A_206 = %scan3A_61 to %scan3A_63 step %scan3A_64 iter_args(%scan3A_207 = %broadcast_in_dim3A_26, %scan3A_208 = %broadcast_in_dim3A_28, %scan3A_209 = %broadcast_in_dim3A_30, %scan3A_210 = %broadcast_in_dim3A_32, %scan3A_211 = %broadcast_in_dim3A_34, %scan3A_212 = %broadcast_in_dim3A_36, %scan3A_213 = %broadcast_in_dim3A_38, %scan3A_214 = %broadcast_in_dim3A_40) -> (vector<16xf32>, vector<16xf32>, vector<16xf32>, vector<16xf32>, vector<16xf32>, vector<16xf32>, vector<16xf32>, vector<16xf32>)  : i32 {
      %get3A = arith.index_cast %scan3A_206 : i32 to index
      %get3A_215 = arith.constant 0 : index
      %get3A_216 = tpu.vector_load %arg6[%get3A, %get3A_215] {strides = array<i32>} : memref<100x128xf32, #tpu.memory_space<vmem>>, vector<1x16xf32>,
      %get3A_217 = vector.shape_cast %get3A_216 : vector<1x16xf32> to vector<16xf32>
      %add3A_218 = arith.addf %scan3A_207, %get3A_217 : vector<16xf32>
      %get3A_219 = arith.index_cast %scan3A_206 : i32 to index
      %get3A_220 = arith.constant 16 : index
      %get3A_221 = tpu.vector_load %arg6[%get3A_219, %get3A_220] {strides = array<i32>} : memref<100x128xf32, #tpu.memory_space<vmem>>, vector<1x16xf32>,
      %get3A_222 = vector.shape_cast %get3A_221 : vector<1x16xf32> to vector<16xf32>
      %add3A_223 = arith.addf %scan3A_208, %get3A_222 : vector<16xf32>
      %get3A_224 = arith.index_cast %scan3A_206 : i32 to index
      %get3A_225 = arith.constant 32 : index
      %get3A_226 = tpu.vector_load %arg6[%get3A_224, %get3A_225] {strides = array<i32>} : memref<100x128xf32, #tpu.memory_space<vmem>>, vector<1x16xf32>,
      %get3A_227 = vector.shape_cast %get3A_226 : vector<1x16xf32> to vector<16xf32>
      %add3A_228 = arith.addf %scan3A_209, %get3A_227 : vector<16xf32>
      %get3A_229 = arith.index_cast %scan3A_206 : i32 to index
      %get3A_230 = arith.constant 48 : index
      %get3A_231 = tpu.vector_load %arg6[%get3A_229, %get3A_230] {strides = array<i32>} : memref<100x128xf32, #tpu.memory_space<vmem>>, vector<1x16xf32>,
      %get3A_232 = vector.shape_cast %get3A_231 : vector<1x16xf32> to vector<16xf32>
      %add3A_233 = arith.addf %scan3A_210, %get3A_232 : vector<16xf32>
      %get3A_234 = arith.index_cast %scan3A_206 : i32 to index
      %get3A_235 = arith.constant 64 : index
      %get3A_236 = tpu.vector_load %arg6[%get3A_234, %get3A_235] {strides = array<i32>} : memref<100x128xf32, #tpu.memory_space<vmem>>, vector<1x16xf32>,
      %get3A_237 = vector.shape_cast %get3A_236 : vector<1x16xf32> to vector<16xf32>
      %add3A_238 = arith.addf %scan3A_211, %get3A_237 : vector<16xf32>
      %get3A_239 = arith.index_cast %scan3A_206 : i32 to index
      %get3A_240 = arith.constant 80 : index
      %get3A_241 = tpu.vector_load %arg6[%get3A_239, %get3A_240] {strides = array<i32>} : memref<100x128xf32, #tpu.memory_space<vmem>>, vector<1x16xf32>,
      %get3A_242 = vector.shape_cast %get3A_241 : vector<1x16xf32> to vector<16xf32>
      %add3A_243 = arith.addf %scan3A_212, %get3A_242 : vector<16xf32>
      %get3A_244 = arith.index_cast %scan3A_206 : i32 to index
      %get3A_245 = arith.constant 96 : index
      %get3A_246 = tpu.vector_load %arg6[%get3A_244, %get3A_245] {strides = array<i32>} : memref<100x128xf32, #tpu.memory_space<vmem>>, vector<1x16xf32>,
      %get3A_247 = vector.shape_cast %get3A_246 : vector<1x16xf32> to vector<16xf32>
      %add3A_248 = arith.addf %scan3A_213, %get3A_247 : vector<16xf32>
      %get3A_249 = arith.index_cast %scan3A_206 : i32 to index
      %get3A_250 = arith.constant 112 : index
      %get3A_251 = tpu.vector_load %arg6[%get3A_249, %get3A_250] {strides = array<i32>} : memref<100x128xf32, #tpu.memory_space<vmem>>, vector<1x16xf32>,
      %get3A_252 = vector.shape_cast %get3A_251 : vector<1x16xf32> to vector<16xf32>
      %add3A_253 = arith.addf %scan3A_214, %get3A_252 : vector<16xf32>
      %scan3A_254 = arith.constant 1 : i32
      %scan3A_255 = arith.addi %scan3A_206, %scan3A_254 : i32
      %get3A_256 = arith.index_cast %scan3A_255 : i32 to index
      %get3A_257 = arith.constant 0 : index
      %get3A_258 = tpu.vector_load %arg6[%get3A_256, %get3A_257] {strides = array<i32>} : memref<100x128xf32, #tpu.memory_space<vmem>>, vector<1x16xf32>,
      %get3A_259 = vector.shape_cast %get3A_258 : vector<1x16xf32> to vector<16xf32>
      %add3A_260 = arith.addf %add3A_218, %get3A_259 : vector<16xf32>
      %get3A_261 = arith.index_cast %scan3A_255 : i32 to index
      %get3A_262 = arith.constant 16 : index
      %get3A_263 = tpu.vector_load %arg6[%get3A_261, %get3A_262] {strides = array<i32>} : memref<100x128xf32, #tpu.memory_space<vmem>>, vector<1x16xf32>,
      %get3A_264 = vector.shape_cast %get3A_263 : vector<1x16xf32> to vector<16xf32>
      %add3A_265 = arith.addf %add3A_223, %get3A_264 : vector<16xf32>
      %get3A_266 = arith.index_cast %scan3A_255 : i32 to index
      %get3A_267 = arith.constant 32 : index
      %get3A_268 = tpu.vector_load %arg6[%get3A_266, %get3A_267] {strides = array<i32>} : memref<100x128xf32, #tpu.memory_space<vmem>>, vector<1x16xf32>,
      %get3A_269 = vector.shape_cast %get3A_268 : vector<1x16xf32> to vector<16xf32>
      %add3A_270 = arith.addf %add3A_228, %get3A_269 : vector<16xf32>
      %get3A_271 = arith.index_cast %scan3A_255 : i32 to index
      %get3A_272 = arith.constant 48 : index
      %get3A_273 = tpu.vector_load %arg6[%get3A_271, %get3A_272] {strides = array<i32>} : memref<100x128xf32, #tpu.memory_space<vmem>>, vector<1x16xf32>,
      %get3A_274 = vector.shape_cast %get3A_273 : vector<1x16xf32> to vector<16xf32>
      %add3A_275 = arith.addf %add3A_233, %get3A_274 : vector<16xf32>
      %get3A_276 = arith.index_cast %scan3A_255 : i32 to index
      %get3A_277 = arith.constant 64 : index
      %get3A_278 = tpu.vector_load %arg6[%get3A_276, %get3A_277] {strides = array<i32>} : memref<100x128xf32, #tpu.memory_space<vmem>>, vector<1x16xf32>,
      %get3A_279 = vector.shape_cast %get3A_278 : vector<1x16xf32> to vector<16xf32>
      %add3A_280 = arith.addf %add3A_238, %get3A_279 : vector<16xf32>
      %get3A_281 = arith.index_cast %scan3A_255 : i32 to index
      %get3A_282 = arith.constant 80 : index
      %get3A_283 = tpu.vector_load %arg6[%get3A_281, %get3A_282] {strides = array<i32>} : memref<100x128xf32, #tpu.memory_space<vmem>>, vector<1x16xf32>,
      %get3A_284 = vector.shape_cast %get3A_283 : vector<1x16xf32> to vector<16xf32>
      %add3A_285 = arith.addf %add3A_243, %get3A_284 : vector<16xf32>
      %get3A_286 = arith.index_cast %scan3A_255 : i32 to index
      %get3A_287 = arith.constant 96 : index
      %get3A_288 = tpu.vector_load %arg6[%get3A_286, %get3A_287] {strides = array<i32>} : memref<100x128xf32, #tpu.memory_space<vmem>>, vector<1x16xf32>,
      %get3A_289 = vector.shape_cast %get3A_288 : vector<1x16xf32> to vector<16xf32>
      %add3A_290 = arith.addf %add3A_248, %get3A_289 : vector<16xf32>
      %get3A_291 = arith.index_cast %scan3A_255 : i32 to index
      %get3A_292 = arith.constant 112 : index
      %get3A_293 = tpu.vector_load %arg6[%get3A_291, %get3A_292] {strides = array<i32>} : memref<100x128xf32, #tpu.memory_space<vmem>>, vector<1x16xf32>,
      %get3A_294 = vector.shape_cast %get3A_293 : vector<1x16xf32> to vector<16xf32>
      %add3A_295 = arith.addf %add3A_253, %get3A_294 : vector<16xf32>
      %scan3A_296 = arith.constant 2 : i32
      %scan3A_297 = arith.addi %scan3A_206, %scan3A_296 : i32
      %get3A_298 = arith.index_cast %scan3A_297 : i32 to index
      %get3A_299 = arith.constant 0 : index
      %get3A_300 = tpu.vector_load %arg6[%get3A_298, %get3A_299] {strides = array<i32>} : memref<100x128xf32, #tpu.memory_space<vmem>>, vector<1x16xf32>,
      %get3A_301 = vector.shape_cast %get3A_300 : vector<1x16xf32> to vector<16xf32>
      %add3A_302 = arith.addf %add3A_260, %get3A_301 : vector<16xf32>
      %get3A_303 = arith.index_cast %scan3A_297 : i32 to index
      %get3A_304 = arith.constant 16 : index
      %get3A_305 = tpu.vector_load %arg6[%get3A_303, %get3A_304] {strides = array<i32>} : memref<100x128xf32, #tpu.memory_space<vmem>>, vector<1x16xf32>,
      %get3A_306 = vector.shape_cast %get3A_305 : vector<1x16xf32> to vector<16xf32>
      %add3A_307 = arith.addf %add3A_265, %get3A_306 : vector<16xf32>
      %get3A_308 = arith.index_cast %scan3A_297 : i32 to index
      %get3A_309 = arith.constant 32 : index
      %get3A_310 = tpu.vector_load %arg6[%get3A_308, %get3A_309] {strides = array<i32>} : memref<100x128xf32, #tpu.memory_space<vmem>>, vector<1x16xf32>,
      %get3A_311 = vector.shape_cast %get3A_310 : vector<1x16xf32> to vector<16xf32>
      %add3A_312 = arith.addf %add3A_270, %get3A_311 : vector<16xf32>
      %get3A_313 = arith.index_cast %scan3A_297 : i32 to index
      %get3A_314 = arith.constant 48 : index
      %get3A_315 = tpu.vector_load %arg6[%get3A_313, %get3A_314] {strides = array<i32>} : memref<100x128xf32, #tpu.memory_space<vmem>>, vector<1x16xf32>,
      %get3A_316 = vector.shape_cast %get3A_315 : vector<1x16xf32> to vector<16xf32>
      %add3A_317 = arith.addf %add3A_275, %get3A_316 : vector<16xf32>
      %get3A_318 = arith.index_cast %scan3A_297 : i32 to index
      %get3A_319 = arith.constant 64 : index
      %get3A_320 = tpu.vector_load %arg6[%get3A_318, %get3A_319] {strides = array<i32>} : memref<100x128xf32, #tpu.memory_space<vmem>>, vector<1x16xf32>,
      %get3A_321 = vector.shape_cast %get3A_320 : vector<1x16xf32> to vector<16xf32>
      %add3A_322 = arith.addf %add3A_280, %get3A_321 : vector<16xf32>
      %get3A_323 = arith.index_cast %scan3A_297 : i32 to index
      %get3A_324 = arith.constant 80 : index
      %get3A_325 = tpu.vector_load %arg6[%get3A_323, %get3A_324] {strides = array<i32>} : memref<100x128xf32, #tpu.memory_space<vmem>>, vector<1x16xf32>,
      %get3A_326 = vector.shape_cast %get3A_325 : vector<1x16xf32> to vector<16xf32>
      %add3A_327 = arith.addf %add3A_285, %get3A_326 : vector<16xf32>
      %get3A_328 = arith.index_cast %scan3A_297 : i32 to index
      %get3A_329 = arith.constant 96 : index
      %get3A_330 = tpu.vector_load %arg6[%get3A_328, %get3A_329] {strides = array<i32>} : memref<100x128xf32, #tpu.memory_space<vmem>>, vector<1x16xf32>,
      %get3A_331 = vector.shape_cast %get3A_330 : vector<1x16xf32> to vector<16xf32>
      %add3A_332 = arith.addf %add3A_290, %get3A_331 : vector<16xf32>
      %get3A_333 = arith.index_cast %scan3A_297 : i32 to index
      %get3A_334 = arith.constant 112 : index
      %get3A_335 = tpu.vector_load %arg6[%get3A_333, %get3A_334] {strides = array<i32>} : memref<100x128xf32, #tpu.memory_space<vmem>>, vector<1x16xf32>,
      %get3A_336 = vector.shape_cast %get3A_335 : vector<1x16xf32> to vector<16xf32>
      %add3A_337 = arith.addf %add3A_295, %get3A_336 : vector<16xf32>
      %scan3A_338 = arith.constant 3 : i32
      %scan3A_339 = arith.addi %scan3A_206, %scan3A_338 : i32
      %get3A_340 = arith.index_cast %scan3A_339 : i32 to index
      %get3A_341 = arith.constant 0 : index
      %get3A_342 = tpu.vector_load %arg6[%get3A_340, %get3A_341] {strides = array<i32>} : memref<100x128xf32, #tpu.memory_space<vmem>>, vector<1x16xf32>,
      %get3A_343 = vector.shape_cast %get3A_342 : vector<1x16xf32> to vector<16xf32>
      %add3A_344 = arith.addf %add3A_302, %get3A_343 : vector<16xf32>
      %get3A_345 = arith.index_cast %scan3A_339 : i32 to index
      %get3A_346 = arith.constant 16 : index
      %get3A_347 = tpu.vector_load %arg6[%get3A_345, %get3A_346] {strides = array<i32>} : memref<100x128xf32, #tpu.memory_space<vmem>>, vector<1x16xf32>,
      %get3A_348 = vector.shape_cast %get3A_347 : vector<1x16xf32> to vector<16xf32>
      %add3A_349 = arith.addf %add3A_307, %get3A_348 : vector<16xf32>
      %get3A_350 = arith.index_cast %scan3A_339 : i32 to index
      %get3A_351 = arith.constant 32 : index
      %get3A_352 = tpu.vector_load %arg6[%get3A_350, %get3A_351] {strides = array<i32>} : memref<100x128xf32, #tpu.memory_space<vmem>>, vector<1x16xf32>,
      %get3A_353 = vector.shape_cast %get3A_352 : vector<1x16xf32> to vector<16xf32>
      %add3A_354 = arith.addf %add3A_312, %get3A_353 : vector<16xf32>
      %get3A_355 = arith.index_cast %scan3A_339 : i32 to index
      %get3A_356 = arith.constant 48 : index
      %get3A_357 = tpu.vector_load %arg6[%get3A_355, %get3A_356] {strides = array<i32>} : memref<100x128xf32, #tpu.memory_space<vmem>>, vector<1x16xf32>,
      %get3A_358 = vector.shape_cast %get3A_357 : vector<1x16xf32> to vector<16xf32>
      %add3A_359 = arith.addf %add3A_317, %get3A_358 : vector<16xf32>
      %get3A_360 = arith.index_cast %scan3A_339 : i32 to index
      %get3A_361 = arith.constant 64 : index
      %get3A_362 = tpu.vector_load %arg6[%get3A_360, %get3A_361] {strides = array<i32>} : memref<100x128xf32, #tpu.memory_space<vmem>>, vector<1x16xf32>,
      %get3A_363 = vector.shape_cast %get3A_362 : vector<1x16xf32> to vector<16xf32>
      %add3A_364 = arith.addf %add3A_322, %get3A_363 : vector<16xf32>
      %get3A_365 = arith.index_cast %scan3A_339 : i32 to index
      %get3A_366 = arith.constant 80 : index
      %get3A_367 = tpu.vector_load %arg6[%get3A_365, %get3A_366] {strides = array<i32>} : memref<100x128xf32, #tpu.memory_space<vmem>>, vector<1x16xf32>,
      %get3A_368 = vector.shape_cast %get3A_367 : vector<1x16xf32> to vector<16xf32>
      %add3A_369 = arith.addf %add3A_327, %get3A_368 : vector<16xf32>
      %get3A_370 = arith.index_cast %scan3A_339 : i32 to index
      %get3A_371 = arith.constant 96 : index
      %get3A_372 = tpu.vector_load %arg6[%get3A_370, %get3A_371] {strides = array<i32>} : memref<100x128xf32, #tpu.memory_space<vmem>>, vector<1x16xf32>,
      %get3A_373 = vector.shape_cast %get3A_372 : vector<1x16xf32> to vector<16xf32>
      %add3A_374 = arith.addf %add3A_332, %get3A_373 : vector<16xf32>
      %get3A_375 = arith.index_cast %scan3A_339 : i32 to index
      %get3A_376 = arith.constant 112 : index
      %get3A_377 = tpu.vector_load %arg6[%get3A_375, %get3A_376] {strides = array<i32>} : memref<100x128xf32, #tpu.memory_space<vmem>>, vector<1x16xf32>,
      %get3A_378 = vector.shape_cast %get3A_377 : vector<1x16xf32> to vector<16xf32>
      %add3A_379 = arith.addf %add3A_337, %get3A_378 : vector<16xf32>
      scf.yield %add3A_344, %add3A_349, %add3A_354, %add3A_359, %add3A_364, %add3A_369, %add3A_374, %add3A_379 : vector<16xf32>, vector<16xf32>, vector<16xf32>, vector<16xf32>, vector<16xf32>, vector<16xf32>, vector<16xf32>, vector<16xf32>
    }
    %scan3A_66 = arith.constant 100 : i32
    %dma_wait3A_67 = arith.constant 30 : i32
    %dma_wait3A_68 = arith.constant 1 : i32
    %dma_wait3A_69 = arith.constant 0 : i32
    %dma_wait3A_70 = tpu.memref_slice %arg5[%dma_wait3A_67, %dma_wait3A_68, %dma_wait3A_69] : memref<32x2x100xi32, #tpu.memory_space<vmem>> -> memref<1x1x100xi32, #tpu.memory_space<vmem>>
    %dma_wait3A_71 = tpu.memref_squeeze %dma_wait3A_70 : memref<1x1x100xi32, #tpu.memory_space<vmem>> -> memref<100xi32, #tpu.memory_space<vmem>>
    %dma_wait3A_72 = arith.constant 0 : i32
    %dma_wait3A_73 = arith.constant 0 : i32
    %dma_wait3A_74 = tpu.memref_slice %arg3[%dma_wait3A_72, %dma_wait3A_73] : memref<100000x128xf32, #tpu.memory_space<hbm>> -> memref<100000x128xf32, #tpu.memory_space<hbm>>
    tpu.wait_indirect_dma semaphore(%arg12 : memref<!tpu.dma_semaphore, #tpu.memory_space<semaphore_mem>>) src(%dma_wait3A_74 : memref<100000x128xf32, #tpu.memory_space<hbm>>) dst(%arg7 : memref<100x128xf32, #tpu.memory_space<vmem>>)
    %scan3A_75 = arith.constant 0 : i32
    %scan3A_76 = arith.constant 100 : i32
    %scan3A_77 = arith.addi %scan3A_75, %scan3A_76 : i32
    %scan3A_78 = arith.constant 4 : i32
    %scan3A_79:8 = scf.for %scan3A_206 = %scan3A_75 to %scan3A_77 step %scan3A_78 iter_args(%scan3A_207 = %scan3A_65#0, %scan3A_208 = %scan3A_65#1, %scan3A_209 = %scan3A_65#2, %scan3A_210 = %scan3A_65#3, %scan3A_211 = %scan3A_65#4, %scan3A_212 = %scan3A_65#5, %scan3A_213 = %scan3A_65#6, %scan3A_214 = %scan3A_65#7) -> (vector<16xf32>, vector<16xf32>, vector<16xf32>, vector<16xf32>, vector<16xf32>, vector<16xf32>, vector<16xf32>, vector<16xf32>)  : i32 {
      %get3A = arith.index_cast %scan3A_206 : i32 to index
      %get3A_215 = arith.constant 0 : index
      %get3A_216 = tpu.vector_load %arg7[%get3A, %get3A_215] {strides = array<i32>} : memref<100x128xf32, #tpu.memory_space<vmem>>, vector<1x16xf32>,
      %get3A_217 = vector.shape_cast %get3A_216 : vector<1x16xf32> to vector<16xf32>
      %add3A_218 = arith.addf %scan3A_207, %get3A_217 : vector<16xf32>
      %get3A_219 = arith.index_cast %scan3A_206 : i32 to index
      %get3A_220 = arith.constant 16 : index
      %get3A_221 = tpu.vector_load %arg7[%get3A_219, %get3A_220] {strides = array<i32>} : memref<100x128xf32, #tpu.memory_space<vmem>>, vector<1x16xf32>,
      %get3A_222 = vector.shape_cast %get3A_221 : vector<1x16xf32> to vector<16xf32>
      %add3A_223 = arith.addf %scan3A_208, %get3A_222 : vector<16xf32>
      %get3A_224 = arith.index_cast %scan3A_206 : i32 to index
      %get3A_225 = arith.constant 32 : index
      %get3A_226 = tpu.vector_load %arg7[%get3A_224, %get3A_225] {strides = array<i32>} : memref<100x128xf32, #tpu.memory_space<vmem>>, vector<1x16xf32>,
      %get3A_227 = vector.shape_cast %get3A_226 : vector<1x16xf32> to vector<16xf32>
      %add3A_228 = arith.addf %scan3A_209, %get3A_227 : vector<16xf32>
      %get3A_229 = arith.index_cast %scan3A_206 : i32 to index
      %get3A_230 = arith.constant 48 : index
      %get3A_231 = tpu.vector_load %arg7[%get3A_229, %get3A_230] {strides = array<i32>} : memref<100x128xf32, #tpu.memory_space<vmem>>, vector<1x16xf32>,
      %get3A_232 = vector.shape_cast %get3A_231 : vector<1x16xf32> to vector<16xf32>
      %add3A_233 = arith.addf %scan3A_210, %get3A_232 : vector<16xf32>
      %get3A_234 = arith.index_cast %scan3A_206 : i32 to index
      %get3A_235 = arith.constant 64 : index
      %get3A_236 = tpu.vector_load %arg7[%get3A_234, %get3A_235] {strides = array<i32>} : memref<100x128xf32, #tpu.memory_space<vmem>>, vector<1x16xf32>,
      %get3A_237 = vector.shape_cast %get3A_236 : vector<1x16xf32> to vector<16xf32>
      %add3A_238 = arith.addf %scan3A_211, %get3A_237 : vector<16xf32>
      %get3A_239 = arith.index_cast %scan3A_206 : i32 to index
      %get3A_240 = arith.constant 80 : index
      %get3A_241 = tpu.vector_load %arg7[%get3A_239, %get3A_240] {strides = array<i32>} : memref<100x128xf32, #tpu.memory_space<vmem>>, vector<1x16xf32>,
      %get3A_242 = vector.shape_cast %get3A_241 : vector<1x16xf32> to vector<16xf32>
      %add3A_243 = arith.addf %scan3A_212, %get3A_242 : vector<16xf32>
      %get3A_244 = arith.index_cast %scan3A_206 : i32 to index
      %get3A_245 = arith.constant 96 : index
      %get3A_246 = tpu.vector_load %arg7[%get3A_244, %get3A_245] {strides = array<i32>} : memref<100x128xf32, #tpu.memory_space<vmem>>, vector<1x16xf32>,
      %get3A_247 = vector.shape_cast %get3A_246 : vector<1x16xf32> to vector<16xf32>
      %add3A_248 = arith.addf %scan3A_213, %get3A_247 : vector<16xf32>
      %get3A_249 = arith.index_cast %scan3A_206 : i32 to index
      %get3A_250 = arith.constant 112 : index
      %get3A_251 = tpu.vector_load %arg7[%get3A_249, %get3A_250] {strides = array<i32>} : memref<100x128xf32, #tpu.memory_space<vmem>>, vector<1x16xf32>,
      %get3A_252 = vector.shape_cast %get3A_251 : vector<1x16xf32> to vector<16xf32>
      %add3A_253 = arith.addf %scan3A_214, %get3A_252 : vector<16xf32>
      %scan3A_254 = arith.constant 1 : i32
      %scan3A_255 = arith.addi %scan3A_206, %scan3A_254 : i32
      %get3A_256 = arith.index_cast %scan3A_255 : i32 to index
      %get3A_257 = arith.constant 0 : index
      %get3A_258 = tpu.vector_load %arg7[%get3A_256, %get3A_257] {strides = array<i32>} : memref<100x128xf32, #tpu.memory_space<vmem>>, vector<1x16xf32>,
      %get3A_259 = vector.shape_cast %get3A_258 : vector<1x16xf32> to vector<16xf32>
      %add3A_260 = arith.addf %add3A_218, %get3A_259 : vector<16xf32>
      %get3A_261 = arith.index_cast %scan3A_255 : i32 to index
      %get3A_262 = arith.constant 16 : index
      %get3A_263 = tpu.vector_load %arg7[%get3A_261, %get3A_262] {strides = array<i32>} : memref<100x128xf32, #tpu.memory_space<vmem>>, vector<1x16xf32>,
      %get3A_264 = vector.shape_cast %get3A_263 : vector<1x16xf32> to vector<16xf32>
      %add3A_265 = arith.addf %add3A_223, %get3A_264 : vector<16xf32>
      %get3A_266 = arith.index_cast %scan3A_255 : i32 to index
      %get3A_267 = arith.constant 32 : index
      %get3A_268 = tpu.vector_load %arg7[%get3A_266, %get3A_267] {strides = array<i32>} : memref<100x128xf32, #tpu.memory_space<vmem>>, vector<1x16xf32>,
      %get3A_269 = vector.shape_cast %get3A_268 : vector<1x16xf32> to vector<16xf32>
      %add3A_270 = arith.addf %add3A_228, %get3A_269 : vector<16xf32>
      %get3A_271 = arith.index_cast %scan3A_255 : i32 to index
      %get3A_272 = arith.constant 48 : index
      %get3A_273 = tpu.vector_load %arg7[%get3A_271, %get3A_272] {strides = array<i32>} : memref<100x128xf32, #tpu.memory_space<vmem>>, vector<1x16xf32>,
      %get3A_274 = vector.shape_cast %get3A_273 : vector<1x16xf32> to vector<16xf32>
      %add3A_275 = arith.addf %add3A_233, %get3A_274 : vector<16xf32>
      %get3A_276 = arith.index_cast %scan3A_255 : i32 to index
      %get3A_277 = arith.constant 64 : index
      %get3A_278 = tpu.vector_load %arg7[%get3A_276, %get3A_277] {strides = array<i32>} : memref<100x128xf32, #tpu.memory_space<vmem>>, vector<1x16xf32>,
      %get3A_279 = vector.shape_cast %get3A_278 : vector<1x16xf32> to vector<16xf32>
      %add3A_280 = arith.addf %add3A_238, %get3A_279 : vector<16xf32>
      %get3A_281 = arith.index_cast %scan3A_255 : i32 to index
      %get3A_282 = arith.constant 80 : index
      %get3A_283 = tpu.vector_load %arg7[%get3A_281, %get3A_282] {strides = array<i32>} : memref<100x128xf32, #tpu.memory_space<vmem>>, vector<1x16xf32>,
      %get3A_284 = vector.shape_cast %get3A_283 : vector<1x16xf32> to vector<16xf32>
      %add3A_285 = arith.addf %add3A_243, %get3A_284 : vector<16xf32>
      %get3A_286 = arith.index_cast %scan3A_255 : i32 to index
      %get3A_287 = arith.constant 96 : index
      %get3A_288 = tpu.vector_load %arg7[%get3A_286, %get3A_287] {strides = array<i32>} : memref<100x128xf32, #tpu.memory_space<vmem>>, vector<1x16xf32>,
      %get3A_289 = vector.shape_cast %get3A_288 : vector<1x16xf32> to vector<16xf32>
      %add3A_290 = arith.addf %add3A_248, %get3A_289 : vector<16xf32>
      %get3A_291 = arith.index_cast %scan3A_255 : i32 to index
      %get3A_292 = arith.constant 112 : index
      %get3A_293 = tpu.vector_load %arg7[%get3A_291, %get3A_292] {strides = array<i32>} : memref<100x128xf32, #tpu.memory_space<vmem>>, vector<1x16xf32>,
      %get3A_294 = vector.shape_cast %get3A_293 : vector<1x16xf32> to vector<16xf32>
      %add3A_295 = arith.addf %add3A_253, %get3A_294 : vector<16xf32>
      %scan3A_296 = arith.constant 2 : i32
      %scan3A_297 = arith.addi %scan3A_206, %scan3A_296 : i32
      %get3A_298 = arith.index_cast %scan3A_297 : i32 to index
      %get3A_299 = arith.constant 0 : index
      %get3A_300 = tpu.vector_load %arg7[%get3A_298, %get3A_299] {strides = array<i32>} : memref<100x128xf32, #tpu.memory_space<vmem>>, vector<1x16xf32>,
      %get3A_301 = vector.shape_cast %get3A_300 : vector<1x16xf32> to vector<16xf32>
      %add3A_302 = arith.addf %add3A_260, %get3A_301 : vector<16xf32>
      %get3A_303 = arith.index_cast %scan3A_297 : i32 to index
      %get3A_304 = arith.constant 16 : index
      %get3A_305 = tpu.vector_load %arg7[%get3A_303, %get3A_304] {strides = array<i32>} : memref<100x128xf32, #tpu.memory_space<vmem>>, vector<1x16xf32>,
      %get3A_306 = vector.shape_cast %get3A_305 : vector<1x16xf32> to vector<16xf32>
      %add3A_307 = arith.addf %add3A_265, %get3A_306 : vector<16xf32>
      %get3A_308 = arith.index_cast %scan3A_297 : i32 to index
      %get3A_309 = arith.constant 32 : index
      %get3A_310 = tpu.vector_load %arg7[%get3A_308, %get3A_309] {strides = array<i32>} : memref<100x128xf32, #tpu.memory_space<vmem>>, vector<1x16xf32>,
      %get3A_311 = vector.shape_cast %get3A_310 : vector<1x16xf32> to vector<16xf32>
      %add3A_312 = arith.addf %add3A_270, %get3A_311 : vector<16xf32>
      %get3A_313 = arith.index_cast %scan3A_297 : i32 to index
      %get3A_314 = arith.constant 48 : index
      %get3A_315 = tpu.vector_load %arg7[%get3A_313, %get3A_314] {strides = array<i32>} : memref<100x128xf32, #tpu.memory_space<vmem>>, vector<1x16xf32>,
      %get3A_316 = vector.shape_cast %get3A_315 : vector<1x16xf32> to vector<16xf32>
      %add3A_317 = arith.addf %add3A_275, %get3A_316 : vector<16xf32>
      %get3A_318 = arith.index_cast %scan3A_297 : i32 to index
      %get3A_319 = arith.constant 64 : index
      %get3A_320 = tpu.vector_load %arg7[%get3A_318, %get3A_319] {strides = array<i32>} : memref<100x128xf32, #tpu.memory_space<vmem>>, vector<1x16xf32>,
      %get3A_321 = vector.shape_cast %get3A_320 : vector<1x16xf32> to vector<16xf32>
      %add3A_322 = arith.addf %add3A_280, %get3A_321 : vector<16xf32>
      %get3A_323 = arith.index_cast %scan3A_297 : i32 to index
      %get3A_324 = arith.constant 80 : index
      %get3A_325 = tpu.vector_load %arg7[%get3A_323, %get3A_324] {strides = array<i32>} : memref<100x128xf32, #tpu.memory_space<vmem>>, vector<1x16xf32>,
      %get3A_326 = vector.shape_cast %get3A_325 : vector<1x16xf32> to vector<16xf32>
      %add3A_327 = arith.addf %add3A_285, %get3A_326 : vector<16xf32>
      %get3A_328 = arith.index_cast %scan3A_297 : i32 to index
      %get3A_329 = arith.constant 96 : index
      %get3A_330 = tpu.vector_load %arg7[%get3A_328, %get3A_329] {strides = array<i32>} : memref<100x128xf32, #tpu.memory_space<vmem>>, vector<1x16xf32>,
      %get3A_331 = vector.shape_cast %get3A_330 : vector<1x16xf32> to vector<16xf32>
      %add3A_332 = arith.addf %add3A_290, %get3A_331 : vector<16xf32>
      %get3A_333 = arith.index_cast %scan3A_297 : i32 to index
      %get3A_334 = arith.constant 112 : index
      %get3A_335 = tpu.vector_load %arg7[%get3A_333, %get3A_334] {strides = array<i32>} : memref<100x128xf32, #tpu.memory_space<vmem>>, vector<1x16xf32>,
      %get3A_336 = vector.shape_cast %get3A_335 : vector<1x16xf32> to vector<16xf32>
      %add3A_337 = arith.addf %add3A_295, %get3A_336 : vector<16xf32>
      %scan3A_338 = arith.constant 3 : i32
      %scan3A_339 = arith.addi %scan3A_206, %scan3A_338 : i32
      %get3A_340 = arith.index_cast %scan3A_339 : i32 to index
      %get3A_341 = arith.constant 0 : index
      %get3A_342 = tpu.vector_load %arg7[%get3A_340, %get3A_341] {strides = array<i32>} : memref<100x128xf32, #tpu.memory_space<vmem>>, vector<1x16xf32>,
      %get3A_343 = vector.shape_cast %get3A_342 : vector<1x16xf32> to vector<16xf32>
      %add3A_344 = arith.addf %add3A_302, %get3A_343 : vector<16xf32>
      %get3A_345 = arith.index_cast %scan3A_339 : i32 to index
      %get3A_346 = arith.constant 16 : index
      %get3A_347 = tpu.vector_load %arg7[%get3A_345, %get3A_346] {strides = array<i32>} : memref<100x128xf32, #tpu.memory_space<vmem>>, vector<1x16xf32>,
      %get3A_348 = vector.shape_cast %get3A_347 : vector<1x16xf32> to vector<16xf32>
      %add3A_349 = arith.addf %add3A_307, %get3A_348 : vector<16xf32>
      %get3A_350 = arith.index_cast %scan3A_339 : i32 to index
      %get3A_351 = arith.constant 32 : index
      %get3A_352 = tpu.vector_load %arg7[%get3A_350, %get3A_351] {strides = array<i32>} : memref<100x128xf32, #tpu.memory_space<vmem>>, vector<1x16xf32>,
      %get3A_353 = vector.shape_cast %get3A_352 : vector<1x16xf32> to vector<16xf32>
      %add3A_354 = arith.addf %add3A_312, %get3A_353 : vector<16xf32>
      %get3A_355 = arith.index_cast %scan3A_339 : i32 to index
      %get3A_356 = arith.constant 48 : index
      %get3A_357 = tpu.vector_load %arg7[%get3A_355, %get3A_356] {strides = array<i32>} : memref<100x128xf32, #tpu.memory_space<vmem>>, vector<1x16xf32>,
      %get3A_358 = vector.shape_cast %get3A_357 : vector<1x16xf32> to vector<16xf32>
      %add3A_359 = arith.addf %add3A_317, %get3A_358 : vector<16xf32>
      %get3A_360 = arith.index_cast %scan3A_339 : i32 to index
      %get3A_361 = arith.constant 64 : index
      %get3A_362 = tpu.vector_load %arg7[%get3A_360, %get3A_361] {strides = array<i32>} : memref<100x128xf32, #tpu.memory_space<vmem>>, vector<1x16xf32>,
      %get3A_363 = vector.shape_cast %get3A_362 : vector<1x16xf32> to vector<16xf32>
      %add3A_364 = arith.addf %add3A_322, %get3A_363 : vector<16xf32>
      %get3A_365 = arith.index_cast %scan3A_339 : i32 to index
      %get3A_366 = arith.constant 80 : index
      %get3A_367 = tpu.vector_load %arg7[%get3A_365, %get3A_366] {strides = array<i32>} : memref<100x128xf32, #tpu.memory_space<vmem>>, vector<1x16xf32>,
      %get3A_368 = vector.shape_cast %get3A_367 : vector<1x16xf32> to vector<16xf32>
      %add3A_369 = arith.addf %add3A_327, %get3A_368 : vector<16xf32>
      %get3A_370 = arith.index_cast %scan3A_339 : i32 to index
      %get3A_371 = arith.constant 96 : index
      %get3A_372 = tpu.vector_load %arg7[%get3A_370, %get3A_371] {strides = array<i32>} : memref<100x128xf32, #tpu.memory_space<vmem>>, vector<1x16xf32>,
      %get3A_373 = vector.shape_cast %get3A_372 : vector<1x16xf32> to vector<16xf32>
      %add3A_374 = arith.addf %add3A_332, %get3A_373 : vector<16xf32>
      %get3A_375 = arith.index_cast %scan3A_339 : i32 to index
      %get3A_376 = arith.constant 112 : index
      %get3A_377 = tpu.vector_load %arg7[%get3A_375, %get3A_376] {strides = array<i32>} : memref<100x128xf32, #tpu.memory_space<vmem>>, vector<1x16xf32>,
      %get3A_378 = vector.shape_cast %get3A_377 : vector<1x16xf32> to vector<16xf32>
      %add3A_379 = arith.addf %add3A_337, %get3A_378 : vector<16xf32>
      scf.yield %add3A_344, %add3A_349, %add3A_354, %add3A_359, %add3A_364, %add3A_369, %add3A_374, %add3A_379 : vector<16xf32>, vector<16xf32>, vector<16xf32>, vector<16xf32>, vector<16xf32>, vector<16xf32>, vector<16xf32>, vector<16xf32>
    }
    %scan3A_80 = arith.constant 100 : i32
    %swap3A = arith.constant 30 : i32
    %swap3A_81 = arith.index_cast %swap3A : i32 to index
    %swap3A_82 = arith.constant 0 : index
    %swap3A_83 = tpu.vector_load %arg10[%swap3A_81, %swap3A_82] {strides = array<i32>} : memref<32x128xf32, #tpu.memory_space<vmem>>, vector<1x16xf32>,
    %swap3A_84 = vector.shape_cast %swap3A_83 : vector<1x16xf32> to vector<16xf32>
    %swap3A_85 = vector.shape_cast %scan3A_79#0 : vector<16xf32> to vector<1x16xf32>
    tpu.vector_store %arg10[%swap3A_81, %swap3A_82], %swap3A_85 {strides = array<i32>} : memref<32x128xf32, #tpu.memory_space<vmem>>, vector<1x16xf32>,
    %swap3A_86 = arith.constant 30 : i32
    %swap3A_87 = arith.index_cast %swap3A_86 : i32 to index
    %swap3A_88 = arith.constant 16 : index
    %swap3A_89 = tpu.vector_load %arg10[%swap3A_87, %swap3A_88] {strides = array<i32>} : memref<32x128xf32, #tpu.memory_space<vmem>>, vector<1x16xf32>,
    %swap3A_90 = vector.shape_cast %swap3A_89 : vector<1x16xf32> to vector<16xf32>
    %swap3A_91 = vector.shape_cast %scan3A_79#1 : vector<16xf32> to vector<1x16xf32>
    tpu.vector_store %arg10[%swap3A_87, %swap3A_88], %swap3A_91 {strides = array<i32>} : memref<32x128xf32, #tpu.memory_space<vmem>>, vector<1x16xf32>,
    %swap3A_92 = arith.constant 30 : i32
    %swap3A_93 = arith.index_cast %swap3A_92 : i32 to index
    %swap3A_94 = arith.constant 32 : index
    %swap3A_95 = tpu.vector_load %arg10[%swap3A_93, %swap3A_94] {strides = array<i32>} : memref<32x128xf32, #tpu.memory_space<vmem>>, vector<1x16xf32>,
    %swap3A_96 = vector.shape_cast %swap3A_95 : vector<1x16xf32> to vector<16xf32>
    %swap3A_97 = vector.shape_cast %scan3A_79#2 : vector<16xf32> to vector<1x16xf32>
    tpu.vector_store %arg10[%swap3A_93, %swap3A_94], %swap3A_97 {strides = array<i32>} : memref<32x128xf32, #tpu.memory_space<vmem>>, vector<1x16xf32>,
    %swap3A_98 = arith.constant 30 : i32
    %swap3A_99 = arith.index_cast %swap3A_98 : i32 to index
    %swap3A_100 = arith.constant 48 : index
    %swap3A_101 = tpu.vector_load %arg10[%swap3A_99, %swap3A_100] {strides = array<i32>} : memref<32x128xf32, #tpu.memory_space<vmem>>, vector<1x16xf32>,
    %swap3A_102 = vector.shape_cast %swap3A_101 : vector<1x16xf32> to vector<16xf32>
    %swap3A_103 = vector.shape_cast %scan3A_79#3 : vector<16xf32> to vector<1x16xf32>
    tpu.vector_store %arg10[%swap3A_99, %swap3A_100], %swap3A_103 {strides = array<i32>} : memref<32x128xf32, #tpu.memory_space<vmem>>, vector<1x16xf32>,
    %swap3A_104 = arith.constant 30 : i32
    %swap3A_105 = arith.index_cast %swap3A_104 : i32 to index
    %swap3A_106 = arith.constant 64 : index
    %swap3A_107 = tpu.vector_load %arg10[%swap3A_105, %swap3A_106] {strides = array<i32>} : memref<32x128xf32, #tpu.memory_space<vmem>>, vector<1x16xf32>,
    %swap3A_108 = vector.shape_cast %swap3A_107 : vector<1x16xf32> to vector<16xf32>
    %swap3A_109 = vector.shape_cast %scan3A_79#4 : vector<16xf32> to vector<1x16xf32>
    tpu.vector_store %arg10[%swap3A_105, %swap3A_106], %swap3A_109 {strides = array<i32>} : memref<32x128xf32, #tpu.memory_space<vmem>>, vector<1x16xf32>,
    %swap3A_110 = arith.constant 30 : i32
    %swap3A_111 = arith.index_cast %swap3A_110 : i32 to index
    %swap3A_112 = arith.constant 80 : index
    %swap3A_113 = tpu.vector_load %arg10[%swap3A_111, %swap3A_112] {strides = array<i32>} : memref<32x128xf32, #tpu.memory_space<vmem>>, vector<1x16xf32>,
    %swap3A_114 = vector.shape_cast %swap3A_113 : vector<1x16xf32> to vector<16xf32>
    %swap3A_115 = vector.shape_cast %scan3A_79#5 : vector<16xf32> to vector<1x16xf32>
    tpu.vector_store %arg10[%swap3A_111, %swap3A_112], %swap3A_115 {strides = array<i32>} : memref<32x128xf32, #tpu.memory_space<vmem>>, vector<1x16xf32>,
    %swap3A_116 = arith.constant 30 : i32
    %swap3A_117 = arith.index_cast %swap3A_116 : i32 to index
    %swap3A_118 = arith.constant 96 : index
    %swap3A_119 = tpu.vector_load %arg10[%swap3A_117, %swap3A_118] {strides = array<i32>} : memref<32x128xf32, #tpu.memory_space<vmem>>, vector<1x16xf32>,
    %swap3A_120 = vector.shape_cast %swap3A_119 : vector<1x16xf32> to vector<16xf32>
    %swap3A_121 = vector.shape_cast %scan3A_79#6 : vector<16xf32> to vector<1x16xf32>
    tpu.vector_store %arg10[%swap3A_117, %swap3A_118], %swap3A_121 {strides = array<i32>} : memref<32x128xf32, #tpu.memory_space<vmem>>, vector<1x16xf32>,
    %swap3A_122 = arith.constant 30 : i32
    %swap3A_123 = arith.index_cast %swap3A_122 : i32 to index
    %swap3A_124 = arith.constant 112 : index
    %swap3A_125 = tpu.vector_load %arg10[%swap3A_123, %swap3A_124] {strides = array<i32>} : memref<32x128xf32, #tpu.memory_space<vmem>>, vector<1x16xf32>,
    %swap3A_126 = vector.shape_cast %swap3A_125 : vector<1x16xf32> to vector<16xf32>
    %swap3A_127 = vector.shape_cast %scan3A_79#7 : vector<16xf32> to vector<1x16xf32>
    tpu.vector_store %arg10[%swap3A_123, %swap3A_124], %swap3A_127 {strides = array<i32>} : memref<32x128xf32, #tpu.memory_space<vmem>>, vector<1x16xf32>,
    %dma_wait3A_128 = arith.constant 31 : i32
    %dma_wait3A_129 = arith.constant 0 : i32
    %dma_wait3A_130 = arith.constant 0 : i32
    %dma_wait3A_131 = tpu.memref_slice %arg5[%dma_wait3A_128, %dma_wait3A_129, %dma_wait3A_130] : memref<32x2x100xi32, #tpu.memory_space<vmem>> -> memref<1x1x100xi32, #tpu.memory_space<vmem>>
    %dma_wait3A_132 = tpu.memref_squeeze %dma_wait3A_131 : memref<1x1x100xi32, #tpu.memory_space<vmem>> -> memref<100xi32, #tpu.memory_space<vmem>>
    %dma_wait3A_133 = arith.constant 0 : i32
    %dma_wait3A_134 = arith.constant 0 : i32
    %dma_wait3A_135 = tpu.memref_slice %arg3[%dma_wait3A_133, %dma_wait3A_134] : memref<100000x128xf32, #tpu.memory_space<hbm>> -> memref<100000x128xf32, #tpu.memory_space<hbm>>
    tpu.wait_indirect_dma semaphore(%arg13 : memref<!tpu.dma_semaphore, #tpu.memory_space<semaphore_mem>>) src(%dma_wait3A_135 : memref<100000x128xf32, #tpu.memory_space<hbm>>) dst(%arg8 : memref<100x128xf32, #tpu.memory_space<vmem>>)
    %scan3A_136 = arith.constant 0 : i32
    %scan3A_137 = arith.constant 100 : i32
    %scan3A_138 = arith.addi %scan3A_136, %scan3A_137 : i32
    %scan3A_139 = arith.constant 4 : i32
    %scan3A_140:8 = scf.for %scan3A_206 = %scan3A_136 to %scan3A_138 step %scan3A_139 iter_args(%scan3A_207 = %broadcast_in_dim3A_26, %scan3A_208 = %broadcast_in_dim3A_28, %scan3A_209 = %broadcast_in_dim3A_30, %scan3A_210 = %broadcast_in_dim3A_32, %scan3A_211 = %broadcast_in_dim3A_34, %scan3A_212 = %broadcast_in_dim3A_36, %scan3A_213 = %broadcast_in_dim3A_38, %scan3A_214 = %broadcast_in_dim3A_40) -> (vector<16xf32>, vector<16xf32>, vector<16xf32>, vector<16xf32>, vector<16xf32>, vector<16xf32>, vector<16xf32>, vector<16xf32>)  : i32 {
      %get3A = arith.index_cast %scan3A_206 : i32 to index
      %get3A_215 = arith.constant 0 : index
      %get3A_216 = tpu.vector_load %arg8[%get3A, %get3A_215] {strides = array<i32>} : memref<100x128xf32, #tpu.memory_space<vmem>>, vector<1x16xf32>,
      %get3A_217 = vector.shape_cast %get3A_216 : vector<1x16xf32> to vector<16xf32>
      %add3A_218 = arith.addf %scan3A_207, %get3A_217 : vector<16xf32>
      %get3A_219 = arith.index_cast %scan3A_206 : i32 to index
      %get3A_220 = arith.constant 16 : index
      %get3A_221 = tpu.vector_load %arg8[%get3A_219, %get3A_220] {strides = array<i32>} : memref<100x128xf32, #tpu.memory_space<vmem>>, vector<1x16xf32>,
      %get3A_222 = vector.shape_cast %get3A_221 : vector<1x16xf32> to vector<16xf32>
      %add3A_223 = arith.addf %scan3A_208, %get3A_222 : vector<16xf32>
      %get3A_224 = arith.index_cast %scan3A_206 : i32 to index
      %get3A_225 = arith.constant 32 : index
      %get3A_226 = tpu.vector_load %arg8[%get3A_224, %get3A_225] {strides = array<i32>} : memref<100x128xf32, #tpu.memory_space<vmem>>, vector<1x16xf32>,
      %get3A_227 = vector.shape_cast %get3A_226 : vector<1x16xf32> to vector<16xf32>
      %add3A_228 = arith.addf %scan3A_209, %get3A_227 : vector<16xf32>
      %get3A_229 = arith.index_cast %scan3A_206 : i32 to index
      %get3A_230 = arith.constant 48 : index
      %get3A_231 = tpu.vector_load %arg8[%get3A_229, %get3A_230] {strides = array<i32>} : memref<100x128xf32, #tpu.memory_space<vmem>>, vector<1x16xf32>,
      %get3A_232 = vector.shape_cast %get3A_231 : vector<1x16xf32> to vector<16xf32>
      %add3A_233 = arith.addf %scan3A_210, %get3A_232 : vector<16xf32>
      %get3A_234 = arith.index_cast %scan3A_206 : i32 to index
      %get3A_235 = arith.constant 64 : index
      %get3A_236 = tpu.vector_load %arg8[%get3A_234, %get3A_235] {strides = array<i32>} : memref<100x128xf32, #tpu.memory_space<vmem>>, vector<1x16xf32>,
      %get3A_237 = vector.shape_cast %get3A_236 : vector<1x16xf32> to vector<16xf32>
      %add3A_238 = arith.addf %scan3A_211, %get3A_237 : vector<16xf32>
      %get3A_239 = arith.index_cast %scan3A_206 : i32 to index
      %get3A_240 = arith.constant 80 : index
      %get3A_241 = tpu.vector_load %arg8[%get3A_239, %get3A_240] {strides = array<i32>} : memref<100x128xf32, #tpu.memory_space<vmem>>, vector<1x16xf32>,
      %get3A_242 = vector.shape_cast %get3A_241 : vector<1x16xf32> to vector<16xf32>
      %add3A_243 = arith.addf %scan3A_212, %get3A_242 : vector<16xf32>
      %get3A_244 = arith.index_cast %scan3A_206 : i32 to index
      %get3A_245 = arith.constant 96 : index
      %get3A_246 = tpu.vector_load %arg8[%get3A_244, %get3A_245] {strides = array<i32>} : memref<100x128xf32, #tpu.memory_space<vmem>>, vector<1x16xf32>,
      %get3A_247 = vector.shape_cast %get3A_246 : vector<1x16xf32> to vector<16xf32>
      %add3A_248 = arith.addf %scan3A_213, %get3A_247 : vector<16xf32>
      %get3A_249 = arith.index_cast %scan3A_206 : i32 to index
      %get3A_250 = arith.constant 112 : index
      %get3A_251 = tpu.vector_load %arg8[%get3A_249, %get3A_250] {strides = array<i32>} : memref<100x128xf32, #tpu.memory_space<vmem>>, vector<1x16xf32>,
      %get3A_252 = vector.shape_cast %get3A_251 : vector<1x16xf32> to vector<16xf32>
      %add3A_253 = arith.addf %scan3A_214, %get3A_252 : vector<16xf32>
      %scan3A_254 = arith.constant 1 : i32
      %scan3A_255 = arith.addi %scan3A_206, %scan3A_254 : i32
      %get3A_256 = arith.index_cast %scan3A_255 : i32 to index
      %get3A_257 = arith.constant 0 : index
      %get3A_258 = tpu.vector_load %arg8[%get3A_256, %get3A_257] {strides = array<i32>} : memref<100x128xf32, #tpu.memory_space<vmem>>, vector<1x16xf32>,
      %get3A_259 = vector.shape_cast %get3A_258 : vector<1x16xf32> to vector<16xf32>
      %add3A_260 = arith.addf %add3A_218, %get3A_259 : vector<16xf32>
      %get3A_261 = arith.index_cast %scan3A_255 : i32 to index
      %get3A_262 = arith.constant 16 : index
      %get3A_263 = tpu.vector_load %arg8[%get3A_261, %get3A_262] {strides = array<i32>} : memref<100x128xf32, #tpu.memory_space<vmem>>, vector<1x16xf32>,
      %get3A_264 = vector.shape_cast %get3A_263 : vector<1x16xf32> to vector<16xf32>
      %add3A_265 = arith.addf %add3A_223, %get3A_264 : vector<16xf32>
      %get3A_266 = arith.index_cast %scan3A_255 : i32 to index
      %get3A_267 = arith.constant 32 : index
      %get3A_268 = tpu.vector_load %arg8[%get3A_266, %get3A_267] {strides = array<i32>} : memref<100x128xf32, #tpu.memory_space<vmem>>, vector<1x16xf32>,
      %get3A_269 = vector.shape_cast %get3A_268 : vector<1x16xf32> to vector<16xf32>
      %add3A_270 = arith.addf %add3A_228, %get3A_269 : vector<16xf32>
      %get3A_271 = arith.index_cast %scan3A_255 : i32 to index
      %get3A_272 = arith.constant 48 : index
      %get3A_273 = tpu.vector_load %arg8[%get3A_271, %get3A_272] {strides = array<i32>} : memref<100x128xf32, #tpu.memory_space<vmem>>, vector<1x16xf32>,
      %get3A_274 = vector.shape_cast %get3A_273 : vector<1x16xf32> to vector<16xf32>
      %add3A_275 = arith.addf %add3A_233, %get3A_274 : vector<16xf32>
      %get3A_276 = arith.index_cast %scan3A_255 : i32 to index
      %get3A_277 = arith.constant 64 : index
      %get3A_278 = tpu.vector_load %arg8[%get3A_276, %get3A_277] {strides = array<i32>} : memref<100x128xf32, #tpu.memory_space<vmem>>, vector<1x16xf32>,
      %get3A_279 = vector.shape_cast %get3A_278 : vector<1x16xf32> to vector<16xf32>
      %add3A_280 = arith.addf %add3A_238, %get3A_279 : vector<16xf32>
      %get3A_281 = arith.index_cast %scan3A_255 : i32 to index
      %get3A_282 = arith.constant 80 : index
      %get3A_283 = tpu.vector_load %arg8[%get3A_281, %get3A_282] {strides = array<i32>} : memref<100x128xf32, #tpu.memory_space<vmem>>, vector<1x16xf32>,
      %get3A_284 = vector.shape_cast %get3A_283 : vector<1x16xf32> to vector<16xf32>
      %add3A_285 = arith.addf %add3A_243, %get3A_284 : vector<16xf32>
      %get3A_286 = arith.index_cast %scan3A_255 : i32 to index
      %get3A_287 = arith.constant 96 : index
      %get3A_288 = tpu.vector_load %arg8[%get3A_286, %get3A_287] {strides = array<i32>} : memref<100x128xf32, #tpu.memory_space<vmem>>, vector<1x16xf32>,
      %get3A_289 = vector.shape_cast %get3A_288 : vector<1x16xf32> to vector<16xf32>
      %add3A_290 = arith.addf %add3A_248, %get3A_289 : vector<16xf32>
      %get3A_291 = arith.index_cast %scan3A_255 : i32 to index
      %get3A_292 = arith.constant 112 : index
      %get3A_293 = tpu.vector_load %arg8[%get3A_291, %get3A_292] {strides = array<i32>} : memref<100x128xf32, #tpu.memory_space<vmem>>, vector<1x16xf32>,
      %get3A_294 = vector.shape_cast %get3A_293 : vector<1x16xf32> to vector<16xf32>
      %add3A_295 = arith.addf %add3A_253, %get3A_294 : vector<16xf32>
      %scan3A_296 = arith.constant 2 : i32
      %scan3A_297 = arith.addi %scan3A_206, %scan3A_296 : i32
      %get3A_298 = arith.index_cast %scan3A_297 : i32 to index
      %get3A_299 = arith.constant 0 : index
      %get3A_300 = tpu.vector_load %arg8[%get3A_298, %get3A_299] {strides = array<i32>} : memref<100x128xf32, #tpu.memory_space<vmem>>, vector<1x16xf32>,
      %get3A_301 = vector.shape_cast %get3A_300 : vector<1x16xf32> to vector<16xf32>
      %add3A_302 = arith.addf %add3A_260, %get3A_301 : vector<16xf32>
      %get3A_303 = arith.index_cast %scan3A_297 : i32 to index
      %get3A_304 = arith.constant 16 : index
      %get3A_305 = tpu.vector_load %arg8[%get3A_303, %get3A_304] {strides = array<i32>} : memref<100x128xf32, #tpu.memory_space<vmem>>, vector<1x16xf32>,
      %get3A_306 = vector.shape_cast %get3A_305 : vector<1x16xf32> to vector<16xf32>
      %add3A_307 = arith.addf %add3A_265, %get3A_306 : vector<16xf32>
      %get3A_308 = arith.index_cast %scan3A_297 : i32 to index
      %get3A_309 = arith.constant 32 : index
      %get3A_310 = tpu.vector_load %arg8[%get3A_308, %get3A_309] {strides = array<i32>} : memref<100x128xf32, #tpu.memory_space<vmem>>, vector<1x16xf32>,
      %get3A_311 = vector.shape_cast %get3A_310 : vector<1x16xf32> to vector<16xf32>
      %add3A_312 = arith.addf %add3A_270, %get3A_311 : vector<16xf32>
      %get3A_313 = arith.index_cast %scan3A_297 : i32 to index
      %get3A_314 = arith.constant 48 : index
      %get3A_315 = tpu.vector_load %arg8[%get3A_313, %get3A_314] {strides = array<i32>} : memref<100x128xf32, #tpu.memory_space<vmem>>, vector<1x16xf32>,
      %get3A_316 = vector.shape_cast %get3A_315 : vector<1x16xf32> to vector<16xf32>
      %add3A_317 = arith.addf %add3A_275, %get3A_316 : vector<16xf32>
      %get3A_318 = arith.index_cast %scan3A_297 : i32 to index
      %get3A_319 = arith.constant 64 : index
      %get3A_320 = tpu.vector_load %arg8[%get3A_318, %get3A_319] {strides = array<i32>} : memref<100x128xf32, #tpu.memory_space<vmem>>, vector<1x16xf32>,
      %get3A_321 = vector.shape_cast %get3A_320 : vector<1x16xf32> to vector<16xf32>
      %add3A_322 = arith.addf %add3A_280, %get3A_321 : vector<16xf32>
      %get3A_323 = arith.index_cast %scan3A_297 : i32 to index
      %get3A_324 = arith.constant 80 : index
      %get3A_325 = tpu.vector_load %arg8[%get3A_323, %get3A_324] {strides = array<i32>} : memref<100x128xf32, #tpu.memory_space<vmem>>, vector<1x16xf32>,
      %get3A_326 = vector.shape_cast %get3A_325 : vector<1x16xf32> to vector<16xf32>
      %add3A_327 = arith.addf %add3A_285, %get3A_326 : vector<16xf32>
      %get3A_328 = arith.index_cast %scan3A_297 : i32 to index
      %get3A_329 = arith.constant 96 : index
      %get3A_330 = tpu.vector_load %arg8[%get3A_328, %get3A_329] {strides = array<i32>} : memref<100x128xf32, #tpu.memory_space<vmem>>, vector<1x16xf32>,
      %get3A_331 = vector.shape_cast %get3A_330 : vector<1x16xf32> to vector<16xf32>
      %add3A_332 = arith.addf %add3A_290, %get3A_331 : vector<16xf32>
      %get3A_333 = arith.index_cast %scan3A_297 : i32 to index
      %get3A_334 = arith.constant 112 : index
      %get3A_335 = tpu.vector_load %arg8[%get3A_333, %get3A_334] {strides = array<i32>} : memref<100x128xf32, #tpu.memory_space<vmem>>, vector<1x16xf32>,
      %get3A_336 = vector.shape_cast %get3A_335 : vector<1x16xf32> to vector<16xf32>
      %add3A_337 = arith.addf %add3A_295, %get3A_336 : vector<16xf32>
      %scan3A_338 = arith.constant 3 : i32
      %scan3A_339 = arith.addi %scan3A_206, %scan3A_338 : i32
      %get3A_340 = arith.index_cast %scan3A_339 : i32 to index
      %get3A_341 = arith.constant 0 : index
      %get3A_342 = tpu.vector_load %arg8[%get3A_340, %get3A_341] {strides = array<i32>} : memref<100x128xf32, #tpu.memory_space<vmem>>, vector<1x16xf32>,
      %get3A_343 = vector.shape_cast %get3A_342 : vector<1x16xf32> to vector<16xf32>
      %add3A_344 = arith.addf %add3A_302, %get3A_343 : vector<16xf32>
      %get3A_345 = arith.index_cast %scan3A_339 : i32 to index
      %get3A_346 = arith.constant 16 : index
      %get3A_347 = tpu.vector_load %arg8[%get3A_345, %get3A_346] {strides = array<i32>} : memref<100x128xf32, #tpu.memory_space<vmem>>, vector<1x16xf32>,
      %get3A_348 = vector.shape_cast %get3A_347 : vector<1x16xf32> to vector<16xf32>
      %add3A_349 = arith.addf %add3A_307, %get3A_348 : vector<16xf32>
      %get3A_350 = arith.index_cast %scan3A_339 : i32 to index
      %get3A_351 = arith.constant 32 : index
      %get3A_352 = tpu.vector_load %arg8[%get3A_350, %get3A_351] {strides = array<i32>} : memref<100x128xf32, #tpu.memory_space<vmem>>, vector<1x16xf32>,
      %get3A_353 = vector.shape_cast %get3A_352 : vector<1x16xf32> to vector<16xf32>
      %add3A_354 = arith.addf %add3A_312, %get3A_353 : vector<16xf32>
      %get3A_355 = arith.index_cast %scan3A_339 : i32 to index
      %get3A_356 = arith.constant 48 : index
      %get3A_357 = tpu.vector_load %arg8[%get3A_355, %get3A_356] {strides = array<i32>} : memref<100x128xf32, #tpu.memory_space<vmem>>, vector<1x16xf32>,
      %get3A_358 = vector.shape_cast %get3A_357 : vector<1x16xf32> to vector<16xf32>
      %add3A_359 = arith.addf %add3A_317, %get3A_358 : vector<16xf32>
      %get3A_360 = arith.index_cast %scan3A_339 : i32 to index
      %get3A_361 = arith.constant 64 : index
      %get3A_362 = tpu.vector_load %arg8[%get3A_360, %get3A_361] {strides = array<i32>} : memref<100x128xf32, #tpu.memory_space<vmem>>, vector<1x16xf32>,
      %get3A_363 = vector.shape_cast %get3A_362 : vector<1x16xf32> to vector<16xf32>
      %add3A_364 = arith.addf %add3A_322, %get3A_363 : vector<16xf32>
      %get3A_365 = arith.index_cast %scan3A_339 : i32 to index
      %get3A_366 = arith.constant 80 : index
      %get3A_367 = tpu.vector_load %arg8[%get3A_365, %get3A_366] {strides = array<i32>} : memref<100x128xf32, #tpu.memory_space<vmem>>, vector<1x16xf32>,
      %get3A_368 = vector.shape_cast %get3A_367 : vector<1x16xf32> to vector<16xf32>
      %add3A_369 = arith.addf %add3A_327, %get3A_368 : vector<16xf32>
      %get3A_370 = arith.index_cast %scan3A_339 : i32 to index
      %get3A_371 = arith.constant 96 : index
      %get3A_372 = tpu.vector_load %arg8[%get3A_370, %get3A_371] {strides = array<i32>} : memref<100x128xf32, #tpu.memory_space<vmem>>, vector<1x16xf32>,
      %get3A_373 = vector.shape_cast %get3A_372 : vector<1x16xf32> to vector<16xf32>
      %add3A_374 = arith.addf %add3A_332, %get3A_373 : vector<16xf32>
      %get3A_375 = arith.index_cast %scan3A_339 : i32 to index
      %get3A_376 = arith.constant 112 : index
      %get3A_377 = tpu.vector_load %arg8[%get3A_375, %get3A_376] {strides = array<i32>} : memref<100x128xf32, #tpu.memory_space<vmem>>, vector<1x16xf32>,
      %get3A_378 = vector.shape_cast %get3A_377 : vector<1x16xf32> to vector<16xf32>
      %add3A_379 = arith.addf %add3A_337, %get3A_378 : vector<16xf32>
      scf.yield %add3A_344, %add3A_349, %add3A_354, %add3A_359, %add3A_364, %add3A_369, %add3A_374, %add3A_379 : vector<16xf32>, vector<16xf32>, vector<16xf32>, vector<16xf32>, vector<16xf32>, vector<16xf32>, vector<16xf32>, vector<16xf32>
    }
    %scan3A_141 = arith.constant 100 : i32
    %dma_wait3A_142 = arith.constant 31 : i32
    %dma_wait3A_143 = arith.constant 1 : i32
    %dma_wait3A_144 = arith.constant 0 : i32
    %dma_wait3A_145 = tpu.memref_slice %arg5[%dma_wait3A_142, %dma_wait3A_143, %dma_wait3A_144] : memref<32x2x100xi32, #tpu.memory_space<vmem>> -> memref<1x1x100xi32, #tpu.memory_space<vmem>>
    %dma_wait3A_146 = tpu.memref_squeeze %dma_wait3A_145 : memref<1x1x100xi32, #tpu.memory_space<vmem>> -> memref<100xi32, #tpu.memory_space<vmem>>
    %dma_wait3A_147 = arith.constant 0 : i32
    %dma_wait3A_148 = arith.constant 0 : i32
    %dma_wait3A_149 = tpu.memref_slice %arg3[%dma_wait3A_147, %dma_wait3A_148] : memref<100000x128xf32, #tpu.memory_space<hbm>> -> memref<100000x128xf32, #tpu.memory_space<hbm>>
    tpu.wait_indirect_dma semaphore(%arg14 : memref<!tpu.dma_semaphore, #tpu.memory_space<semaphore_mem>>) src(%dma_wait3A_149 : memref<100000x128xf32, #tpu.memory_space<hbm>>) dst(%arg9 : memref<100x128xf32, #tpu.memory_space<vmem>>)
    %scan3A_150 = arith.constant 0 : i32
    %scan3A_151 = arith.constant 100 : i32
    %scan3A_152 = arith.addi %scan3A_150, %scan3A_151 : i32
    %scan3A_153 = arith.constant 4 : i32
    %scan3A_154:8 = scf.for %scan3A_206 = %scan3A_150 to %scan3A_152 step %scan3A_153 iter_args(%scan3A_207 = %scan3A_140#0, %scan3A_208 = %scan3A_140#1, %scan3A_209 = %scan3A_140#2, %scan3A_210 = %scan3A_140#3, %scan3A_211 = %scan3A_140#4, %scan3A_212 = %scan3A_140#5, %scan3A_213 = %scan3A_140#6, %scan3A_214 = %scan3A_140#7) -> (vector<16xf32>, vector<16xf32>, vector<16xf32>, vector<16xf32>, vector<16xf32>, vector<16xf32>, vector<16xf32>, vector<16xf32>)  : i32 {
      %get3A = arith.index_cast %scan3A_206 : i32 to index
      %get3A_215 = arith.constant 0 : index
      %get3A_216 = tpu.vector_load %arg9[%get3A, %get3A_215] {strides = array<i32>} : memref<100x128xf32, #tpu.memory_space<vmem>>, vector<1x16xf32>,
      %get3A_217 = vector.shape_cast %get3A_216 : vector<1x16xf32> to vector<16xf32>
      %add3A_218 = arith.addf %scan3A_207, %get3A_217 : vector<16xf32>
      %get3A_219 = arith.index_cast %scan3A_206 : i32 to index
      %get3A_220 = arith.constant 16 : index
      %get3A_221 = tpu.vector_load %arg9[%get3A_219, %get3A_220] {strides = array<i32>} : memref<100x128xf32, #tpu.memory_space<vmem>>, vector<1x16xf32>,
      %get3A_222 = vector.shape_cast %get3A_221 : vector<1x16xf32> to vector<16xf32>
      %add3A_223 = arith.addf %scan3A_208, %get3A_222 : vector<16xf32>
      %get3A_224 = arith.index_cast %scan3A_206 : i32 to index
      %get3A_225 = arith.constant 32 : index
      %get3A_226 = tpu.vector_load %arg9[%get3A_224, %get3A_225] {strides = array<i32>} : memref<100x128xf32, #tpu.memory_space<vmem>>, vector<1x16xf32>,
      %get3A_227 = vector.shape_cast %get3A_226 : vector<1x16xf32> to vector<16xf32>
      %add3A_228 = arith.addf %scan3A_209, %get3A_227 : vector<16xf32>
      %get3A_229 = arith.index_cast %scan3A_206 : i32 to index
      %get3A_230 = arith.constant 48 : index
      %get3A_231 = tpu.vector_load %arg9[%get3A_229, %get3A_230] {strides = array<i32>} : memref<100x128xf32, #tpu.memory_space<vmem>>, vector<1x16xf32>,
      %get3A_232 = vector.shape_cast %get3A_231 : vector<1x16xf32> to vector<16xf32>
      %add3A_233 = arith.addf %scan3A_210, %get3A_232 : vector<16xf32>
      %get3A_234 = arith.index_cast %scan3A_206 : i32 to index
      %get3A_235 = arith.constant 64 : index
      %get3A_236 = tpu.vector_load %arg9[%get3A_234, %get3A_235] {strides = array<i32>} : memref<100x128xf32, #tpu.memory_space<vmem>>, vector<1x16xf32>,
      %get3A_237 = vector.shape_cast %get3A_236 : vector<1x16xf32> to vector<16xf32>
      %add3A_238 = arith.addf %scan3A_211, %get3A_237 : vector<16xf32>
      %get3A_239 = arith.index_cast %scan3A_206 : i32 to index
      %get3A_240 = arith.constant 80 : index
      %get3A_241 = tpu.vector_load %arg9[%get3A_239, %get3A_240] {strides = array<i32>} : memref<100x128xf32, #tpu.memory_space<vmem>>, vector<1x16xf32>,
      %get3A_242 = vector.shape_cast %get3A_241 : vector<1x16xf32> to vector<16xf32>
      %add3A_243 = arith.addf %scan3A_212, %get3A_242 : vector<16xf32>
      %get3A_244 = arith.index_cast %scan3A_206 : i32 to index
      %get3A_245 = arith.constant 96 : index
      %get3A_246 = tpu.vector_load %arg9[%get3A_244, %get3A_245] {strides = array<i32>} : memref<100x128xf32, #tpu.memory_space<vmem>>, vector<1x16xf32>,
      %get3A_247 = vector.shape_cast %get3A_246 : vector<1x16xf32> to vector<16xf32>
      %add3A_248 = arith.addf %scan3A_213, %get3A_247 : vector<16xf32>
      %get3A_249 = arith.index_cast %scan3A_206 : i32 to index
      %get3A_250 = arith.constant 112 : index
      %get3A_251 = tpu.vector_load %arg9[%get3A_249, %get3A_250] {strides = array<i32>} : memref<100x128xf32, #tpu.memory_space<vmem>>, vector<1x16xf32>,
      %get3A_252 = vector.shape_cast %get3A_251 : vector<1x16xf32> to vector<16xf32>
      %add3A_253 = arith.addf %scan3A_214, %get3A_252 : vector<16xf32>
      %scan3A_254 = arith.constant 1 : i32
      %scan3A_255 = arith.addi %scan3A_206, %scan3A_254 : i32
      %get3A_256 = arith.index_cast %scan3A_255 : i32 to index
      %get3A_257 = arith.constant 0 : index
      %get3A_258 = tpu.vector_load %arg9[%get3A_256, %get3A_257] {strides = array<i32>} : memref<100x128xf32, #tpu.memory_space<vmem>>, vector<1x16xf32>,
      %get3A_259 = vector.shape_cast %get3A_258 : vector<1x16xf32> to vector<16xf32>
      %add3A_260 = arith.addf %add3A_218, %get3A_259 : vector<16xf32>
      %get3A_261 = arith.index_cast %scan3A_255 : i32 to index
      %get3A_262 = arith.constant 16 : index
      %get3A_263 = tpu.vector_load %arg9[%get3A_261, %get3A_262] {strides = array<i32>} : memref<100x128xf32, #tpu.memory_space<vmem>>, vector<1x16xf32>,
      %get3A_264 = vector.shape_cast %get3A_263 : vector<1x16xf32> to vector<16xf32>
      %add3A_265 = arith.addf %add3A_223, %get3A_264 : vector<16xf32>
      %get3A_266 = arith.index_cast %scan3A_255 : i32 to index
      %get3A_267 = arith.constant 32 : index
      %get3A_268 = tpu.vector_load %arg9[%get3A_266, %get3A_267] {strides = array<i32>} : memref<100x128xf32, #tpu.memory_space<vmem>>, vector<1x16xf32>,
      %get3A_269 = vector.shape_cast %get3A_268 : vector<1x16xf32> to vector<16xf32>
      %add3A_270 = arith.addf %add3A_228, %get3A_269 : vector<16xf32>
      %get3A_271 = arith.index_cast %scan3A_255 : i32 to index
      %get3A_272 = arith.constant 48 : index
      %get3A_273 = tpu.vector_load %arg9[%get3A_271, %get3A_272] {strides = array<i32>} : memref<100x128xf32, #tpu.memory_space<vmem>>, vector<1x16xf32>,
      %get3A_274 = vector.shape_cast %get3A_273 : vector<1x16xf32> to vector<16xf32>
      %add3A_275 = arith.addf %add3A_233, %get3A_274 : vector<16xf32>
      %get3A_276 = arith.index_cast %scan3A_255 : i32 to index
      %get3A_277 = arith.constant 64 : index
      %get3A_278 = tpu.vector_load %arg9[%get3A_276, %get3A_277] {strides = array<i32>} : memref<100x128xf32, #tpu.memory_space<vmem>>, vector<1x16xf32>,
      %get3A_279 = vector.shape_cast %get3A_278 : vector<1x16xf32> to vector<16xf32>
      %add3A_280 = arith.addf %add3A_238, %get3A_279 : vector<16xf32>
      %get3A_281 = arith.index_cast %scan3A_255 : i32 to index
      %get3A_282 = arith.constant 80 : index
      %get3A_283 = tpu.vector_load %arg9[%get3A_281, %get3A_282] {strides = array<i32>} : memref<100x128xf32, #tpu.memory_space<vmem>>, vector<1x16xf32>,
      %get3A_284 = vector.shape_cast %get3A_283 : vector<1x16xf32> to vector<16xf32>
      %add3A_285 = arith.addf %add3A_243, %get3A_284 : vector<16xf32>
      %get3A_286 = arith.index_cast %scan3A_255 : i32 to index
      %get3A_287 = arith.constant 96 : index
      %get3A_288 = tpu.vector_load %arg9[%get3A_286, %get3A_287] {strides = array<i32>} : memref<100x128xf32, #tpu.memory_space<vmem>>, vector<1x16xf32>,
      %get3A_289 = vector.shape_cast %get3A_288 : vector<1x16xf32> to vector<16xf32>
      %add3A_290 = arith.addf %add3A_248, %get3A_289 : vector<16xf32>
      %get3A_291 = arith.index_cast %scan3A_255 : i32 to index
      %get3A_292 = arith.constant 112 : index
      %get3A_293 = tpu.vector_load %arg9[%get3A_291, %get3A_292] {strides = array<i32>} : memref<100x128xf32, #tpu.memory_space<vmem>>, vector<1x16xf32>,
      %get3A_294 = vector.shape_cast %get3A_293 : vector<1x16xf32> to vector<16xf32>
      %add3A_295 = arith.addf %add3A_253, %get3A_294 : vector<16xf32>
      %scan3A_296 = arith.constant 2 : i32
      %scan3A_297 = arith.addi %scan3A_206, %scan3A_296 : i32
      %get3A_298 = arith.index_cast %scan3A_297 : i32 to index
      %get3A_299 = arith.constant 0 : index
      %get3A_300 = tpu.vector_load %arg9[%get3A_298, %get3A_299] {strides = array<i32>} : memref<100x128xf32, #tpu.memory_space<vmem>>, vector<1x16xf32>,
      %get3A_301 = vector.shape_cast %get3A_300 : vector<1x16xf32> to vector<16xf32>
      %add3A_302 = arith.addf %add3A_260, %get3A_301 : vector<16xf32>
      %get3A_303 = arith.index_cast %scan3A_297 : i32 to index
      %get3A_304 = arith.constant 16 : index
      %get3A_305 = tpu.vector_load %arg9[%get3A_303, %get3A_304] {strides = array<i32>} : memref<100x128xf32, #tpu.memory_space<vmem>>, vector<1x16xf32>,
      %get3A_306 = vector.shape_cast %get3A_305 : vector<1x16xf32> to vector<16xf32>
      %add3A_307 = arith.addf %add3A_265, %get3A_306 : vector<16xf32>
      %get3A_308 = arith.index_cast %scan3A_297 : i32 to index
      %get3A_309 = arith.constant 32 : index
      %get3A_310 = tpu.vector_load %arg9[%get3A_308, %get3A_309] {strides = array<i32>} : memref<100x128xf32, #tpu.memory_space<vmem>>, vector<1x16xf32>,
      %get3A_311 = vector.shape_cast %get3A_310 : vector<1x16xf32> to vector<16xf32>
      %add3A_312 = arith.addf %add3A_270, %get3A_311 : vector<16xf32>
      %get3A_313 = arith.index_cast %scan3A_297 : i32 to index
      %get3A_314 = arith.constant 48 : index
      %get3A_315 = tpu.vector_load %arg9[%get3A_313, %get3A_314] {strides = array<i32>} : memref<100x128xf32, #tpu.memory_space<vmem>>, vector<1x16xf32>,
      %get3A_316 = vector.shape_cast %get3A_315 : vector<1x16xf32> to vector<16xf32>
      %add3A_317 = arith.addf %add3A_275, %get3A_316 : vector<16xf32>
      %get3A_318 = arith.index_cast %scan3A_297 : i32 to index
      %get3A_319 = arith.constant 64 : index
      %get3A_320 = tpu.vector_load %arg9[%get3A_318, %get3A_319] {strides = array<i32>} : memref<100x128xf32, #tpu.memory_space<vmem>>, vector<1x16xf32>,
      %get3A_321 = vector.shape_cast %get3A_320 : vector<1x16xf32> to vector<16xf32>
      %add3A_322 = arith.addf %add3A_280, %get3A_321 : vector<16xf32>
      %get3A_323 = arith.index_cast %scan3A_297 : i32 to index
      %get3A_324 = arith.constant 80 : index
      %get3A_325 = tpu.vector_load %arg9[%get3A_323, %get3A_324] {strides = array<i32>} : memref<100x128xf32, #tpu.memory_space<vmem>>, vector<1x16xf32>,
      %get3A_326 = vector.shape_cast %get3A_325 : vector<1x16xf32> to vector<16xf32>
      %add3A_327 = arith.addf %add3A_285, %get3A_326 : vector<16xf32>
      %get3A_328 = arith.index_cast %scan3A_297 : i32 to index
      %get3A_329 = arith.constant 96 : index
      %get3A_330 = tpu.vector_load %arg9[%get3A_328, %get3A_329] {strides = array<i32>} : memref<100x128xf32, #tpu.memory_space<vmem>>, vector<1x16xf32>,
      %get3A_331 = vector.shape_cast %get3A_330 : vector<1x16xf32> to vector<16xf32>
      %add3A_332 = arith.addf %add3A_290, %get3A_331 : vector<16xf32>
      %get3A_333 = arith.index_cast %scan3A_297 : i32 to index
      %get3A_334 = arith.constant 112 : index
      %get3A_335 = tpu.vector_load %arg9[%get3A_333, %get3A_334] {strides = array<i32>} : memref<100x128xf32, #tpu.memory_space<vmem>>, vector<1x16xf32>,
      %get3A_336 = vector.shape_cast %get3A_335 : vector<1x16xf32> to vector<16xf32>
      %add3A_337 = arith.addf %add3A_295, %get3A_336 : vector<16xf32>
      %scan3A_338 = arith.constant 3 : i32
      %scan3A_339 = arith.addi %scan3A_206, %scan3A_338 : i32
      %get3A_340 = arith.index_cast %scan3A_339 : i32 to index
      %get3A_341 = arith.constant 0 : index
      %get3A_342 = tpu.vector_load %arg9[%get3A_340, %get3A_341] {strides = array<i32>} : memref<100x128xf32, #tpu.memory_space<vmem>>, vector<1x16xf32>,
      %get3A_343 = vector.shape_cast %get3A_342 : vector<1x16xf32> to vector<16xf32>
      %add3A_344 = arith.addf %add3A_302, %get3A_343 : vector<16xf32>
      %get3A_345 = arith.index_cast %scan3A_339 : i32 to index
      %get3A_346 = arith.constant 16 : index
      %get3A_347 = tpu.vector_load %arg9[%get3A_345, %get3A_346] {strides = array<i32>} : memref<100x128xf32, #tpu.memory_space<vmem>>, vector<1x16xf32>,
      %get3A_348 = vector.shape_cast %get3A_347 : vector<1x16xf32> to vector<16xf32>
      %add3A_349 = arith.addf %add3A_307, %get3A_348 : vector<16xf32>
      %get3A_350 = arith.index_cast %scan3A_339 : i32 to index
      %get3A_351 = arith.constant 32 : index
      %get3A_352 = tpu.vector_load %arg9[%get3A_350, %get3A_351] {strides = array<i32>} : memref<100x128xf32, #tpu.memory_space<vmem>>, vector<1x16xf32>,
      %get3A_353 = vector.shape_cast %get3A_352 : vector<1x16xf32> to vector<16xf32>
      %add3A_354 = arith.addf %add3A_312, %get3A_353 : vector<16xf32>
      %get3A_355 = arith.index_cast %scan3A_339 : i32 to index
      %get3A_356 = arith.constant 48 : index
      %get3A_357 = tpu.vector_load %arg9[%get3A_355, %get3A_356] {strides = array<i32>} : memref<100x128xf32, #tpu.memory_space<vmem>>, vector<1x16xf32>,
      %get3A_358 = vector.shape_cast %get3A_357 : vector<1x16xf32> to vector<16xf32>
      %add3A_359 = arith.addf %add3A_317, %get3A_358 : vector<16xf32>
      %get3A_360 = arith.index_cast %scan3A_339 : i32 to index
      %get3A_361 = arith.constant 64 : index
      %get3A_362 = tpu.vector_load %arg9[%get3A_360, %get3A_361] {strides = array<i32>} : memref<100x128xf32, #tpu.memory_space<vmem>>, vector<1x16xf32>,
      %get3A_363 = vector.shape_cast %get3A_362 : vector<1x16xf32> to vector<16xf32>
      %add3A_364 = arith.addf %add3A_322, %get3A_363 : vector<16xf32>
      %get3A_365 = arith.index_cast %scan3A_339 : i32 to index
      %get3A_366 = arith.constant 80 : index
      %get3A_367 = tpu.vector_load %arg9[%get3A_365, %get3A_366] {strides = array<i32>} : memref<100x128xf32, #tpu.memory_space<vmem>>, vector<1x16xf32>,
      %get3A_368 = vector.shape_cast %get3A_367 : vector<1x16xf32> to vector<16xf32>
      %add3A_369 = arith.addf %add3A_327, %get3A_368 : vector<16xf32>
      %get3A_370 = arith.index_cast %scan3A_339 : i32 to index
      %get3A_371 = arith.constant 96 : index
      %get3A_372 = tpu.vector_load %arg9[%get3A_370, %get3A_371] {strides = array<i32>} : memref<100x128xf32, #tpu.memory_space<vmem>>, vector<1x16xf32>,
      %get3A_373 = vector.shape_cast %get3A_372 : vector<1x16xf32> to vector<16xf32>
      %add3A_374 = arith.addf %add3A_332, %get3A_373 : vector<16xf32>
      %get3A_375 = arith.index_cast %scan3A_339 : i32 to index
      %get3A_376 = arith.constant 112 : index
      %get3A_377 = tpu.vector_load %arg9[%get3A_375, %get3A_376] {strides = array<i32>} : memref<100x128xf32, #tpu.memory_space<vmem>>, vector<1x16xf32>,
      %get3A_378 = vector.shape_cast %get3A_377 : vector<1x16xf32> to vector<16xf32>
      %add3A_379 = arith.addf %add3A_337, %get3A_378 : vector<16xf32>
      scf.yield %add3A_344, %add3A_349, %add3A_354, %add3A_359, %add3A_364, %add3A_369, %add3A_374, %add3A_379 : vector<16xf32>, vector<16xf32>, vector<16xf32>, vector<16xf32>, vector<16xf32>, vector<16xf32>, vector<16xf32>, vector<16xf32>
    }
    %scan3A_155 = arith.constant 100 : i32
    %swap3A_156 = arith.constant 31 : i32
    %swap3A_157 = arith.index_cast %swap3A_156 : i32 to index
    %swap3A_158 = arith.constant 0 : index
    %swap3A_159 = tpu.vector_load %arg10[%swap3A_157, %swap3A_158] {strides = array<i32>} : memref<32x128xf32, #tpu.memory_space<vmem>>, vector<1x16xf32>,
    %swap3A_160 = vector.shape_cast %swap3A_159 : vector<1x16xf32> to vector<16xf32>
    %swap3A_161 = vector.shape_cast %scan3A_154#0 : vector<16xf32> to vector<1x16xf32>
    tpu.vector_store %arg10[%swap3A_157, %swap3A_158], %swap3A_161 {strides = array<i32>} : memref<32x128xf32, #tpu.memory_space<vmem>>, vector<1x16xf32>,
    %swap3A_162 = arith.constant 31 : i32
    %swap3A_163 = arith.index_cast %swap3A_162 : i32 to index
    %swap3A_164 = arith.constant 16 : index
    %swap3A_165 = tpu.vector_load %arg10[%swap3A_163, %swap3A_164] {strides = array<i32>} : memref<32x128xf32, #tpu.memory_space<vmem>>, vector<1x16xf32>,
    %swap3A_166 = vector.shape_cast %swap3A_165 : vector<1x16xf32> to vector<16xf32>
    %swap3A_167 = vector.shape_cast %scan3A_154#1 : vector<16xf32> to vector<1x16xf32>
    tpu.vector_store %arg10[%swap3A_163, %swap3A_164], %swap3A_167 {strides = array<i32>} : memref<32x128xf32, #tpu.memory_space<vmem>>, vector<1x16xf32>,
    %swap3A_168 = arith.constant 31 : i32
    %swap3A_169 = arith.index_cast %swap3A_168 : i32 to index
    %swap3A_170 = arith.constant 32 : index
    %swap3A_171 = tpu.vector_load %arg10[%swap3A_169, %swap3A_170] {strides = array<i32>} : memref<32x128xf32, #tpu.memory_space<vmem>>, vector<1x16xf32>,
    %swap3A_172 = vector.shape_cast %swap3A_171 : vector<1x16xf32> to vector<16xf32>
    %swap3A_173 = vector.shape_cast %scan3A_154#2 : vector<16xf32> to vector<1x16xf32>
    tpu.vector_store %arg10[%swap3A_169, %swap3A_170], %swap3A_173 {strides = array<i32>} : memref<32x128xf32, #tpu.memory_space<vmem>>, vector<1x16xf32>,
    %swap3A_174 = arith.constant 31 : i32
    %swap3A_175 = arith.index_cast %swap3A_174 : i32 to index
    %swap3A_176 = arith.constant 48 : index
    %swap3A_177 = tpu.vector_load %arg10[%swap3A_175, %swap3A_176] {strides = array<i32>} : memref<32x128xf32, #tpu.memory_space<vmem>>, vector<1x16xf32>,
    %swap3A_178 = vector.shape_cast %swap3A_177 : vector<1x16xf32> to vector<16xf32>
    %swap3A_179 = vector.shape_cast %scan3A_154#3 : vector<16xf32> to vector<1x16xf32>
    tpu.vector_store %arg10[%swap3A_175, %swap3A_176], %swap3A_179 {strides = array<i32>} : memref<32x128xf32, #tpu.memory_space<vmem>>, vector<1x16xf32>,
    %swap3A_180 = arith.constant 31 : i32
    %swap3A_181 = arith.index_cast %swap3A_180 : i32 to index
    %swap3A_182 = arith.constant 64 : index
    %swap3A_183 = tpu.vector_load %arg10[%swap3A_181, %swap3A_182] {strides = array<i32>} : memref<32x128xf32, #tpu.memory_space<vmem>>, vector<1x16xf32>,
    %swap3A_184 = vector.shape_cast %swap3A_183 : vector<1x16xf32> to vector<16xf32>
    %swap3A_185 = vector.shape_cast %scan3A_154#4 : vector<16xf32> to vector<1x16xf32>
    tpu.vector_store %arg10[%swap3A_181, %swap3A_182], %swap3A_185 {strides = array<i32>} : memref<32x128xf32, #tpu.memory_space<vmem>>, vector<1x16xf32>,
    %swap3A_186 = arith.constant 31 : i32
    %swap3A_187 = arith.index_cast %swap3A_186 : i32 to index
    %swap3A_188 = arith.constant 80 : index
    %swap3A_189 = tpu.vector_load %arg10[%swap3A_187, %swap3A_188] {strides = array<i32>} : memref<32x128xf32, #tpu.memory_space<vmem>>, vector<1x16xf32>,
    %swap3A_190 = vector.shape_cast %swap3A_189 : vector<1x16xf32> to vector<16xf32>
    %swap3A_191 = vector.shape_cast %scan3A_154#5 : vector<16xf32> to vector<1x16xf32>
    tpu.vector_store %arg10[%swap3A_187, %swap3A_188], %swap3A_191 {strides = array<i32>} : memref<32x128xf32, #tpu.memory_space<vmem>>, vector<1x16xf32>,
    %swap3A_192 = arith.constant 31 : i32
    %swap3A_193 = arith.index_cast %swap3A_192 : i32 to index
    %swap3A_194 = arith.constant 96 : index
    %swap3A_195 = tpu.vector_load %arg10[%swap3A_193, %swap3A_194] {strides = array<i32>} : memref<32x128xf32, #tpu.memory_space<vmem>>, vector<1x16xf32>,
    %swap3A_196 = vector.shape_cast %swap3A_195 : vector<1x16xf32> to vector<16xf32>
    %swap3A_197 = vector.shape_cast %scan3A_154#6 : vector<16xf32> to vector<1x16xf32>
    tpu.vector_store %arg10[%swap3A_193, %swap3A_194], %swap3A_197 {strides = array<i32>} : memref<32x128xf32, #tpu.memory_space<vmem>>, vector<1x16xf32>,
    %swap3A_198 = arith.constant 31 : i32
    %swap3A_199 = arith.index_cast %swap3A_198 : i32 to index
    %swap3A_200 = arith.constant 112 : index
    %swap3A_201 = tpu.vector_load %arg10[%swap3A_199, %swap3A_200] {strides = array<i32>} : memref<32x128xf32, #tpu.memory_space<vmem>>, vector<1x16xf32>,
    %swap3A_202 = vector.shape_cast %swap3A_201 : vector<1x16xf32> to vector<16xf32>
    %swap3A_203 = vector.shape_cast %scan3A_154#7 : vector<16xf32> to vector<1x16xf32>
    tpu.vector_store %arg10[%swap3A_199, %swap3A_200], %swap3A_203 {strides = array<i32>} : memref<32x128xf32, #tpu.memory_space<vmem>>, vector<1x16xf32>,
    %mul3A_204 = arith.constant 32 : i32
    %mul3A_205 = arith.muli %add3A, %mul3A_204 : i32
    "tpu.region"() ({
      %run_scoped3A = tpu.sem_alloc : memref<!tpu.dma_semaphore, #tpu.memory_space<semaphore_mem>>
      %dma_start3A_206 = arith.constant 0 : i32
      %dma_start3A_207 = tpu.memref_slice %arg4[%mul3A_205, %dma_start3A_206] : memref<1024x128xf32, #tpu.memory_space<hbm>> -> memref<32x128xf32, #tpu.memory_space<hbm>>
      %dma_start3A_208 = arith.constant 0 : i32
      %dma_start3A_209 = tpu.memref_slice %arg4[%mul3A_205, %dma_start3A_208] : memref<1024x128xf32, #tpu.memory_space<hbm>> -> memref<32x128xf32, #tpu.memory_space<hbm>>
      tpu.enqueue_dma source(%arg10 : memref<32x128xf32, #tpu.memory_space<vmem>>) target(%dma_start3A_209 : memref<32x128xf32, #tpu.memory_space<hbm>>) target_semaphore(%run_scoped3A : memref<!tpu.dma_semaphore, #tpu.memory_space<semaphore_mem>>)
      %dma_wait3A_210 = arith.constant 0 : i32
      %dma_wait3A_211 = tpu.memref_slice %arg4[%mul3A_205, %dma_wait3A_210] : memref<1024x128xf32, #tpu.memory_space<hbm>> -> memref<32x128xf32, #tpu.memory_space<hbm>>
      %dma_wait3A_212 = arith.constant 0 : i32
      %dma_wait3A_213 = tpu.memref_slice %arg4[%mul3A_205, %dma_wait3A_212] : memref<1024x128xf32, #tpu.memory_space<hbm>> -> memref<32x128xf32, #tpu.memory_space<hbm>>
      tpu.wait_dma2 semaphore(%run_scoped3A : memref<!tpu.dma_semaphore, #tpu.memory_space<semaphore_mem>>) src(%arg10 : memref<32x128xf32, #tpu.memory_space<vmem>>) dst(%dma_wait3A_213 : memref<32x128xf32, #tpu.memory_space<hbm>>)
      tpu.yield
    }) : () -> ()
    return
  }
}

module attributes {stable_mosaic.version = 14 : i64} {
  func.func @_fc_body(%arg0: memref<1024x128xf32, #tpu.memory_space<vmem>>, %arg1: memref<128x128xf32, #tpu.memory_space<vmem>>, %arg2: memref<1x128xf32, #tpu.memory_space<vmem>>, %arg3: memref<1024x128xf32, #tpu.memory_space<vmem>>) attributes {dimension_semantics = [], scalar_prefetch = 0 : i64, scratch_operands = 0 : i64, tpu.core_type = #tpu.core_type<tc>} {
    %get3A = arith.constant 0 : index
    %get3A_0 = arith.constant 0 : index
    %get3A_1 = vector.load %arg0[%get3A, %get3A_0] : memref<1024x128xf32, #tpu.memory_space<vmem>>, vector<1024x128xf32>
    %get3A_2 = arith.constant 0 : index
    %get3A_3 = arith.constant 0 : index
    %get3A_4 = vector.load %arg1[%get3A_2, %get3A_3] : memref<128x128xf32, #tpu.memory_space<vmem>>, vector<128x128xf32>
    %dot_general3A = arith.constant dense<0.000000e+00> : vector<1024x128xf32>
    %dot_general3A_5 = tpu.matmul %get3A_1, %get3A_4, %dot_general3A {dimension_numbers = #tpu.dot_dimension_numbers<[1], [1], [0], [0], [0, 0, 1, 0], [], []>, transpose_lhs_hint = false} : vector<1024x128xf32>, vector<128x128xf32>, vector<1024x128xf32> -> vector<1024x128xf32>
    %mul3A = arith.constant 5.000000e-03 : f32
    %mul3A_6 = vector.broadcast %mul3A : f32 to vector<1024x128xf32>
    %mul3A_7 = arith.mulf %dot_general3A_5, %mul3A_6 : vector<1024x128xf32>
    %get3A_8 = arith.constant 0 : index
    %get3A_9 = arith.constant 0 : index
    %get3A_10 = vector.load %arg2[%get3A_8, %get3A_9] : memref<1x128xf32, #tpu.memory_space<vmem>>, vector<1x128xf32>
    %add3A = vector.broadcast %get3A_10 : vector<1x128xf32> to vector<1024x128xf32>
    %add3A_11 = arith.addf %mul3A_7, %add3A : vector<1024x128xf32>
    %swap3A = arith.constant 0 : index
    %swap3A_12 = arith.constant 0 : index
    %swap3A_13 = vector.load %arg3[%swap3A, %swap3A_12] : memref<1024x128xf32, #tpu.memory_space<vmem>>, vector<1024x128xf32>
    tpu.vector_store %arg3[%swap3A, %swap3A_12], %add3A_11 {strides = array<i32>} : memref<1024x128xf32, #tpu.memory_space<vmem>>, vector<1024x128xf32>,
    return
  }
}

</mosaic_0001>

<sc_bundles>
// kernel: kernel.4.cloned.1.call-start
scs
__scs_entry_jumppad:
0x0: {  	(pc) =	sbr.rel $0x88, $3  }
0x1: {  	(tag) =	ssettag $0x0;
	lr =	simm.s32 $0x1  }
0x2: {  	[smem:$0x3F9D] =	sst lr;
	_ =	strace $0xD0000000  }
0x3: {  	_ = 	snop  }
0x4: {  	_ = 	snop  }
0x5: {  	_ = 	snop  }
0x6: {  	_ = 	snop  }
0x7: {  	_ = 	snop  }
__scs_overlays_trampoline_lowered:
0x8: {  	[smem:$0x3FAC] =	sst s0  }
0x9: {  	[smem:$0x3FAD] =	sst s1  }
0xa: {  	[smem:$0x3FAE] =	sst s2  }
0xb: {  	[smem:$0x3FAF] =	sst s3  }
0xc: {  	[smem:$0x3FB0] =	sst s4  }
0xd: {  	[smem:$0x3FB1] =	sst s5  }
0xe: {  	[smem:$0x3FB2] =	sst s6  }
0xf: {  	[smem:$0x3FB3] =	sst s7  }
0x10: {  	[smem:$0x3FB4] =	sst s8  }
0x11: {  	[smem:$0x3FB5] =	sst s9;
	s0 =	simm.s32 @!p0 $0x0  }
0x12: {  	s1 =	sld [smem:$0x3F9B];
	s0 =	simm.s32 @p0 $0x1  }
0x13: {  	[smem:$0x3FB6] =	sst s0;
	s0 =	simm.s32 @!p1 $0x0  }
0x14: {  	s2 =	sld [smem:$0x3F9A];
	s0 =	simm.s32 @p1 $0x1  }
0x15: {  	[smem:$0x3FB7] =	sst s0;
	s0 =	simm.s32 @!p2 $0x0  }
0x16: {  	s3 =	sld [smem:$0x3FDB];
	s0 =	simm.s32 @p2 $0x1  }
0x17: {  	s4 =	simm.s32 $0x1BF5;
	[smem:$0x3FB9] =	sst s0  }
0x18: {  	s0 =	sld [smem:$0x3F9C];
	_ =	swait.ge [sflag:s4], $0x0  }
0x19: {  	s7 =	sld [smem:$0x3F9D]  }
0x1a: {  	s8 =	sadd.s32 $0xFFFFE003, lr  }
0x1b: {  	s9 =	sadd.s32 $0xFFFFFEF7, lr;
	s5 =	simm.s32 $0xFFFFFFFF;
	p2 =	slt.u32 s8, $0xFFFFF086  }
0x1c: {  	p1 =	slt.u32 s9, $0xF7A;
	s5 =	simm.s32 @!p2 $0x0  }
0x1d: {  	s5 =	simm.s32 @p1 $0x1;
	p0 =	seq.s32 s7, s2  }
0x1e: {  	s7 =	smul.u32 @!p0 $0xF7A, s2;
	p2 =	seq.s32 @!p0 s5, $0x0  }
0x1f: {  	s9 =	smul.u32 $0xF7A, s1;
	s8 =	simm.s32 @!p0 $0x1BF5;
	p2 =	por !p2, p0  }
0x20: {  	[sflag:s8] =	ssyncset.s32 @!p0 $0xFFFFF086;
	s6 =	sadd.s32 @!p0 s3, s7;
	s7 =	simm.s32 @!p0 $0x108  }
0x21: {  	s3 =	sadd.s32 s3, s9;
	s6 =	sadd.s32 @!p0 $0x88, s6;
	s7 =	simm.s32 @p2 $0x1082  }
0x22: {  	[simem:s7], [sflag:s8] =	dma.local @!p0 [hbm:s6], $0xF7A  }
0x23: {  	s9 =	sor.u32 $0xD0000000, s2;
	s6 =	simm.s32 $0x108;
	_ =	swait.ge @!p0 [sflag:s8], $0x0  }
0x24: {  	s3 =	sadd.s32 $0x88, s3;
	s6 =	simm.s32 @!p1 $0x1082;
	[sflag:s4] =	ssyncset.s32 $0xFFFFF086  }
0x25: {  	[simem:s6], [sflag:s4] =	dma.local [hbm:s3], $0xF7A  }
0x26: {  	[smem:$0x3F9D] =	sst s1;
	(tag) =	ssettag s2;
	_ =	strace s9  }
0x27: {  	s1 =	sld [smem:$0x3FAD]  }
0x28: {  	s2 =	sld [smem:$0x3FAE]  }
0x29: {  	s4 =	sld [smem:$0x3FB0]  }
0x2a: {  	p0 =	seq.s32 s5, $0x0;
	s5 =	sld [smem:$0x3FB1]  }
0x2b: {  	s6 =	sld [smem:$0x3FB2]  }
0x2c: {  	s7 =	sld [smem:$0x3FB3]  }
0x2d: {  	s3 =	simm.s32 $0x108;
	s8 =	sld [smem:$0x3FB4]  }
0x2e: {  	s3 =	simm.s32 @!p0 $0x1082;
	s9 =	sld [smem:$0x3FB5]  }
0x2f: {  	lr =	sadd.s32 s0, s3;
	s0 =	sld [smem:$0x3FAC]  }
0x30: {  	s3 =	sld [smem:$0x3FAF]  }
0x31: {  	[smem:$0x3FB8] =	sst s10  }
0x32: {  	s10 =	sld [smem:$0x3FB6];
	_ =	sdelay $0x3  }
0x33: {  	p0 =	seq.s32 s10, $0x1;
	s10 =	sld [smem:$0x3FB8];
	_ =	sdelay $0x3  }
0x34: {  	[smem:$0x3FB8] =	sst s10  }
0x35: {  	s10 =	sld [smem:$0x3FB7];
	_ =	sdelay $0x3  }
0x36: {  	p1 =	seq.s32 s10, $0x1;
	s10 =	sld [smem:$0x3FB8];
	_ =	sdelay $0x3  }
0x37: {  	[smem:$0x3FB8] =	sst s10  }
0x38: {  	s10 =	sld [smem:$0x3FB9]  }
0x39: {  	_ = 	snop;
	(pc) =	sbr.ind lr, $3  }
0x3a: {  	_ = 	snop  }
0x3b: {  	_ = 	snop  }
0x3c: {  	p2 =	seq.s32 s10, $0x1;
	s10 =	sld [smem:$0x3FB8]  }
0x3d: {  	_ =	shalt  }
0x3e: {  	_ =	shalt  }
0x3f: {  	_ =	shalt  }
0x40: {  	_ =	shalt  }
0x41: {  	_ =	shalt  }
0x42: {  	_ =	shalt  }
0x43: {  	_ =	shalt  }
0x44: {  	_ =	shalt  }
0x45: {  	_ =	shalt  }
0x46: {  	_ =	shalt  }
0x47: {  	_ =	shalt  }
0x48: {  	_ =	shalt  }
0x49: {  	_ =	shalt  }
0x4a: {  	_ =	shalt  }
0x4b: {  	_ =	shalt  }
0x4c: {  	_ =	shalt  }
0x4d: {  	_ =	shalt  }
0x4e: {  	_ =	shalt  }
0x4f: {  	_ =	shalt  }
0x50: {  	_ =	shalt  }
0x51: {  	_ =	shalt  }
0x52: {  	_ =	shalt  }
0x53: {  	_ =	shalt  }
0x54: {  	_ =	shalt  }
0x55: {  	_ =	shalt  }
0x56: {  	_ =	shalt  }
0x57: {  	_ =	shalt  }
0x58: {  	_ =	shalt  }
0x59: {  	_ =	shalt  }
0x5a: {  	_ =	shalt  }
0x5b: {  	_ =	shalt  }
0x5c: {  	_ =	shalt  }
0x5d: {  	_ =	shalt  }
0x5e: {  	_ =	shalt  }
0x5f: {  	_ =	shalt  }
0x60: {  	_ =	shalt  }
0x61: {  	_ =	shalt  }
0x62: {  	_ =	shalt  }
0x63: {  	_ =	shalt  }
0x64: {  	_ =	shalt  }
0x65: {  	_ =	shalt  }
0x66: {  	_ =	shalt  }
0x67: {  	_ =	shalt  }
0x68: {  	_ =	shalt  }
0x69: {  	_ =	shalt  }
0x6a: {  	_ =	shalt  }
0x6b: {  	_ =	shalt  }
0x6c: {  	_ =	shalt  }
0x6d: {  	_ =	shalt  }
0x6e: {  	_ =	shalt  }
0x6f: {  	_ =	shalt  }
0x70: {  	_ =	shalt  }
0x71: {  	_ =	shalt  }
0x72: {  	_ =	shalt  }
0x73: {  	_ =	shalt  }
0x74: {  	_ =	shalt  }
0x75: {  	_ =	shalt  }
0x76: {  	_ =	shalt  }
0x77: {  	_ =	shalt  }
0x78: {  	_ =	shalt  }
0x79: {  	_ =	shalt  }
0x7a: {  	_ =	shalt  }
0x7b: {  	_ =	shalt  }
0x7c: {  	_ =	shalt  }
0x7d: {  	_ =	shalt  }
0x7e: {  	_ =	shalt  }
0x7f: {  	_ =	shalt  }
0x80: {  	_ =	shalt  }
0x81: {  	_ =	shalt  }
0x82: {  	_ =	shalt  }
0x83: {  	_ =	shalt  }
0x84: {  	_ =	shalt  }
0x85: {  	_ =	shalt  }
0x86: {  	_ =	shalt  }
0x87: {  	_ =	shalt  }
.Lfunc_end0:
.L_simem_size_0:
called_computation_lowered:
.L_overlay_start_0:
0x88: {  	s2 =	sld [smem:$0x3FD9]  }
0x89: {  	s3 =	sld [smem:$0x3FFE];
	_ =	sdelay $0x1  }
0x8a: {  	s1 =	srdreg.scid  }
0x8b: {  	s0 =	sand.u32 $0x1, s1  }
0x8c: {  	s17 =	sshll.u32 s0, $0xA;
	s2 =	sadd.s32 s3, s2  }
0x8d: {  	s2 =	sadd.s32 s2, s17  }
0x8e: {  	[smem:$0x3FC4] =	sst s2  }
0x8f: {  	_ = 	snop  }
0x90: {  	s2 =	sld [smem:$0x3FC8]  }
0x91: {  	s18 =	sld [smem:$0x3FD0];
	(tm) =	ssettm $0x1  }
0x92: {  	s4 =	sld [smem:$0x3FFB];
	_ =	sdelay $0x3  }
0x93: {  	_ =	strace s4  }
0x94: {  	s4 =	sld [smem:$0x3FFC];
	_ =	sdelay $0x3  }
0x95: {  	_ =	strace s4  }
0x96: {  	s4 =	sld [smem:$0x3FFD];
	_ =	sdelay $0x3  }
0x97: {  	_ =	strace s4  }
0x98: {  	_ =	strace $0x8FFFFFFF  }
0x99: {  	s19 =	sld [smem:$0x3FDB];
	_ =	sdelay $0x1  }
0x9a: {  	s5 =	simm.s32 $_scs_section_size  }
0x9b: {  	s6 =	simm.s32 $_size__tile_overlayer_lowered;
	s7 =	simm.s32 $_tile_overlayer_lowered  }
0x9c: {  	s22 =	simm.s32 $0x1BFF;
	s21 =	sshll.u32 s7, $0x1;
	s4 =	sadd.s32 s5, s19  }
0x9d: {  	s8 =	simm.s32 $0x0;
	s20 =	sshll.u32 s6, $0x1;
	s6 =	sadd.s32 s21, s4  }
0x9e: {  	[timem:s8], [sflag:s22] =	dma.local [hbm:s6], s20  }
0x9f: {  	_ =	swait.ge [sflag:s22], s20  }
0xa0: {  	s5 =	ssub.s32 $0x0, s20;
	[sflag:s22] =	ssyncset.done $0x0  }
0xa1: {  	[sflag:s22] =	ssyncadd.s32 s5;
	_ =	sdelay $0x1  }
0xa2: {  	s23 =	simm.s32 $0x1B8B  }
0xa3: {  	_ =	swait.ge [sflag:s23], $0x1  }
0xa4: {  	[sflag:s23] =	ssyncset.done $0x0  }
0xa5: {  	s25 =	simm.s32 $0x1B8E;
	s24 =	sld [smem:$0x3FFE];
	[sflag:s23] =	ssyncadd.s32 $0xFFFFFFFF  }
0xa6: {  	s26 =	simm.s32 $execute0_lowered;
	[smem:$0x3FD2] =	sst s25  }
0xa7: {  	s6 =	sshll.u32 s26, $0x1;
	_ =	strace $0x80000046;
	[dreg:$0x1] =	wrdreg $0xFFFFFFFF  }
0xa8: {  	s28 =	simm.s32 $_size_execute0_lowered;
	s4 =	sadd.s32 s4, s6;
	[dreg:$0x0] =	wrdreg $0x0  }
0xa9: {  	s6 =	sshll.u32 s28, $0x1;
	[dreg:$0x2] =	wrdreg s4  }
0xaa: {  	[dreg:$0x3] =	wrdreg s6  }
0xab: {  	[dreg:$0x4] =	wrdreg $0xC0  }
0xac: {  	_ =	task [dreg:s8], $0x5FFFF  }
0xad: {  	[dreg:$0x1] =	wrdreg $0xFFFFFFFF  }
0xae: {  	[dreg:$0x0] =	wrdreg $0x60  }
0xaf: {  	[dreg:$0x2] =	wrdreg s24  }
0xb0: {  	[dreg:$0x3] =	wrdreg s2  }
0xb1: {  	[dreg:$0x4] =	wrdreg s18  }
0xb2: {  	[dreg:$0x5] =	wrdreg $0x9  }
0xb3: {  	_ =	task.clear_ibuf [dreg:s8], $0x6FFFF;
	_ =	strace $0x90000046  }
0xb4: {  	s29 =	simm.s32 $0x9;
	_ =	strace $0x80000048  }
0xb5: {  	_ =	swait.ge [sflag:s29], $0x1  }
0xb6: {  	[sflag:s29] =	ssyncadd.s32 $0xFFFFFFFF  }
0xb7: {  	_ =	strace $0x90000048  }
0xb8: {  	_ =	sfence  }
0xb9: {  	s30 =	sld [smem:$0x0];
	_ =	sdelay $0x2  }
0xba: {  	s31 =	sshll.u32 s1, $0xD;
	s1 =	sshrl.u32 s1, $0x2  }
0xbb: {  	s3 =	sand.u32 $0x4000, s31;
	s1 =	sadd.s32 s1, s30  }
0xbc: {  	s0 =	sor.u32 s3, s0;
	s1 =	sshll.u32 s1, $0x11  }
0xbd: {  	s0 =	sor.u32 s1, s0  }
0xbe: {  	s0 =	sadd.s32 $0x8F2B, s0  }
0xbf: {  	[sflag:s0] =	ssyncadd.remote.s32 $0x1  }
0xc0: {  	_ =	sfence.sel $0xFFFF  }
0xc1: {  	[dreg:$0x0] =	wrdreg $0xFFFFFFFF;
	(pc) =	sbr.abs _section_cstart, $3  }
0xc2: {  	[dreg:$0x1] =	wrdreg $0xFFFFFFFF  }
0xc3: {  	_ =	task.clear_ibuf [dreg:s8], $0x2FFFF;
	_ =	strace $0x9FFFFFFF  }
0xc4: {  	(tm) =	ssettm $0x7FFFFFFF  }
0xc5: {  	_ =	shalt  }
tec
execute0_lowered:
.L_overlay_start_1:
0x0: {  	(tag) =	ssettag $0x1  }
0x1: {  	s4 =	rddreg [dreg:$0x0]  }
0x2: {  	s2 =	rddreg [dreg:$0x1]  }
0x3: {  	s5 =	rddreg [dreg:$0x2];
	s3 =	srdreg.scid  }
0x4: {  	s0 =	rddreg [dreg:$0x3];
	s1 =	stileid.u32;
	s10 =	simm.s32 $0x80  }
0x5: {  	s11 =	simm.s32 $0x5400;
	s12 =	simm.s32 $0x100;
	s13 =	simm.s32 $0x8800  }
0x6: {  	s14 =	simm.s32 $0xBC00;
	s15 =	simm.s32 $0x1;
	s16 =	simm.s32 $0x2  }
0x7: {  	s17 =	simm.s32 $0x3;
	s18 =	simm.s32 $0x4;
	s19 =	simm.s32 $0x1F80  }
0x8: {  	s20 =	simm.s32 $0xF000;
	s21 =	simm.s32 $0x0;
	s6 =	sand.u32 $0x1, s3  }
0x9: {  	s3 =	simm.s32 $0x0;
	s7 =	sshll.u32 s1, $0x6;
	s8 =	sshll.u32 s6, $0x5  }
0xa: {  	[smem:$0x7FF] =	sst s3;
	s6 =	ssub.s32 $0x2, s6;
	s7 =	sor.u32 s8, s7  }
0xb: {  	_ =	strace $0x80000047;
	s9 =	sshrl.u32 s6, $0x1;
	s8 =	sshll.u32 s7, $0x5  }
0xc: {  	s6 =	ssub.s32 s6, s9;
	s7 =	sshll.u32 s7, $0x4;
	s9 =	simm.s32 $0x2000  }
0xd: {  	s4 =	sadd.s32 s8, s4;
	s5 =	sadd.s32 s5, s7;
	s6 =	smax.u32 s6, $0x1  }
0xe: {  	s7 =	simm.s32 $0x5;
	s8 =	simm.s32 $0x64;
	s4 =	sadd.s32 $0xA00, s4  }
.LBB2_1:
0xf: {  	[tilespmem:s3], [sflag:$0x5] =	stream.linear.gather [hbm4b:s4+s3], $0x2000, $0x38;
	[tilespmem:$0x10000] =	vst v63  }
0x10: {  	_ =	swait.ge [sflag:s7], $0x2000  }
0x11: {  	[sflag:s7] =	ssyncset.done $0x0  }
0x12: {  	[sflag:s7] =	ssyncadd.s32 $0xFFFFE000  }
0x13: {  	[tilespmem:s9], [sflag:$0x1] =	stream.indirect.gather [hbm4b:s2+s8], $0x80, s3, s8, $0xb8;
	[tilespmem:$0x10000] =	vst v63  }
0x14: {  	_ = 	snop  }
0x15: {  	[tilespmem:s11], [sflag:$0x2] =	stream.indirect.gather [hbm4b:s2+s8], $0x80, s10, s8, $0xb8;
	[tilespmem:$0x10000] =	vst v63  }
0x16: {  	s22 =	simm.s32 $0x0  }
0x17: {  	[tilespmem:s13], [sflag:$0x3] =	stream.indirect.gather [hbm4b:s2+s8], $0x80, s12, s8, $0xb8;
	[tilespmem:$0x10000] =	vst v63  }
.LBB2_2:
0x18: {  	s23 =	sshll.u32 s22, $0x9  }
0x19: {  	s23 =	sand.u32 $0x3FFFFE00, s23  }
0x1a: {  	s24 =	sor.u32 $0x180, s23  }
0x1b: {  	[tilespmem:s14], [sflag:$0x4] =	stream.indirect.gather [hbm4b:s2+s8], $0x80, s24, s8, $0xb8;
	[tilespmem:$0x10000] =	vst v63  }
0x1c: {  	_ =	swait.ge [sflag:s15], $0x3200  }
0x1d: {  	[sflag:s15] =	ssyncset.done $0x0  }
0x1e: {  	s25 =	simm.s32 $0x2100;
	[sflag:s15] =	ssyncadd.s32 $0xFFFFCE00  }
0x1f: {  	v2 =	vld [tilespmem:s25+$0x80]  }
0x20: {  	v3 =	vld [tilespmem:s25+$0x90]  }
0x21: {  	v6 =	vld [tilespmem:s25+$0xA0]  }
0x22: {  	v7 =	vld [tilespmem:s25+$0xB0]  }
0x23: {  	v0 =	vld [tilespmem:s25+$0xC0]  }
0x24: {  	v1 =	vld [tilespmem:s25+$0xD0]  }
0x25: {  	v8 =	vld [tilespmem:s25+$0x0]  }
0x26: {  	v9 =	vld [tilespmem:s25+$0x10]  }
0x27: {  	v10 =	vld [tilespmem:s25+$0x20]  }
0x28: {  	v11 =	vld [tilespmem:s25+$0x30]  }
0x29: {  	v4 =	vld [tilespmem:s25+$0x40]  }
0x2a: {  	v5 =	vld [tilespmem:s25+$0x50]  }
0x2b: {  	v12 =	vld [tilespmem:s25+$0xFFFFFF80]  }
0x2c: {  	v13 =	vld [tilespmem:s25+$0xFFFFFF90]  }
0x2d: {  	v14 =	vld [tilespmem:s25+$0xFFFFFF00]  }
0x2e: {  	v15 =	vld [tilespmem:s25+$0xFFFFFF10]  }
0x2f: {  	v16 =	vld [tilespmem:s25+$0xFFFFFF20]  }
0x30: {  	v17 =	vld [tilespmem:s25+$0xFFFFFF30]  }
0x31: {  	v18 =	vld [tilespmem:s25+$0xFFFFFFA0]  }
0x32: {  	v19 =	vld [tilespmem:s25+$0xFFFFFFB0]  }
0x33: {  	v20 =	vimm.f32 $0.0e+00;
	v21 =	vld [tilespmem:s25+$0xFFFFFFC0]  }
0x34: {  	v22 =	vld [tilespmem:s25+$0xFFFFFFD0];
	v14 =	vadd.f32 v14, v20;
	v15 =	vadd.f32 v15, v20  }
0x35: {  	v23 =	vld [tilespmem:s25+$0xFFFFFF40];
	v16 =	vadd.f32 v16, v20;
	v17 =	vadd.f32 v17, v20  }
0x36: {  	v24 =	vld [tilespmem:s25+$0xFFFFFF50];
	v12 =	vadd.f32 v12, v14;
	v13 =	vadd.f32 v13, v15  }
0x37: {  	v14 =	vld [tilespmem:s25+$0xFFFFFF60];
	v15 =	vadd.f32 v18, v16;
	v16 =	vadd.f32 v19, v17  }
0x38: {  	v17 =	vld [tilespmem:s25+$0xFFFFFF70];
	v8 =	vadd.f32 v8, v12;
	v9 =	vadd.f32 v9, v13  }
0x39: {  	v12 =	vld [tilespmem:s25+$0xFFFFFFE0];
	v10 =	vadd.f32 v10, v15;
	v11 =	vadd.f32 v11, v16  }
0x3a: {  	v15 =	vld [tilespmem:s25+$0xFFFFFFF0];
	v8 =	vadd.f32 v2, v8;
	v9 =	vadd.f32 v3, v9  }
0x3b: {  	v13 =	vld [tilespmem:s25+$0x60];
	v10 =	vadd.f32 v6, v10;
	v11 =	vadd.f32 v7, v11  }
0x3c: {  	v16 =	vld [tilespmem:s25+$0x70];
	v2 =	vadd.f32 v23, v20;
	v3 =	vadd.f32 v24, v20  }
0x3d: {  	v18 =	vadd.f32 v14, v20;
	v19 =	vadd.f32 v17, v20;
	v14 =	vld [tilespmem:s25+$0xE0]  }
0x3e: {  	s24 =	simm.s32 $0x0;
	v17 =	vld [tilespmem:s25+$0xF0];
	s25 =	simm.s32 $0x2300;
	v20 =	vadd.f32 v21, v2;
	v21 =	vadd.f32 v22, v3  }
.LBB2_3:
0x3f: {  	v2 =	vld [tilespmem:s25+$0x80];
	v3 =	vadd.f32 v12, v18;
	v6 =	vadd.f32 v15, v19  }
0x40: {  	v7 =	vld [tilespmem:s25+$0x90];
	v4 =	vadd.f32 v4, v20;
	v5 =	vadd.f32 v5, v21  }
0x41: {  	v18 =	vld [tilespmem:s25+$0xA0];
	v3 =	vadd.f32 v13, v3;
	v6 =	vadd.f32 v16, v6  }
0x42: {  	v16 =	vld [tilespmem:s25+$0xB0];
	v19 =	vadd.f32 v0, v4;
	v20 =	vadd.f32 v1, v5  }
0x43: {  	v0 =	vld [tilespmem:s25+$0xC0];
	v3 =	vadd.f32 v14, v3;
	v6 =	vadd.f32 v17, v6  }
0x44: {  	v1 =	vld [tilespmem:s25+$0xD0]  }
0x45: {  	v12 =	vld [tilespmem:s25+$0x0]  }
0x46: {  	v13 =	vld [tilespmem:s25+$0x10]  }
0x47: {  	v14 =	vld [tilespmem:s25+$0x20]  }
0x48: {  	v15 =	vld [tilespmem:s25+$0x30]  }
0x49: {  	v4 =	vld [tilespmem:s25+$0x40]  }
0x4a: {  	v5 =	vld [tilespmem:s25+$0x50]  }
0x4b: {  	v17 =	vld [tilespmem:s25+$0xFFFFFF80]  }
0x4c: {  	v21 =	vld [tilespmem:s25+$0xFFFFFF90]  }
0x4d: {  	v22 =	vld [tilespmem:s25+$0xFFFFFF00]  }
0x4e: {  	v23 =	vld [tilespmem:s25+$0xFFFFFF10]  }
0x4f: {  	v24 =	vld [tilespmem:s25+$0xFFFFFF20]  }
0x50: {  	v25 =	vld [tilespmem:s25+$0xFFFFFF30]  }
0x51: {  	v26 =	vld [tilespmem:s25+$0xFFFFFFA0]  }
0x52: {  	v27 =	vld [tilespmem:s25+$0xFFFFFFB0]  }
0x53: {  	v28 =	vld [tilespmem:s25+$0xFFFFFFC0]  }
0x54: {  	v8 =	vadd.f32 v22, v8;
	v9 =	vadd.f32 v23, v9;
	v22 =	vld [tilespmem:s25+$0xFFFFFFD0]  }
0x55: {  	v10 =	vadd.f32 v24, v10;
	v11 =	vadd.f32 v25, v11;
	v23 =	vld [tilespmem:s25+$0xFFFFFF40]  }
0x56: {  	v8 =	vadd.f32 v17, v8;
	v9 =	vadd.f32 v21, v9;
	v24 =	vld [tilespmem:s25+$0xFFFFFF50]  }
0x57: {  	v10 =	vadd.f32 v26, v10;
	v17 =	vld [tilespmem:s25+$0xFFFFFF60];
	v11 =	vadd.f32 v27, v11  }
0x58: {  	s24 =	sadd.s32 $0x4, s24;
	v8 =	vadd.f32 v12, v8;
	v9 =	vadd.f32 v13, v9;
	v21 =	vld [tilespmem:s25+$0xFFFFFF70]  }
0x59: {  	p0 =	slt.u32 s24, $0x60;
	v10 =	vadd.f32 v14, v10;
	v12 =	vld [tilespmem:s25+$0xFFFFFFE0];
	v11 =	vadd.f32 v15, v11  }
.Ltmp0:
0x5a: {  	v8 =	vadd.f32 v2, v8;
	v9 =	vadd.f32 v7, v9;
	v15 =	vld [tilespmem:s25+$0xFFFFFFF0];
	(pc) =	sbr.rel @p0 .LBB2_3-.Ltmp0, $4  }
0x5b: {  	v10 =	vadd.f32 v18, v10;
	v13 =	vld [tilespmem:s25+$0x60];
	v11 =	vadd.f32 v16, v11  }
0x5c: {  	v2 =	vadd.f32 v23, v19;
	v7 =	vadd.f32 v24, v20;
	v16 =	vld [tilespmem:s25+$0x70]  }
0x5d: {  	v18 =	vadd.f32 v17, v3;
	v19 =	vadd.f32 v21, v6;
	v14 =	vld [tilespmem:s25+$0xE0]  }
0x5e: {  	v20 =	vadd.f32 v28, v2;
	v21 =	vadd.f32 v22, v7;
	v17 =	vld [tilespmem:s25+$0xF0];
	s25 =	sadd.s32 $0x200, s25  }
0x5f: {  	s24 =	sadd.s32 $0x200, s23  }
0x60: {  	[tilespmem:s9], [sflag:$0x1] =	stream.indirect.gather [hbm4b:s2+s8], $0x80, s24, s8, $0xb8;
	[tilespmem:$0x10000] =	vst v63  }
0x61: {  	_ =	swait.ge [sflag:s16], $0x3200  }
0x62: {  	[sflag:s16] =	ssyncset.done $0x0  }
0x63: {  	s25 =	simm.s32 $0x5500;
	[sflag:s16] =	ssyncadd.s32 $0xFFFFCE00  }
0x64: {  	v22 =	vld [tilespmem:s25+$0x80]  }
0x65: {  	v23 =	vld [tilespmem:s25+$0x90]  }
0x66: {  	v24 =	vld [tilespmem:s25+$0xA0]  }
0x67: {  	v25 =	vld [tilespmem:s25+$0xB0]  }
0x68: {  	v2 =	vld [tilespmem:s25+$0xC0]  }
0x69: {  	v3 =	vld [tilespmem:s25+$0xD0]  }
0x6a: {  	v26 =	vld [tilespmem:s25+$0x0]  }
0x6b: {  	v27 =	vld [tilespmem:s25+$0x10]  }
0x6c: {  	v28 =	vld [tilespmem:s25+$0x20]  }
0x6d: {  	v29 =	vld [tilespmem:s25+$0x30]  }
0x6e: {  	v7 =	vld [tilespmem:s25+$0x40]  }
0x6f: {  	v6 =	vld [tilespmem:s25+$0x50]  }
0x70: {  	v30 =	vld [tilespmem:s25+$0xFFFFFF80]  }
0x71: {  	v31 =	vld [tilespmem:s25+$0xFFFFFF90]  }
0x72: {  	v12 =	vadd.f32 v12, v18;
	v32 =	vld [tilespmem:s25+$0xFFFFFF00]  }
0x73: {  	v33 =	vld [tilespmem:s25+$0xFFFFFF10]  }
0x74: {  	v15 =	vadd.f32 v15, v19;
	v12 =	vadd.f32 v13, v12;
	v18 =	vld [tilespmem:s25+$0xFFFFFF20]  }
0x75: {  	v4 =	vadd.f32 v4, v20;
	v5 =	vadd.f32 v5, v21;
	v19 =	vld [tilespmem:s25+$0xFFFFFF30]  }
0x76: {  	v13 =	vadd.f32 v16, v15;
	v14 =	vadd.f32 v14, v12;
	v12 =	vld [tilespmem:s25+$0xFFFFFF50]  }
0x77: {  	v16 =	vadd.f32 v0, v4;
	v15 =	vld [tilespmem:s25+$0xFFFFFFA0]  }
0x78: {  	v62 =	vadd.f32 v1, v5;
	v13 =	vadd.f32 v17, v13;
	v0 =	vld [tilespmem:s25+$0xFFFFFFB0]  }
0x79: {  	v17 =	vld [tilespmem:s25+$0xFFFFFFC0];
	v1 =	vadd.f32 v32, v8;
	v4 =	vadd.f32 v33, v9  }
0x7a: {  	v5 =	vadd.f32 v18, v10;
	v8 =	vadd.f32 v19, v11;
	v11 =	vld [tilespmem:s25+$0xFFFFFF40]  }
0x7b: {  	v63 =	vld [tilespmem:s25+$0xFFFFFFD0];
	v20 =	vadd.f32 v12, v62;
	v1 =	vadd.f32 v30, v1  }
0x7c: {  	v18 =	vld [tilespmem:s25+$0xFFFFFF60];
	v4 =	vadd.f32 v31, v4;
	v5 =	vadd.f32 v15, v5  }
0x7d: {  	v19 =	vld [tilespmem:s25+$0xFFFFFF70];
	v0 =	vadd.f32 v0, v8;
	v1 =	vadd.f32 v26, v1  }
0x7e: {  	v10 =	vld [tilespmem:s25+$0xFFFFFFF0];
	v4 =	vadd.f32 v27, v4;
	v15 =	vadd.f32 v28, v5  }
0x7f: {  	v8 =	vld [tilespmem:s25+$0xFFFFFFE0];
	v0 =	vadd.f32 v29, v0;
	v16 =	vadd.f32 v11, v16  }
0x80: {  	v9 =	vld [tilespmem:s25+$0x60];
	v5 =	vadd.f32 v22, v1;
	v4 =	vadd.f32 v23, v4  }
0x81: {  	v12 =	vld [tilespmem:s25+$0x70];
	v1 =	vadd.f32 v24, v15;
	v0 =	vadd.f32 v25, v0  }
0x82: {  	v11 =	vld [tilespmem:s25+$0xE0];
	v15 =	vadd.f32 v18, v14;
	v14 =	vadd.f32 v19, v13  }
0x83: {  	s24 =	simm.s32 $0x0;
	v13 =	vld [tilespmem:s25+$0xF0];
	s25 =	simm.s32 $0x5700;
	v17 =	vadd.f32 v17, v16;
	v16 =	vadd.f32 v63, v20  }
.LBB2_5:
0x84: {  	v18 =	vld [tilespmem:s25+$0x80];
	v8 =	vadd.f32 v8, v15;
	v10 =	vadd.f32 v10, v14  }
0x85: {  	v14 =	vld [tilespmem:s25+$0x90];
	v7 =	vadd.f32 v7, v17;
	v6 =	vadd.f32 v6, v16  }
0x86: {  	v15 =	vld [tilespmem:s25+$0xA0];
	v8 =	vadd.f32 v9, v8;
	v9 =	vadd.f32 v12, v10  }
0x87: {  	v12 =	vld [tilespmem:s25+$0xB0];
	v16 =	vadd.f32 v2, v7;
	v17 =	vadd.f32 v3, v6  }
0x88: {  	v2 =	vld [tilespmem:s25+$0xC0];
	v11 =	vadd.f32 v11, v8;
	v13 =	vadd.f32 v13, v9  }
0x89: {  	v3 =	vld [tilespmem:s25+$0xD0]  }
0x8a: {  	v8 =	vld [tilespmem:s25+$0x0]  }
0x8b: {  	v9 =	vld [tilespmem:s25+$0x10]  }
0x8c: {  	v10 =	vld [tilespmem:s25+$0x20]  }
0x8d: {  	v19 =	vld [tilespmem:s25+$0x30]  }
0x8e: {  	v7 =	vld [tilespmem:s25+$0x40]  }
0x8f: {  	v6 =	vld [tilespmem:s25+$0x50]  }
0x90: {  	v20 =	vld [tilespmem:s25+$0xFFFFFF80]  }
0x91: {  	v21 =	vld [tilespmem:s25+$0xFFFFFF90]  }
0x92: {  	v22 =	vld [tilespmem:s25+$0xFFFFFF00]  }
0x93: {  	v23 =	vld [tilespmem:s25+$0xFFFFFF10]  }
0x94: {  	v24 =	vld [tilespmem:s25+$0xFFFFFF20]  }
0x95: {  	v25 =	vld [tilespmem:s25+$0xFFFFFF30]  }
0x96: {  	v26 =	vld [tilespmem:s25+$0xFFFFFFA0]  }
0x97: {  	v27 =	vld [tilespmem:s25+$0xFFFFFFB0]  }
0x98: {  	v28 =	vld [tilespmem:s25+$0xFFFFFFC0]  }
0x99: {  	v5 =	vadd.f32 v22, v5;
	v4 =	vadd.f32 v23, v4;
	v22 =	vld [tilespmem:s25+$0xFFFFFFD0]  }
0x9a: {  	v1 =	vadd.f32 v24, v1;
	v0 =	vadd.f32 v25, v0;
	v23 =	vld [tilespmem:s25+$0xFFFFFF40]  }
0x9b: {  	v5 =	vadd.f32 v20, v5;
	v4 =	vadd.f32 v21, v4;
	v24 =	vld [tilespmem:s25+$0xFFFFFF50]  }
0x9c: {  	v1 =	vadd.f32 v26, v1;
	v20 =	vld [tilespmem:s25+$0xFFFFFF60];
	v0 =	vadd.f32 v27, v0  }
0x9d: {  	s24 =	sadd.s32 $0x4, s24;
	v5 =	vadd.f32 v8, v5;
	v4 =	vadd.f32 v9, v4;
	v21 =	vld [tilespmem:s25+$0xFFFFFF70]  }
0x9e: {  	p0 =	slt.u32 s24, $0x60;
	v1 =	vadd.f32 v10, v1;
	v8 =	vld [tilespmem:s25+$0xFFFFFFE0];
	v0 =	vadd.f32 v19, v0  }
.Ltmp1:
0x9f: {  	v5 =	vadd.f32 v18, v5;
	v4 =	vadd.f32 v14, v4;
	v10 =	vld [tilespmem:s25+$0xFFFFFFF0];
	(pc) =	sbr.rel @p0 .LBB2_5-.Ltmp1, $4  }
0xa0: {  	v1 =	vadd.f32 v15, v1;
	v9 =	vld [tilespmem:s25+$0x60];
	v0 =	vadd.f32 v12, v0  }
0xa1: {  	v16 =	vadd.f32 v23, v16;
	v18 =	vadd.f32 v24, v17;
	v12 =	vld [tilespmem:s25+$0x70]  }
0xa2: {  	v15 =	vadd.f32 v20, v11;
	v14 =	vadd.f32 v21, v13;
	v11 =	vld [tilespmem:s25+$0xE0]  }
0xa3: {  	v17 =	vadd.f32 v28, v16;
	v16 =	vadd.f32 v22, v18;
	v13 =	vld [tilespmem:s25+$0xF0];
	s25 =	sadd.s32 $0x200, s25  }
0xa4: {  	s24 =	sshll.u32 s22, $0x8  }
0xa5: {  	s24 =	sand.u32 $0x3FFFFF00, s24  }
0xa6: {  	v8 =	vadd.f32 v8, v15;
	v7 =	vadd.f32 v7, v17;
	[tilespmem:s24+$0xF000] =	vst v5  }
0xa7: {  	v6 =	vadd.f32 v6, v16;
	v5 =	vadd.f32 v10, v14;
	[tilespmem:s24+$0xF010] =	vst v4  }
0xa8: {  	v4 =	vadd.f32 v9, v8;
	[tilespmem:s24+$0xF020] =	vst v1;
	v2 =	vadd.f32 v2, v7  }
0xa9: {  	[tilespmem:s24+$0xF030] =	vst v0;
	v3 =	vadd.f32 v3, v6;
	v1 =	vadd.f32 v12, v5  }
0xaa: {  	v0 =	vadd.f32 v11, v4;
	[tilespmem:s24+$0xF040] =	vst v2  }
0xab: {  	[tilespmem:s24+$0xF050] =	vst v3;
	v1 =	vadd.f32 v13, v1  }
0xac: {  	[tilespmem:s24+$0xF060] =	vst v0  }
0xad: {  	s25 =	sadd.s32 $0x280, s23;
	[tilespmem:s24+$0xF070] =	vst v1  }
0xae: {  	[tilespmem:s11], [sflag:$0x2] =	stream.indirect.gather [hbm4b:s2+s8], $0x80, s25, s8, $0xb8;
	[tilespmem:$0x10000] =	vst v63  }
0xaf: {  	_ =	swait.ge [sflag:s17], $0x3200  }
0xb0: {  	[sflag:s17] =	ssyncset.done $0x0  }
0xb1: {  	s26 =	simm.s32 $0x8900;
	[sflag:s17] =	ssyncadd.s32 $0xFFFFCE00  }
0xb2: {  	v2 =	vld [tilespmem:s26+$0x80]  }
0xb3: {  	v3 =	vld [tilespmem:s26+$0x90]  }
0xb4: {  	v6 =	vld [tilespmem:s26+$0xA0]  }
0xb5: {  	v7 =	vld [tilespmem:s26+$0xB0]  }
0xb6: {  	v0 =	vld [tilespmem:s26+$0xC0]  }
0xb7: {  	v1 =	vld [tilespmem:s26+$0xD0]  }
0xb8: {  	v8 =	vld [tilespmem:s26+$0x0]  }
0xb9: {  	v9 =	vld [tilespmem:s26+$0x10]  }
0xba: {  	v10 =	vld [tilespmem:s26+$0x20]  }
0xbb: {  	v11 =	vld [tilespmem:s26+$0x30]  }
0xbc: {  	v4 =	vld [tilespmem:s26+$0x40]  }
0xbd: {  	v5 =	vld [tilespmem:s26+$0x50]  }
0xbe: {  	v12 =	vld [tilespmem:s26+$0xFFFFFF80]  }
0xbf: {  	v13 =	vld [tilespmem:s26+$0xFFFFFF90]  }
0xc0: {  	v14 =	vld [tilespmem:s26+$0xFFFFFF00]  }
0xc1: {  	v15 =	vld [tilespmem:s26+$0xFFFFFF10]  }
0xc2: {  	v16 =	vld [tilespmem:s26+$0xFFFFFF20]  }
0xc3: {  	v17 =	vld [tilespmem:s26+$0xFFFFFF30]  }
0xc4: {  	v18 =	vld [tilespmem:s26+$0xFFFFFFA0]  }
0xc5: {  	v19 =	vld [tilespmem:s26+$0xFFFFFFB0]  }
0xc6: {  	v20 =	vimm.f32 $0.0e+00;
	v21 =	vld [tilespmem:s26+$0xFFFFFFC0]  }
0xc7: {  	v22 =	vld [tilespmem:s26+$0xFFFFFFD0];
	v14 =	vadd.f32 v14, v20;
	v15 =	vadd.f32 v15, v20  }
0xc8: {  	v23 =	vld [tilespmem:s26+$0xFFFFFF40];
	v16 =	vadd.f32 v16, v20;
	v17 =	vadd.f32 v17, v20  }
0xc9: {  	v24 =	vld [tilespmem:s26+$0xFFFFFF50];
	v12 =	vadd.f32 v12, v14;
	v13 =	vadd.f32 v13, v15  }
0xca: {  	v14 =	vld [tilespmem:s26+$0xFFFFFF60];
	v15 =	vadd.f32 v18, v16;
	v16 =	vadd.f32 v19, v17  }
0xcb: {  	v17 =	vld [tilespmem:s26+$0xFFFFFF70];
	v8 =	vadd.f32 v8, v12;
	v9 =	vadd.f32 v9, v13  }
0xcc: {  	v12 =	vld [tilespmem:s26+$0xFFFFFFE0];
	v10 =	vadd.f32 v10, v15;
	v11 =	vadd.f32 v11, v16  }
0xcd: {  	v15 =	vld [tilespmem:s26+$0xFFFFFFF0];
	v8 =	vadd.f32 v2, v8;
	v9 =	vadd.f32 v3, v9  }
0xce: {  	v13 =	vld [tilespmem:s26+$0x60];
	v10 =	vadd.f32 v6, v10;
	v11 =	vadd.f32 v7, v11  }
0xcf: {  	v16 =	vld [tilespmem:s26+$0x70];
	v2 =	vadd.f32 v23, v20;
	v3 =	vadd.f32 v24, v20  }
0xd0: {  	v18 =	vadd.f32 v14, v20;
	v19 =	vadd.f32 v17, v20;
	v14 =	vld [tilespmem:s26+$0xE0]  }
0xd1: {  	s25 =	simm.s32 $0x0;
	v17 =	vld [tilespmem:s26+$0xF0];
	s26 =	simm.s32 $0x8B00;
	v20 =	vadd.f32 v21, v2;
	v21 =	vadd.f32 v22, v3  }
.LBB2_7:
0xd2: {  	v2 =	vld [tilespmem:s26+$0x80];
	v3 =	vadd.f32 v12, v18;
	v6 =	vadd.f32 v15, v19  }
0xd3: {  	v7 =	vld [tilespmem:s26+$0x90];
	v4 =	vadd.f32 v4, v20;
	v5 =	vadd.f32 v5, v21  }
0xd4: {  	v18 =	vld [tilespmem:s26+$0xA0];
	v3 =	vadd.f32 v13, v3;
	v6 =	vadd.f32 v16, v6  }
0xd5: {  	v16 =	vld [tilespmem:s26+$0xB0];
	v19 =	vadd.f32 v0, v4;
	v20 =	vadd.f32 v1, v5  }
0xd6: {  	v0 =	vld [tilespmem:s26+$0xC0];
	v3 =	vadd.f32 v14, v3;
	v6 =	vadd.f32 v17, v6  }
0xd7: {  	v1 =	vld [tilespmem:s26+$0xD0]  }
0xd8: {  	v12 =	vld [tilespmem:s26+$0x0]  }
0xd9: {  	v13 =	vld [tilespmem:s26+$0x10]  }
0xda: {  	v14 =	vld [tilespmem:s26+$0x20]  }
0xdb: {  	v15 =	vld [tilespmem:s26+$0x30]  }
0xdc: {  	v4 =	vld [tilespmem:s26+$0x40]  }
0xdd: {  	v5 =	vld [tilespmem:s26+$0x50]  }
0xde: {  	v17 =	vld [tilespmem:s26+$0xFFFFFF80]  }
0xdf: {  	v21 =	vld [tilespmem:s26+$0xFFFFFF90]  }
0xe0: {  	v22 =	vld [tilespmem:s26+$0xFFFFFF00]  }
0xe1: {  	v23 =	vld [tilespmem:s26+$0xFFFFFF10]  }
0xe2: {  	v24 =	vld [tilespmem:s26+$0xFFFFFF20]  }
0xe3: {  	v25 =	vld [tilespmem:s26+$0xFFFFFF30]  }
0xe4: {  	v26 =	vld [tilespmem:s26+$0xFFFFFFA0]  }
0xe5: {  	v27 =	vld [tilespmem:s26+$0xFFFFFFB0]  }
0xe6: {  	v28 =	vld [tilespmem:s26+$0xFFFFFFC0]  }
0xe7: {  	v8 =	vadd.f32 v22, v8;
	v9 =	vadd.f32 v23, v9;
	v22 =	vld [tilespmem:s26+$0xFFFFFFD0]  }
0xe8: {  	v10 =	vadd.f32 v24, v10;
	v11 =	vadd.f32 v25, v11;
	v23 =	vld [tilespmem:s26+$0xFFFFFF40]  }
0xe9: {  	v8 =	vadd.f32 v17, v8;
	v9 =	vadd.f32 v21, v9;
	v24 =	vld [tilespmem:s26+$0xFFFFFF50]  }
0xea: {  	v10 =	vadd.f32 v26, v10;
	v17 =	vld [tilespmem:s26+$0xFFFFFF60];
	v11 =	vadd.f32 v27, v11  }
0xeb: {  	s25 =	sadd.s32 $0x4, s25;
	v8 =	vadd.f32 v12, v8;
	v9 =	vadd.f32 v13, v9;
	v21 =	vld [tilespmem:s26+$0xFFFFFF70]  }
0xec: {  	p0 =	slt.u32 s25, $0x60;
	v10 =	vadd.f32 v14, v10;
	v12 =	vld [tilespmem:s26+$0xFFFFFFE0];
	v11 =	vadd.f32 v15, v11  }
.Ltmp2:
0xed: {  	v8 =	vadd.f32 v2, v8;
	v9 =	vadd.f32 v7, v9;
	v15 =	vld [tilespmem:s26+$0xFFFFFFF0];
	(pc) =	sbr.rel @p0 .LBB2_7-.Ltmp2, $4  }
0xee: {  	v10 =	vadd.f32 v18, v10;
	v13 =	vld [tilespmem:s26+$0x60];
	v11 =	vadd.f32 v16, v11  }
0xef: {  	v2 =	vadd.f32 v23, v19;
	v7 =	vadd.f32 v24, v20;
	v16 =	vld [tilespmem:s26+$0x70]  }
0xf0: {  	v18 =	vadd.f32 v17, v3;
	v19 =	vadd.f32 v21, v6;
	v14 =	vld [tilespmem:s26+$0xE0]  }
0xf1: {  	v20 =	vadd.f32 v28, v2;
	v21 =	vadd.f32 v22, v7;
	v17 =	vld [tilespmem:s26+$0xF0];
	s26 =	sadd.s32 $0x200, s26  }
0xf2: {  	s23 =	sadd.s32 $0x300, s23  }
0xf3: {  	[tilespmem:s13], [sflag:$0x3] =	stream.indirect.gather [hbm4b:s2+s8], $0x80, s23, s8, $0xb8;
	[tilespmem:$0x10000] =	vst v63  }
0xf4: {  	_ =	swait.ge [sflag:s18], $0x3200  }
0xf5: {  	[sflag:s18] =	ssyncset.done $0x0  }
0xf6: {  	s25 =	simm.s32 $0xBD00;
	[sflag:s18] =	ssyncadd.s32 $0xFFFFCE00  }
0xf7: {  	v22 =	vld [tilespmem:s25+$0x80]  }
0xf8: {  	v23 =	vld [tilespmem:s25+$0x90]  }
0xf9: {  	v24 =	vld [tilespmem:s25+$0xA0]  }
0xfa: {  	v25 =	vld [tilespmem:s25+$0xB0]  }
0xfb: {  	v2 =	vld [tilespmem:s25+$0xC0]  }
0xfc: {  	v3 =	vld [tilespmem:s25+$0xD0]  }
0xfd: {  	v26 =	vld [tilespmem:s25+$0x0]  }
0xfe: {  	v27 =	vld [tilespmem:s25+$0x10]  }
0xff: {  	v28 =	vld [tilespmem:s25+$0x20]  }
0x100: {  	v29 =	vld [tilespmem:s25+$0x30]  }
0x101: {  	v7 =	vld [tilespmem:s25+$0x40]  }
0x102: {  	v6 =	vld [tilespmem:s25+$0x50]  }
0x103: {  	v30 =	vld [tilespmem:s25+$0xFFFFFF80]  }
0x104: {  	v31 =	vld [tilespmem:s25+$0xFFFFFF90]  }
0x105: {  	v12 =	vadd.f32 v12, v18;
	v32 =	vld [tilespmem:s25+$0xFFFFFF00]  }
0x106: {  	v33 =	vld [tilespmem:s25+$0xFFFFFF10]  }
0x107: {  	v15 =	vadd.f32 v15, v19;
	v12 =	vadd.f32 v13, v12;
	v18 =	vld [tilespmem:s25+$0xFFFFFF20]  }
0x108: {  	v4 =	vadd.f32 v4, v20;
	v5 =	vadd.f32 v5, v21;
	v19 =	vld [tilespmem:s25+$0xFFFFFF30]  }
0x109: {  	v13 =	vadd.f32 v16, v15;
	v14 =	vadd.f32 v14, v12;
	v12 =	vld [tilespmem:s25+$0xFFFFFF50]  }
0x10a: {  	v16 =	vadd.f32 v0, v4;
	v15 =	vld [tilespmem:s25+$0xFFFFFFA0]  }
0x10b: {  	v62 =	vadd.f32 v1, v5;
	v13 =	vadd.f32 v17, v13;
	v0 =	vld [tilespmem:s25+$0xFFFFFFB0]  }
0x10c: {  	v17 =	vld [tilespmem:s25+$0xFFFFFFC0];
	v1 =	vadd.f32 v32, v8;
	v4 =	vadd.f32 v33, v9  }
0x10d: {  	v5 =	vadd.f32 v18, v10;
	v8 =	vadd.f32 v19, v11;
	v11 =	vld [tilespmem:s25+$0xFFFFFF40]  }
0x10e: {  	v63 =	vld [tilespmem:s25+$0xFFFFFFD0];
	v20 =	vadd.f32 v12, v62;
	v1 =	vadd.f32 v30, v1  }
0x10f: {  	v18 =	vld [tilespmem:s25+$0xFFFFFF60];
	v4 =	vadd.f32 v31, v4;
	v5 =	vadd.f32 v15, v5  }
0x110: {  	v19 =	vld [tilespmem:s25+$0xFFFFFF70];
	v0 =	vadd.f32 v0, v8;
	v1 =	vadd.f32 v26, v1  }
0x111: {  	v10 =	vld [tilespmem:s25+$0xFFFFFFF0];
	v4 =	vadd.f32 v27, v4;
	v15 =	vadd.f32 v28, v5  }
0x112: {  	v8 =	vld [tilespmem:s25+$0xFFFFFFE0];
	v0 =	vadd.f32 v29, v0;
	v16 =	vadd.f32 v11, v16  }
0x113: {  	v9 =	vld [tilespmem:s25+$0x60];
	v5 =	vadd.f32 v22, v1;
	v4 =	vadd.f32 v23, v4  }
0x114: {  	v12 =	vld [tilespmem:s25+$0x70];
	v1 =	vadd.f32 v24, v15;
	v0 =	vadd.f32 v25, v0  }
0x115: {  	v11 =	vld [tilespmem:s25+$0xE0];
	v15 =	vadd.f32 v18, v14;
	v14 =	vadd.f32 v19, v13  }
0x116: {  	s23 =	simm.s32 $0x0;
	v13 =	vld [tilespmem:s25+$0xF0];
	s25 =	simm.s32 $0xBF00;
	v17 =	vadd.f32 v17, v16;
	v16 =	vadd.f32 v63, v20  }
.LBB2_9:
0x117: {  	v18 =	vld [tilespmem:s25+$0x80];
	v8 =	vadd.f32 v8, v15;
	v10 =	vadd.f32 v10, v14  }
0x118: {  	v14 =	vld [tilespmem:s25+$0x90];
	v7 =	vadd.f32 v7, v17;
	v6 =	vadd.f32 v6, v16  }
0x119: {  	v15 =	vld [tilespmem:s25+$0xA0];
	v8 =	vadd.f32 v9, v8;
	v9 =	vadd.f32 v12, v10  }
0x11a: {  	v12 =	vld [tilespmem:s25+$0xB0];
	v16 =	vadd.f32 v2, v7;
	v17 =	vadd.f32 v3, v6  }
0x11b: {  	v2 =	vld [tilespmem:s25+$0xC0];
	v11 =	vadd.f32 v11, v8;
	v13 =	vadd.f32 v13, v9  }
0x11c: {  	v3 =	vld [tilespmem:s25+$0xD0]  }
0x11d: {  	v8 =	vld [tilespmem:s25+$0x0]  }
0x11e: {  	v9 =	vld [tilespmem:s25+$0x10]  }
0x11f: {  	v10 =	vld [tilespmem:s25+$0x20]  }
0x120: {  	v19 =	vld [tilespmem:s25+$0x30]  }
0x121: {  	v7 =	vld [tilespmem:s25+$0x40]  }
0x122: {  	v6 =	vld [tilespmem:s25+$0x50]  }
0x123: {  	v20 =	vld [tilespmem:s25+$0xFFFFFF80]  }
0x124: {  	v21 =	vld [tilespmem:s25+$0xFFFFFF90]  }
0x125: {  	v22 =	vld [tilespmem:s25+$0xFFFFFF00]  }
0x126: {  	v23 =	vld [tilespmem:s25+$0xFFFFFF10]  }
0x127: {  	v24 =	vld [tilespmem:s25+$0xFFFFFF20]  }
0x128: {  	v25 =	vld [tilespmem:s25+$0xFFFFFF30]  }
0x129: {  	v26 =	vld [tilespmem:s25+$0xFFFFFFA0]  }
0x12a: {  	v27 =	vld [tilespmem:s25+$0xFFFFFFB0]  }
0x12b: {  	v28 =	vld [tilespmem:s25+$0xFFFFFFC0]  }
0x12c: {  	v5 =	vadd.f32 v22, v5;
	v4 =	vadd.f32 v23, v4;
	v22 =	vld [tilespmem:s25+$0xFFFFFFD0]  }
0x12d: {  	v1 =	vadd.f32 v24, v1;
	v0 =	vadd.f32 v25, v0;
	v23 =	vld [tilespmem:s25+$0xFFFFFF40]  }
0x12e: {  	v5 =	vadd.f32 v20, v5;
	v4 =	vadd.f32 v21, v4;
	v24 =	vld [tilespmem:s25+$0xFFFFFF50]  }
0x12f: {  	v1 =	vadd.f32 v26, v1;
	v20 =	vld [tilespmem:s25+$0xFFFFFF60];
	v0 =	vadd.f32 v27, v0  }
0x130: {  	s23 =	sadd.s32 $0x4, s23;
	v5 =	vadd.f32 v8, v5;
	v4 =	vadd.f32 v9, v4;
	v21 =	vld [tilespmem:s25+$0xFFFFFF70]  }
0x131: {  	p0 =	slt.u32 s23, $0x60;
	v1 =	vadd.f32 v10, v1;
	v8 =	vld [tilespmem:s25+$0xFFFFFFE0];
	v0 =	vadd.f32 v19, v0  }
.Ltmp3:
0x132: {  	v5 =	vadd.f32 v18, v5;
	v4 =	vadd.f32 v14, v4;
	v10 =	vld [tilespmem:s25+$0xFFFFFFF0];
	(pc) =	sbr.rel @p0 .LBB2_9-.Ltmp3, $4  }
0x133: {  	v1 =	vadd.f32 v15, v1;
	v9 =	vld [tilespmem:s25+$0x60];
	v0 =	vadd.f32 v12, v0  }
0x134: {  	v16 =	vadd.f32 v23, v16;
	v18 =	vadd.f32 v24, v17;
	v12 =	vld [tilespmem:s25+$0x70]  }
0x135: {  	v15 =	vadd.f32 v20, v11;
	v14 =	vadd.f32 v21, v13;
	v11 =	vld [tilespmem:s25+$0xE0]  }
0x136: {  	v17 =	vadd.f32 v28, v16;
	v16 =	vadd.f32 v22, v18;
	v13 =	vld [tilespmem:s25+$0xF0];
	s25 =	sadd.s32 $0x200, s25  }
0x137: {  	_ = 	snop  }
0x138: {  	v8 =	vadd.f32 v8, v15;
	[tilespmem:s24+$0xF080] =	vst v5;
	v7 =	vadd.f32 v7, v17  }
0x139: {  	v60 =	vadd.f32 v10, v14;
	[tilespmem:s24+$0xF090] =	vst v4;
	s22 =	sadd.s32 $0x1, s22;
	v6 =	vadd.f32 v6, v16  }
0x13a: {  	[tilespmem:s24+$0xF0A0] =	vst v1;
	p0 =	sne.s32 s22, $0xF;
	v61 =	vadd.f32 v9, v8;
	v2 =	vadd.f32 v2, v7  }
.Ltmp4:
0x13b: {  	[tilespmem:s24+$0xF0B0] =	vst v0;
	v62 =	vadd.f32 v12, v60;
	v3 =	vadd.f32 v3, v6;
	(pc) =	sbr.rel @p0 .LBB2_2-.Ltmp4, $4  }
0x13c: {  	v63 =	vadd.f32 v11, v61;
	[tilespmem:s24+$0xF0C0] =	vst v2  }
0x13d: {  	v1 =	vadd.f32 v13, v62;
	[tilespmem:s24+$0xF0D0] =	vst v3  }
0x13e: {  	[tilespmem:s24+$0xF0E0] =	vst v63  }
0x13f: {  	[tilespmem:s24+$0xF0F0] =	vst v1  }
0x140: {  	[tilespmem:s14], [sflag:$0x4] =	stream.indirect.gather [hbm4b:s2+s8], $0x80, s19, s8, $0xb8;
	[tilespmem:$0x10000] =	vst v63  }
0x141: {  	_ =	swait.ge [sflag:s15], $0x3200  }
0x142: {  	[sflag:s15] =	ssyncset.done $0x0  }
0x143: {  	s23 =	simm.s32 $0x2100;
	[sflag:s15] =	ssyncadd.s32 $0xFFFFCE00  }
0x144: {  	v2 =	vld [tilespmem:s23+$0x80]  }
0x145: {  	v3 =	vld [tilespmem:s23+$0x90]  }
0x146: {  	v6 =	vld [tilespmem:s23+$0xA0]  }
0x147: {  	v7 =	vld [tilespmem:s23+$0xB0]  }
0x148: {  	v0 =	vld [tilespmem:s23+$0xC0]  }
0x149: {  	v1 =	vld [tilespmem:s23+$0xD0]  }
0x14a: {  	v8 =	vld [tilespmem:s23+$0x0]  }
0x14b: {  	v9 =	vld [tilespmem:s23+$0x10]  }
0x14c: {  	v10 =	vld [tilespmem:s23+$0x20]  }
0x14d: {  	v11 =	vld [tilespmem:s23+$0x30]  }
0x14e: {  	v4 =	vld [tilespmem:s23+$0x40]  }
0x14f: {  	v5 =	vld [tilespmem:s23+$0x50]  }
0x150: {  	v12 =	vld [tilespmem:s23+$0xFFFFFF80]  }
0x151: {  	v13 =	vld [tilespmem:s23+$0xFFFFFF90]  }
0x152: {  	v14 =	vld [tilespmem:s23+$0xFFFFFF00]  }
0x153: {  	v15 =	vld [tilespmem:s23+$0xFFFFFF10]  }
0x154: {  	v16 =	vld [tilespmem:s23+$0xFFFFFF20]  }
0x155: {  	v17 =	vld [tilespmem:s23+$0xFFFFFF30]  }
0x156: {  	v18 =	vld [tilespmem:s23+$0xFFFFFFA0]  }
0x157: {  	v19 =	vld [tilespmem:s23+$0xFFFFFFB0]  }
0x158: {  	v20 =	vimm.f32 $0.0e+00;
	v21 =	vld [tilespmem:s23+$0xFFFFFFC0]  }
0x159: {  	v22 =	vld [tilespmem:s23+$0xFFFFFFD0];
	v14 =	vadd.f32 v14, v20;
	v15 =	vadd.f32 v15, v20  }
0x15a: {  	v23 =	vld [tilespmem:s23+$0xFFFFFF40];
	v16 =	vadd.f32 v16, v20;
	v17 =	vadd.f32 v17, v20  }
0x15b: {  	v24 =	vld [tilespmem:s23+$0xFFFFFF50];
	v12 =	vadd.f32 v12, v14;
	v13 =	vadd.f32 v13, v15  }
0x15c: {  	v14 =	vld [tilespmem:s23+$0xFFFFFF60];
	v15 =	vadd.f32 v18, v16;
	v16 =	vadd.f32 v19, v17  }
0x15d: {  	v17 =	vld [tilespmem:s23+$0xFFFFFF70];
	v8 =	vadd.f32 v8, v12;
	v9 =	vadd.f32 v9, v13  }
0x15e: {  	v12 =	vld [tilespmem:s23+$0xFFFFFFE0];
	v10 =	vadd.f32 v10, v15;
	v11 =	vadd.f32 v11, v16  }
0x15f: {  	v15 =	vld [tilespmem:s23+$0xFFFFFFF0];
	v8 =	vadd.f32 v2, v8;
	v9 =	vadd.f32 v3, v9  }
0x160: {  	v13 =	vld [tilespmem:s23+$0x60];
	v10 =	vadd.f32 v6, v10;
	v11 =	vadd.f32 v7, v11  }
0x161: {  	v16 =	vld [tilespmem:s23+$0x70];
	v2 =	vadd.f32 v23, v20;
	v3 =	vadd.f32 v24, v20  }
0x162: {  	v18 =	vadd.f32 v14, v20;
	v19 =	vadd.f32 v17, v20;
	v14 =	vld [tilespmem:s23+$0xE0]  }
0x163: {  	s22 =	simm.s32 $0x0;
	v17 =	vld [tilespmem:s23+$0xF0];
	s23 =	simm.s32 $0x2300;
	v20 =	vadd.f32 v21, v2;
	v21 =	vadd.f32 v22, v3  }
.LBB2_12:
0x164: {  	v2 =	vld [tilespmem:s23+$0x80];
	v3 =	vadd.f32 v12, v18;
	v6 =	vadd.f32 v15, v19  }
0x165: {  	v7 =	vld [tilespmem:s23+$0x90];
	v4 =	vadd.f32 v4, v20;
	v5 =	vadd.f32 v5, v21  }
0x166: {  	v18 =	vld [tilespmem:s23+$0xA0];
	v3 =	vadd.f32 v13, v3;
	v6 =	vadd.f32 v16, v6  }
0x167: {  	v16 =	vld [tilespmem:s23+$0xB0];
	v19 =	vadd.f32 v0, v4;
	v20 =	vadd.f32 v1, v5  }
0x168: {  	v0 =	vld [tilespmem:s23+$0xC0];
	v3 =	vadd.f32 v14, v3;
	v6 =	vadd.f32 v17, v6  }
0x169: {  	v1 =	vld [tilespmem:s23+$0xD0]  }
0x16a: {  	v12 =	vld [tilespmem:s23+$0x0]  }
0x16b: {  	v13 =	vld [tilespmem:s23+$0x10]  }
0x16c: {  	v14 =	vld [tilespmem:s23+$0x20]  }
0x16d: {  	v15 =	vld [tilespmem:s23+$0x30]  }
0x16e: {  	v4 =	vld [tilespmem:s23+$0x40]  }
0x16f: {  	v5 =	vld [tilespmem:s23+$0x50]  }
0x170: {  	v17 =	vld [tilespmem:s23+$0xFFFFFF80]  }
0x171: {  	v21 =	vld [tilespmem:s23+$0xFFFFFF90]  }
0x172: {  	v22 =	vld [tilespmem:s23+$0xFFFFFF00]  }
0x173: {  	v23 =	vld [tilespmem:s23+$0xFFFFFF10]  }
0x174: {  	v24 =	vld [tilespmem:s23+$0xFFFFFF20]  }
0x175: {  	v25 =	vld [tilespmem:s23+$0xFFFFFF30]  }
0x176: {  	v26 =	vld [tilespmem:s23+$0xFFFFFFA0]  }
0x177: {  	v27 =	vld [tilespmem:s23+$0xFFFFFFB0]  }
0x178: {  	v28 =	vld [tilespmem:s23+$0xFFFFFFC0]  }
0x179: {  	v8 =	vadd.f32 v22, v8;
	v9 =	vadd.f32 v23, v9;
	v22 =	vld [tilespmem:s23+$0xFFFFFFD0]  }
0x17a: {  	v10 =	vadd.f32 v24, v10;
	v11 =	vadd.f32 v25, v11;
	v23 =	vld [tilespmem:s23+$0xFFFFFF40]  }
0x17b: {  	v8 =	vadd.f32 v17, v8;
	v9 =	vadd.f32 v21, v9;
	v24 =	vld [tilespmem:s23+$0xFFFFFF50]  }
0x17c: {  	v10 =	vadd.f32 v26, v10;
	v17 =	vld [tilespmem:s23+$0xFFFFFF60];
	v11 =	vadd.f32 v27, v11  }
0x17d: {  	s22 =	sadd.s32 $0x4, s22;
	v8 =	vadd.f32 v12, v8;
	v9 =	vadd.f32 v13, v9;
	v21 =	vld [tilespmem:s23+$0xFFFFFF70]  }
0x17e: {  	p0 =	slt.u32 s22, $0x60;
	v10 =	vadd.f32 v14, v10;
	v12 =	vld [tilespmem:s23+$0xFFFFFFE0];
	v11 =	vadd.f32 v15, v11  }
.Ltmp5:
0x17f: {  	v8 =	vadd.f32 v2, v8;
	v9 =	vadd.f32 v7, v9;
	v15 =	vld [tilespmem:s23+$0xFFFFFFF0];
	(pc) =	sbr.rel @p0 .LBB2_12-.Ltmp5, $4  }
0x180: {  	v10 =	vadd.f32 v18, v10;
	v13 =	vld [tilespmem:s23+$0x60];
	v11 =	vadd.f32 v16, v11  }
0x181: {  	v2 =	vadd.f32 v23, v19;
	v7 =	vadd.f32 v24, v20;
	v16 =	vld [tilespmem:s23+$0x70]  }
0x182: {  	v18 =	vadd.f32 v17, v3;
	v19 =	vadd.f32 v21, v6;
	v14 =	vld [tilespmem:s23+$0xE0]  }
0x183: {  	v20 =	vadd.f32 v28, v2;
	v21 =	vadd.f32 v22, v7;
	v17 =	vld [tilespmem:s23+$0xF0];
	s23 =	sadd.s32 $0x200, s23  }
0x184: {  	_ =	swait.ge [sflag:s16], $0x3200  }
0x185: {  	[sflag:s16] =	ssyncset.done $0x0  }
0x186: {  	s23 =	simm.s32 $0x5500;
	[sflag:s16] =	ssyncadd.s32 $0xFFFFCE00  }
0x187: {  	v22 =	vld [tilespmem:s23+$0x80]  }
0x188: {  	v23 =	vld [tilespmem:s23+$0x90]  }
0x189: {  	v24 =	vld [tilespmem:s23+$0xA0]  }
0x18a: {  	v25 =	vld [tilespmem:s23+$0xB0]  }
0x18b: {  	v2 =	vld [tilespmem:s23+$0xC0]  }
0x18c: {  	v3 =	vld [tilespmem:s23+$0xD0]  }
0x18d: {  	v26 =	vld [tilespmem:s23+$0x0]  }
0x18e: {  	v27 =	vld [tilespmem:s23+$0x10]  }
0x18f: {  	v28 =	vld [tilespmem:s23+$0x20]  }
0x190: {  	v29 =	vld [tilespmem:s23+$0x30]  }
0x191: {  	v7 =	vld [tilespmem:s23+$0x40]  }
0x192: {  	v6 =	vld [tilespmem:s23+$0x50]  }
0x193: {  	v30 =	vld [tilespmem:s23+$0xFFFFFF80]  }
0x194: {  	v31 =	vld [tilespmem:s23+$0xFFFFFF90]  }
0x195: {  	v12 =	vadd.f32 v12, v18;
	v32 =	vld [tilespmem:s23+$0xFFFFFF00]  }
0x196: {  	v33 =	vld [tilespmem:s23+$0xFFFFFF10]  }
0x197: {  	v15 =	vadd.f32 v15, v19;
	v12 =	vadd.f32 v13, v12;
	v18 =	vld [tilespmem:s23+$0xFFFFFF20]  }
0x198: {  	v4 =	vadd.f32 v4, v20;
	v5 =	vadd.f32 v5, v21;
	v19 =	vld [tilespmem:s23+$0xFFFFFF30]  }
0x199: {  	v13 =	vadd.f32 v16, v15;
	v14 =	vadd.f32 v14, v12;
	v12 =	vld [tilespmem:s23+$0xFFFFFF50]  }
0x19a: {  	v15 =	vld [tilespmem:s23+$0xFFFFFFA0];
	v16 =	vadd.f32 v0, v4  }
0x19b: {  	v62 =	vadd.f32 v1, v5;
	v0 =	vld [tilespmem:s23+$0xFFFFFFB0];
	v13 =	vadd.f32 v17, v13  }
0x19c: {  	v63 =	vld [tilespmem:s23+$0xFFFFFFD0];
	v1 =	vadd.f32 v32, v8;
	v4 =	vadd.f32 v33, v9  }
0x19d: {  	v5 =	vadd.f32 v18, v10;
	v8 =	vadd.f32 v19, v11;
	v11 =	vld [tilespmem:s23+$0xFFFFFF40]  }
0x19e: {  	v17 =	vld [tilespmem:s23+$0xFFFFFFC0];
	v20 =	vadd.f32 v12, v62;
	v1 =	vadd.f32 v30, v1  }
0x19f: {  	v18 =	vld [tilespmem:s23+$0xFFFFFF60];
	v4 =	vadd.f32 v31, v4;
	v5 =	vadd.f32 v15, v5  }
0x1a0: {  	v19 =	vld [tilespmem:s23+$0xFFFFFF70];
	v0 =	vadd.f32 v0, v8;
	v1 =	vadd.f32 v26, v1  }
0x1a1: {  	v10 =	vld [tilespmem:s23+$0xFFFFFFF0];
	v4 =	vadd.f32 v27, v4;
	v15 =	vadd.f32 v28, v5  }
0x1a2: {  	v8 =	vld [tilespmem:s23+$0xFFFFFFE0];
	v0 =	vadd.f32 v29, v0;
	v16 =	vadd.f32 v11, v16  }
0x1a3: {  	v9 =	vld [tilespmem:s23+$0x60];
	v5 =	vadd.f32 v22, v1;
	v4 =	vadd.f32 v23, v4  }
0x1a4: {  	v12 =	vld [tilespmem:s23+$0x70];
	v1 =	vadd.f32 v24, v15;
	v0 =	vadd.f32 v25, v0  }
0x1a5: {  	v11 =	vld [tilespmem:s23+$0xE0];
	v15 =	vadd.f32 v18, v14;
	v14 =	vadd.f32 v19, v13  }
0x1a6: {  	s22 =	simm.s32 $0x0;
	v13 =	vld [tilespmem:s23+$0xF0];
	s23 =	simm.s32 $0x5700;
	v17 =	vadd.f32 v17, v16;
	v16 =	vadd.f32 v63, v20  }
.LBB2_14:
0x1a7: {  	v18 =	vld [tilespmem:s23+$0x80];
	v8 =	vadd.f32 v8, v15;
	v10 =	vadd.f32 v10, v14  }
0x1a8: {  	v14 =	vld [tilespmem:s23+$0x90];
	v7 =	vadd.f32 v7, v17;
	v6 =	vadd.f32 v6, v16  }
0x1a9: {  	v15 =	vld [tilespmem:s23+$0xA0];
	v8 =	vadd.f32 v9, v8;
	v9 =	vadd.f32 v12, v10  }
0x1aa: {  	v12 =	vld [tilespmem:s23+$0xB0];
	v16 =	vadd.f32 v2, v7;
	v17 =	vadd.f32 v3, v6  }
0x1ab: {  	v2 =	vld [tilespmem:s23+$0xC0];
	v11 =	vadd.f32 v11, v8;
	v13 =	vadd.f32 v13, v9  }
0x1ac: {  	v3 =	vld [tilespmem:s23+$0xD0]  }
0x1ad: {  	v8 =	vld [tilespmem:s23+$0x0]  }
0x1ae: {  	v9 =	vld [tilespmem:s23+$0x10]  }
0x1af: {  	v10 =	vld [tilespmem:s23+$0x20]  }
0x1b0: {  	v19 =	vld [tilespmem:s23+$0x30]  }
0x1b1: {  	v7 =	vld [tilespmem:s23+$0x40]  }
0x1b2: {  	v6 =	vld [tilespmem:s23+$0x50]  }
0x1b3: {  	v20 =	vld [tilespmem:s23+$0xFFFFFF80]  }
0x1b4: {  	v21 =	vld [tilespmem:s23+$0xFFFFFF90]  }
0x1b5: {  	v22 =	vld [tilespmem:s23+$0xFFFFFF00]  }
0x1b6: {  	v23 =	vld [tilespmem:s23+$0xFFFFFF10]  }
0x1b7: {  	v24 =	vld [tilespmem:s23+$0xFFFFFF20]  }
0x1b8: {  	v25 =	vld [tilespmem:s23+$0xFFFFFF30]  }
0x1b9: {  	v26 =	vld [tilespmem:s23+$0xFFFFFFA0]  }
0x1ba: {  	v27 =	vld [tilespmem:s23+$0xFFFFFFB0]  }
0x1bb: {  	v28 =	vld [tilespmem:s23+$0xFFFFFFC0]  }
0x1bc: {  	v5 =	vadd.f32 v22, v5;
	v4 =	vadd.f32 v23, v4;
	v22 =	vld [tilespmem:s23+$0xFFFFFFD0]  }
0x1bd: {  	v1 =	vadd.f32 v24, v1;
	v0 =	vadd.f32 v25, v0;
	v23 =	vld [tilespmem:s23+$0xFFFFFF40]  }
0x1be: {  	v5 =	vadd.f32 v20, v5;
	v4 =	vadd.f32 v21, v4;
	v24 =	vld [tilespmem:s23+$0xFFFFFF50]  }
0x1bf: {  	v1 =	vadd.f32 v26, v1;
	v20 =	vld [tilespmem:s23+$0xFFFFFF60];
	v0 =	vadd.f32 v27, v0  }
0x1c0: {  	s22 =	sadd.s32 $0x4, s22;
	v5 =	vadd.f32 v8, v5;
	v4 =	vadd.f32 v9, v4;
	v21 =	vld [tilespmem:s23+$0xFFFFFF70]  }
0x1c1: {  	p0 =	slt.u32 s22, $0x60;
	v1 =	vadd.f32 v10, v1;
	v8 =	vld [tilespmem:s23+$0xFFFFFFE0];
	v0 =	vadd.f32 v19, v0  }
.Ltmp6:
0x1c2: {  	v5 =	vadd.f32 v18, v5;
	v4 =	vadd.f32 v14, v4;
	v10 =	vld [tilespmem:s23+$0xFFFFFFF0];
	(pc) =	sbr.rel @p0 .LBB2_14-.Ltmp6, $4  }
0x1c3: {  	v1 =	vadd.f32 v15, v1;
	v9 =	vld [tilespmem:s23+$0x60];
	v0 =	vadd.f32 v12, v0  }
0x1c4: {  	v16 =	vadd.f32 v23, v16;
	v18 =	vadd.f32 v24, v17;
	v12 =	vld [tilespmem:s23+$0x70]  }
0x1c5: {  	v15 =	vadd.f32 v20, v11;
	v14 =	vadd.f32 v21, v13;
	v11 =	vld [tilespmem:s23+$0xE0]  }
0x1c6: {  	v17 =	vadd.f32 v28, v16;
	v16 =	vadd.f32 v22, v18;
	v13 =	vld [tilespmem:s23+$0xF0];
	s23 =	sadd.s32 $0x200, s23  }
0x1c7: {  	_ = 	snop  }
0x1c8: {  	v8 =	vadd.f32 v8, v15;
	[tilespmem:$0xFF00] =	vst v5;
	v7 =	vadd.f32 v7, v17  }
0x1c9: {  	v5 =	vadd.f32 v10, v14;
	[tilespmem:$0xFF10] =	vst v4;
	v6 =	vadd.f32 v6, v16  }
0x1ca: {  	[tilespmem:$0xFF20] =	vst v1;
	v4 =	vadd.f32 v9, v8;
	v2 =	vadd.f32 v2, v7  }
0x1cb: {  	[tilespmem:$0xFF30] =	vst v0;
	v1 =	vadd.f32 v12, v5;
	v3 =	vadd.f32 v3, v6  }
0x1cc: {  	v0 =	vadd.f32 v11, v4;
	[tilespmem:$0xFF40] =	vst v2  }
0x1cd: {  	v1 =	vadd.f32 v13, v1;
	[tilespmem:$0xFF50] =	vst v3  }
0x1ce: {  	[tilespmem:$0xFF60] =	vst v0  }
0x1cf: {  	[tilespmem:$0xFF70] =	vst v1  }
0x1d0: {  	_ =	swait.ge [sflag:s17], $0x3200  }
0x1d1: {  	[sflag:s17] =	ssyncset.done $0x0  }
0x1d2: {  	s23 =	simm.s32 $0x8900;
	[sflag:s17] =	ssyncadd.s32 $0xFFFFCE00  }
0x1d3: {  	v2 =	vld [tilespmem:s23+$0x80]  }
0x1d4: {  	v3 =	vld [tilespmem:s23+$0x90]  }
0x1d5: {  	v6 =	vld [tilespmem:s23+$0xA0]  }
0x1d6: {  	v7 =	vld [tilespmem:s23+$0xB0]  }
0x1d7: {  	v0 =	vld [tilespmem:s23+$0xC0]  }
0x1d8: {  	v1 =	vld [tilespmem:s23+$0xD0]  }
0x1d9: {  	v8 =	vld [tilespmem:s23+$0x0]  }
0x1da: {  	v9 =	vld [tilespmem:s23+$0x10]  }
0x1db: {  	v10 =	vld [tilespmem:s23+$0x20]  }
0x1dc: {  	v11 =	vld [tilespmem:s23+$0x30]  }
0x1dd: {  	v4 =	vld [tilespmem:s23+$0x40]  }
0x1de: {  	v5 =	vld [tilespmem:s23+$0x50]  }
0x1df: {  	v12 =	vld [tilespmem:s23+$0xFFFFFF80]  }
0x1e0: {  	v13 =	vld [tilespmem:s23+$0xFFFFFF90]  }
0x1e1: {  	v14 =	vld [tilespmem:s23+$0xFFFFFF00]  }
0x1e2: {  	v15 =	vld [tilespmem:s23+$0xFFFFFF10]  }
0x1e3: {  	v16 =	vld [tilespmem:s23+$0xFFFFFF20]  }
0x1e4: {  	v17 =	vld [tilespmem:s23+$0xFFFFFF30]  }
0x1e5: {  	v18 =	vld [tilespmem:s23+$0xFFFFFFA0]  }
0x1e6: {  	v19 =	vld [tilespmem:s23+$0xFFFFFFB0]  }
0x1e7: {  	v20 =	vimm.f32 $0.0e+00;
	v21 =	vld [tilespmem:s23+$0xFFFFFFC0]  }
0x1e8: {  	v22 =	vld [tilespmem:s23+$0xFFFFFFD0];
	v14 =	vadd.f32 v14, v20;
	v15 =	vadd.f32 v15, v20  }
0x1e9: {  	v23 =	vld [tilespmem:s23+$0xFFFFFF40];
	v16 =	vadd.f32 v16, v20;
	v17 =	vadd.f32 v17, v20  }
0x1ea: {  	v24 =	vld [tilespmem:s23+$0xFFFFFF50];
	v12 =	vadd.f32 v12, v14;
	v13 =	vadd.f32 v13, v15  }
0x1eb: {  	v14 =	vld [tilespmem:s23+$0xFFFFFF60];
	v15 =	vadd.f32 v18, v16;
	v16 =	vadd.f32 v19, v17  }
0x1ec: {  	v17 =	vld [tilespmem:s23+$0xFFFFFF70];
	v8 =	vadd.f32 v8, v12;
	v9 =	vadd.f32 v9, v13  }
0x1ed: {  	v12 =	vld [tilespmem:s23+$0xFFFFFFE0];
	v10 =	vadd.f32 v10, v15;
	v11 =	vadd.f32 v11, v16  }
0x1ee: {  	v15 =	vld [tilespmem:s23+$0xFFFFFFF0];
	v8 =	vadd.f32 v2, v8;
	v9 =	vadd.f32 v3, v9  }
0x1ef: {  	v13 =	vld [tilespmem:s23+$0x60];
	v10 =	vadd.f32 v6, v10;
	v11 =	vadd.f32 v7, v11  }
0x1f0: {  	v16 =	vld [tilespmem:s23+$0x70];
	v2 =	vadd.f32 v23, v20;
	v3 =	vadd.f32 v24, v20  }
0x1f1: {  	v18 =	vadd.f32 v14, v20;
	v19 =	vadd.f32 v17, v20;
	v14 =	vld [tilespmem:s23+$0xE0]  }
0x1f2: {  	s22 =	simm.s32 $0x0;
	v17 =	vld [tilespmem:s23+$0xF0];
	s23 =	simm.s32 $0x8B00;
	v20 =	vadd.f32 v21, v2;
	v21 =	vadd.f32 v22, v3  }
.LBB2_16:
0x1f3: {  	v2 =	vld [tilespmem:s23+$0x80];
	v3 =	vadd.f32 v12, v18;
	v6 =	vadd.f32 v15, v19  }
0x1f4: {  	v7 =	vld [tilespmem:s23+$0x90];
	v4 =	vadd.f32 v4, v20;
	v5 =	vadd.f32 v5, v21  }
0x1f5: {  	v18 =	vld [tilespmem:s23+$0xA0];
	v3 =	vadd.f32 v13, v3;
	v6 =	vadd.f32 v16, v6  }
0x1f6: {  	v16 =	vld [tilespmem:s23+$0xB0];
	v19 =	vadd.f32 v0, v4;
	v20 =	vadd.f32 v1, v5  }
0x1f7: {  	v0 =	vld [tilespmem:s23+$0xC0];
	v3 =	vadd.f32 v14, v3;
	v6 =	vadd.f32 v17, v6  }
0x1f8: {  	v1 =	vld [tilespmem:s23+$0xD0]  }
0x1f9: {  	v12 =	vld [tilespmem:s23+$0x0]  }
0x1fa: {  	v13 =	vld [tilespmem:s23+$0x10]  }
0x1fb: {  	v14 =	vld [tilespmem:s23+$0x20]  }
0x1fc: {  	v15 =	vld [tilespmem:s23+$0x30]  }
0x1fd: {  	v4 =	vld [tilespmem:s23+$0x40]  }
0x1fe: {  	v5 =	vld [tilespmem:s23+$0x50]  }
0x1ff: {  	v17 =	vld [tilespmem:s23+$0xFFFFFF80]  }
0x200: {  	v21 =	vld [tilespmem:s23+$0xFFFFFF90]  }
0x201: {  	v22 =	vld [tilespmem:s23+$0xFFFFFF00]  }
0x202: {  	v23 =	vld [tilespmem:s23+$0xFFFFFF10]  }
0x203: {  	v24 =	vld [tilespmem:s23+$0xFFFFFF20]  }
0x204: {  	v25 =	vld [tilespmem:s23+$0xFFFFFF30]  }
0x205: {  	v26 =	vld [tilespmem:s23+$0xFFFFFFA0]  }
0x206: {  	v27 =	vld [tilespmem:s23+$0xFFFFFFB0]  }
0x207: {  	v28 =	vld [tilespmem:s23+$0xFFFFFFC0]  }
0x208: {  	v8 =	vadd.f32 v22, v8;
	v9 =	vadd.f32 v23, v9;
	v22 =	vld [tilespmem:s23+$0xFFFFFFD0]  }
0x209: {  	v10 =	vadd.f32 v24, v10;
	v11 =	vadd.f32 v25, v11;
	v23 =	vld [tilespmem:s23+$0xFFFFFF40]  }
0x20a: {  	v8 =	vadd.f32 v17, v8;
	v9 =	vadd.f32 v21, v9;
	v24 =	vld [tilespmem:s23+$0xFFFFFF50]  }
0x20b: {  	v10 =	vadd.f32 v26, v10;
	v17 =	vld [tilespmem:s23+$0xFFFFFF60];
	v11 =	vadd.f32 v27, v11  }
0x20c: {  	s22 =	sadd.s32 $0x4, s22;
	v8 =	vadd.f32 v12, v8;
	v9 =	vadd.f32 v13, v9;
	v21 =	vld [tilespmem:s23+$0xFFFFFF70]  }
0x20d: {  	p0 =	slt.u32 s22, $0x60;
	v10 =	vadd.f32 v14, v10;
	v12 =	vld [tilespmem:s23+$0xFFFFFFE0];
	v11 =	vadd.f32 v15, v11  }
.Ltmp7:
0x20e: {  	v8 =	vadd.f32 v2, v8;
	v9 =	vadd.f32 v7, v9;
	v15 =	vld [tilespmem:s23+$0xFFFFFFF0];
	(pc) =	sbr.rel @p0 .LBB2_16-.Ltmp7, $4  }
0x20f: {  	v10 =	vadd.f32 v18, v10;
	v13 =	vld [tilespmem:s23+$0x60];
	v11 =	vadd.f32 v16, v11  }
0x210: {  	v2 =	vadd.f32 v23, v19;
	v7 =	vadd.f32 v24, v20;
	v16 =	vld [tilespmem:s23+$0x70]  }
0x211: {  	v18 =	vadd.f32 v17, v3;
	v19 =	vadd.f32 v21, v6;
	v14 =	vld [tilespmem:s23+$0xE0]  }
0x212: {  	v20 =	vadd.f32 v28, v2;
	v21 =	vadd.f32 v22, v7;
	v17 =	vld [tilespmem:s23+$0xF0];
	s23 =	sadd.s32 $0x200, s23  }
0x213: {  	_ =	swait.ge [sflag:s18], $0x3200  }
0x214: {  	[sflag:s18] =	ssyncset.done $0x0  }
0x215: {  	s23 =	simm.s32 $0xBD00;
	[sflag:s18] =	ssyncadd.s32 $0xFFFFCE00  }
0x216: {  	v22 =	vld [tilespmem:s23+$0x80]  }
0x217: {  	v23 =	vld [tilespmem:s23+$0x90]  }
0x218: {  	v24 =	vld [tilespmem:s23+$0xA0]  }
0x219: {  	v25 =	vld [tilespmem:s23+$0xB0]  }
0x21a: {  	v2 =	vld [tilespmem:s23+$0xC0]  }
0x21b: {  	v3 =	vld [tilespmem:s23+$0xD0]  }
0x21c: {  	v26 =	vld [tilespmem:s23+$0x0]  }
0x21d: {  	v27 =	vld [tilespmem:s23+$0x10]  }
0x21e: {  	v28 =	vld [tilespmem:s23+$0x20]  }
0x21f: {  	v29 =	vld [tilespmem:s23+$0x30]  }
0x220: {  	v7 =	vld [tilespmem:s23+$0x40]  }
0x221: {  	v6 =	vld [tilespmem:s23+$0x50]  }
0x222: {  	v30 =	vld [tilespmem:s23+$0xFFFFFF80]  }
0x223: {  	v31 =	vld [tilespmem:s23+$0xFFFFFF90]  }
0x224: {  	v12 =	vadd.f32 v12, v18;
	v32 =	vld [tilespmem:s23+$0xFFFFFF00]  }
0x225: {  	v33 =	vld [tilespmem:s23+$0xFFFFFF10]  }
0x226: {  	v15 =	vadd.f32 v15, v19;
	v12 =	vadd.f32 v13, v12;
	v18 =	vld [tilespmem:s23+$0xFFFFFF20]  }
0x227: {  	v4 =	vadd.f32 v4, v20;
	v5 =	vadd.f32 v5, v21;
	v19 =	vld [tilespmem:s23+$0xFFFFFF30]  }
0x228: {  	v13 =	vadd.f32 v16, v15;
	v14 =	vadd.f32 v14, v12;
	v12 =	vld [tilespmem:s23+$0xFFFFFF50]  }
0x229: {  	v15 =	vld [tilespmem:s23+$0xFFFFFFA0];
	v16 =	vadd.f32 v0, v4  }
0x22a: {  	v62 =	vadd.f32 v1, v5;
	v0 =	vld [tilespmem:s23+$0xFFFFFFB0];
	v13 =	vadd.f32 v17, v13  }
0x22b: {  	v63 =	vld [tilespmem:s23+$0xFFFFFFD0];
	v1 =	vadd.f32 v32, v8;
	v4 =	vadd.f32 v33, v9  }
0x22c: {  	v5 =	vadd.f32 v18, v10;
	v8 =	vadd.f32 v19, v11;
	v11 =	vld [tilespmem:s23+$0xFFFFFF40]  }
0x22d: {  	v17 =	vld [tilespmem:s23+$0xFFFFFFC0];
	v20 =	vadd.f32 v12, v62;
	v1 =	vadd.f32 v30, v1  }
0x22e: {  	v18 =	vld [tilespmem:s23+$0xFFFFFF60];
	v4 =	vadd.f32 v31, v4;
	v5 =	vadd.f32 v15, v5  }
0x22f: {  	v19 =	vld [tilespmem:s23+$0xFFFFFF70];
	v0 =	vadd.f32 v0, v8;
	v1 =	vadd.f32 v26, v1  }
0x230: {  	v10 =	vld [tilespmem:s23+$0xFFFFFFF0];
	v4 =	vadd.f32 v27, v4;
	v15 =	vadd.f32 v28, v5  }
0x231: {  	v8 =	vld [tilespmem:s23+$0xFFFFFFE0];
	v0 =	vadd.f32 v29, v0;
	v16 =	vadd.f32 v11, v16  }
0x232: {  	v9 =	vld [tilespmem:s23+$0x60];
	v5 =	vadd.f32 v22, v1;
	v4 =	vadd.f32 v23, v4  }
0x233: {  	v12 =	vld [tilespmem:s23+$0x70];
	v1 =	vadd.f32 v24, v15;
	v0 =	vadd.f32 v25, v0  }
0x234: {  	v11 =	vld [tilespmem:s23+$0xE0];
	v15 =	vadd.f32 v18, v14;
	v14 =	vadd.f32 v19, v13  }
0x235: {  	s22 =	simm.s32 $0x0;
	v13 =	vld [tilespmem:s23+$0xF0];
	s23 =	simm.s32 $0xBF00;
	v17 =	vadd.f32 v17, v16;
	v16 =	vadd.f32 v63, v20  }
.LBB2_18:
0x236: {  	v18 =	vld [tilespmem:s23+$0x80];
	v8 =	vadd.f32 v8, v15;
	v10 =	vadd.f32 v10, v14  }
0x237: {  	v14 =	vld [tilespmem:s23+$0x90];
	v7 =	vadd.f32 v7, v17;
	v6 =	vadd.f32 v6, v16  }
0x238: {  	v15 =	vld [tilespmem:s23+$0xA0];
	v8 =	vadd.f32 v9, v8;
	v9 =	vadd.f32 v12, v10  }
0x239: {  	v12 =	vld [tilespmem:s23+$0xB0];
	v16 =	vadd.f32 v2, v7;
	v17 =	vadd.f32 v3, v6  }
0x23a: {  	v2 =	vld [tilespmem:s23+$0xC0];
	v11 =	vadd.f32 v11, v8;
	v13 =	vadd.f32 v13, v9  }
0x23b: {  	v3 =	vld [tilespmem:s23+$0xD0]  }
0x23c: {  	v8 =	vld [tilespmem:s23+$0x0]  }
0x23d: {  	v9 =	vld [tilespmem:s23+$0x10]  }
0x23e: {  	v10 =	vld [tilespmem:s23+$0x20]  }
0x23f: {  	v19 =	vld [tilespmem:s23+$0x30]  }
0x240: {  	v7 =	vld [tilespmem:s23+$0x40]  }
0x241: {  	v6 =	vld [tilespmem:s23+$0x50]  }
0x242: {  	v20 =	vld [tilespmem:s23+$0xFFFFFF80]  }
0x243: {  	v21 =	vld [tilespmem:s23+$0xFFFFFF90]  }
0x244: {  	v22 =	vld [tilespmem:s23+$0xFFFFFF00]  }
0x245: {  	v23 =	vld [tilespmem:s23+$0xFFFFFF10]  }
0x246: {  	v24 =	vld [tilespmem:s23+$0xFFFFFF20]  }
0x247: {  	v25 =	vld [tilespmem:s23+$0xFFFFFF30]  }
0x248: {  	v26 =	vld [tilespmem:s23+$0xFFFFFFA0]  }
0x249: {  	v27 =	vld [tilespmem:s23+$0xFFFFFFB0]  }
0x24a: {  	v28 =	vld [tilespmem:s23+$0xFFFFFFC0]  }
0x24b: {  	v5 =	vadd.f32 v22, v5;
	v4 =	vadd.f32 v23, v4;
	v22 =	vld [tilespmem:s23+$0xFFFFFFD0]  }
0x24c: {  	v1 =	vadd.f32 v24, v1;
	v0 =	vadd.f32 v25, v0;
	v23 =	vld [tilespmem:s23+$0xFFFFFF40]  }
0x24d: {  	v5 =	vadd.f32 v20, v5;
	v4 =	vadd.f32 v21, v4;
	v24 =	vld [tilespmem:s23+$0xFFFFFF50]  }
0x24e: {  	v1 =	vadd.f32 v26, v1;
	v20 =	vld [tilespmem:s23+$0xFFFFFF60];
	v0 =	vadd.f32 v27, v0  }
0x24f: {  	s22 =	sadd.s32 $0x4, s22;
	v5 =	vadd.f32 v8, v5;
	v4 =	vadd.f32 v9, v4;
	v21 =	vld [tilespmem:s23+$0xFFFFFF70]  }
0x250: {  	p0 =	slt.u32 s22, $0x60;
	v1 =	vadd.f32 v10, v1;
	v8 =	vld [tilespmem:s23+$0xFFFFFFE0];
	v0 =	vadd.f32 v19, v0  }
.Ltmp8:
0x251: {  	v5 =	vadd.f32 v18, v5;
	v4 =	vadd.f32 v14, v4;
	v10 =	vld [tilespmem:s23+$0xFFFFFFF0];
	(pc) =	sbr.rel @p0 .LBB2_18-.Ltmp8, $4  }
0x252: {  	v1 =	vadd.f32 v15, v1;
	v9 =	vld [tilespmem:s23+$0x60];
	v0 =	vadd.f32 v12, v0  }
0x253: {  	v16 =	vadd.f32 v23, v16;
	v18 =	vadd.f32 v24, v17;
	v12 =	vld [tilespmem:s23+$0x70]  }
0x254: {  	v15 =	vadd.f32 v20, v11;
	v14 =	vadd.f32 v21, v13;
	v11 =	vld [tilespmem:s23+$0xE0]  }
0x255: {  	v17 =	vadd.f32 v28, v16;
	v16 =	vadd.f32 v22, v18;
	v13 =	vld [tilespmem:s23+$0xF0];
	s23 =	sadd.s32 $0x200, s23  }
0x256: {  	_ = 	snop  }
0x257: {  	v8 =	vadd.f32 v8, v15;
	[tilespmem:$0xFF80] =	vst v5;
	v7 =	vadd.f32 v7, v17  }
0x258: {  	v60 =	vadd.f32 v10, v14;
	[tilespmem:$0xFF90] =	vst v4;
	v6 =	vadd.f32 v6, v16  }
0x259: {  	[tilespmem:$0xFFA0] =	vst v1;
	v61 =	vadd.f32 v9, v8;
	v2 =	vadd.f32 v2, v7  }
0x25a: {  	[tilespmem:$0xFFB0] =	vst v0;
	v62 =	vadd.f32 v12, v60;
	v3 =	vadd.f32 v3, v6  }
0x25b: {  	v63 =	vadd.f32 v11, v61;
	[tilespmem:$0xFFC0] =	vst v2  }
0x25c: {  	s21 =	sadd.s32 $0x1, s21;
	v1 =	vadd.f32 v13, v62;
	[tilespmem:$0xFFD0] =	vst v3  }
0x25d: {  	p0 =	sne.s32 s21, s6;
	[tilespmem:$0xFFE0] =	vst v63  }
.Ltmp9:
0x25e: {  	[tilespmem:$0xFFF0] =	vst v1;
	(pc) =	sbr.rel @p0 .LBB2_1-.Ltmp9, $4  }
0x25f: {  	[hbm4b:s5+s3] =	stream.linear.scatter [tilespmem:s20], [sflag:$0x5], $0x1000, $0x38;
	[tilespmem:$0x10000] =	vst v63  }
0x260: {  	_ =	swait.ge [sflag:s7], $0x1000  }
0x261: {  	[sflag:s7] =	ssyncset.done $0x0  }
0x262: {  	[sflag:s7] =	ssyncadd.s32 $0xFFFFF000  }
0x263: {  	_ =	sfence.sel $0x180000  }
0x264: {  	[bflag:$0x0] =	sbarrier.arrive $0xFFFF  }
0x265: {  	p0 =	sne.s32 s1, $0x0;
	_ =	strace $0x90000047  }
0x266: {  	s0 =	sadd.s32 @!p0 $0x100000, s0;
	[bflag:$0x2] =	sbarrier.arrive $0xFFFF  }
0x267: {  	[sflag:s0] =	ssyncadd.tile.s32 @!p0 $0x1;
	_ =	shalt  }
.Lfunc_end2:
_tile_overlayer_lowered:
.L_overlay_start_2:
0x268: {  	(tag) =	ssettag $0x2  }
0x269: {  	s0 =	rddreg [dreg:$0x0];
	s2 =	stileid.u32  }
0x26a: {  	s1 =	rddreg [dreg:$0x1];
	p0 =	sne.s32 s2, $0x0  }
0x26b: {  	s3 =	rddreg [dreg:$0x2];
	[bflag:$0x3] =	sbarrier.arrive $0xFFFF;
	s2 =	simm.s32 @!p0 $0x1C05  }
0x26c: {  	[timem:s3], [sflag:s2] =	dma.local @!p0 [hbm:s0], s1  }
0x26d: {  	s0 =	simm.s32 @!p0 $0x5  }
0x26e: {  	_ =	swait.ge @!p0 [sflag:s0], s1  }
0x26f: {  	s1 =	ssub.s32 @!p0 $0x0, s1;
	[sflag:s0] =	ssyncset.done @!p0 $0x0  }
0x270: {  	[sflag:s0] =	ssyncadd.s32 @!p0 s1  }
0x271: {  	[bflag:$0x3] =	sbarrier.arrive $0xFFFF  }
0x272: {  	_ =	shalt  }

</sc_bundles>
